<compile_context>
chip_gen: v7x
topology: tpu7x:2x2x1
jax: 0.10.2.dev20260603
libtpu: 0.0.44.dev20260713+nightly
codegen_flags: <defaults>
</compile_context>

<pallas_src>
import functools

import jax
import jax.numpy as jnp
from jax import lax
from jax.experimental import pallas as pl
from jax.experimental.pallas import tpu as pltpu
from jax.experimental.pallas import tpu_sc as plsc

_B, _T, _C, _D = 64, 100, 256, 32
_N = _B * _T
_NC, _NS = 2, 16
_NW = _NC * _NS
_PPW = _N // _NW
_BPW = _PPW // _T
_CB = 8
_SUB = 4
_NBUF = 8


def _tc_body(table_ref, pw_ref, out_ref, gw_ref, mask_ref):
    c0 = pl.program_id(0)
    k = _CB * _D

    @pl.when(c0 == 0)
    def _():
        t = table_ref[...]
        g = t * 0.5 * (1.0 + lax.erf(t * (2.0 ** -0.5)))
        gw_ref[...] = jnp.concatenate([g] * _CB, axis=1).astype(jnp.bfloat16)
        ri = lax.broadcasted_iota(jnp.int32, (k, k), 0)
        ci = lax.broadcasted_iota(jnp.int32, (k, k), 1)
        mask_ref[...] = jnp.where(
            (ri // _D) == ((ci % (k // 2)) // 16), 1.0, 0.0)

    gw = gw_ref[...]
    mask = mask_ref[...]
    for s in range(_SUB):
        pw = pw_ref[s * k:(s + 1) * k, :]
        pwwide = jnp.concatenate(
            [pw[:, :16]] * _CB + [pw[:, 16:]] * _CB, axis=1)
        rhs = (pwwide * mask).astype(jnp.bfloat16)
        res = jnp.dot(gw, rhs, preferred_element_type=jnp.float32)
        ri = lax.bitcast_convert_type(res, jnp.int32)
        rnd = lax.shift_right_logical(
            ri + 0x7FFF + (lax.shift_right_logical(ri, 16) & 1), 16)
        words = rnd[:, :k // 2] | (rnd[:, k // 2:] << 16)
        out_ref[s * 256:(s + 1) * 256, :] = lax.bitcast_convert_type(
            words, jnp.float32)


def _precompute_p(table, proj_w):
    steps = _C // (_CB * _SUB)
    return pl.pallas_call(
        _tc_body,
        grid=(steps,),
        in_specs=[
            pl.BlockSpec((_C, _D), lambda c: (0, 0)),
            pl.BlockSpec((_SUB * _CB * _D, _D), lambda c: (c, 0)),
        ],
        out_specs=pl.BlockSpec((_SUB * 256, 128), lambda c: (c, 0)),
        out_shape=jax.ShapeDtypeStruct((_C * _C // 8, 128), jnp.float32),
        scratch_shapes=[
            pltpu.VMEM((_C, _CB * _D), jnp.bfloat16),
            pltpu.VMEM((_CB * _D, _CB * _D), jnp.float32),
        ],
    )(table, proj_w)


def _issue(p_hbm, idx_v, p, buf, sem):
    pltpu.async_copy(
        p_hbm.at[idx_v.at[pl.ds(p * _C, 128)]], buf.at[pl.ds(0, 128)], sem)
    pltpu.async_copy(
        p_hbm.at[idx_v.at[pl.ds(p * _C + 128, 128)]],
        buf.at[pl.ds(128, 128)], sem)


def _drain(p_hbm, buf, sem):
    pltpu.make_async_copy(
        p_hbm.at[pl.ds(0, 128)], buf.at[pl.ds(0, 128)], sem).wait()
    pltpu.make_async_copy(
        p_hbm.at[pl.ds(0, 128)], buf.at[pl.ds(128, 128)], sem).wait()


def _reduce_into(buf, acc_v, p):
    def red(i, accs):
        a0, a1 = accs
        r = i * 8
        sb = plsc.bitcast(buf[r, pl.ds(0, 16)], jnp.bfloat16)
        for k in range(1, 8):
            sb = sb + plsc.bitcast(buf[r + k, pl.ds(0, 16)], jnp.bfloat16)
        lo, hi = plsc.unpack(
            sb, format=plsc.PackFormat.INTERLEAVED,
            preferred_element_type=jnp.float32)
        a0 = a0 + lo
        a1 = a1 + hi
        return (a0, a1)

    z = jnp.zeros((16,), jnp.float32)
    a0, a1 = lax.fori_loop(0, _C // 8, red, (z, z))
    b1 = p // _T
    t = p - b1 * _T
    acc_v[b1, t, pl.ds(0, 16)] = a0
    acc_v[b1, t, pl.ds(16, 16)] = a1


def _sc_body(p_hbm, x_hbm, out_hbm, idx_v, bufs, acc_v, sems):
    wid = lax.axis_index("s") * _NC + lax.axis_index("c")
    pltpu.sync_copy(
        x_hbm.at[pl.ds(wid * _PPW * _C, _PPW * _C)], idx_v)

    lane = lax.iota(jnp.int32, 16)
    patt = (lane // 8) * 2048 + (lane % 8)

    def xform(r, _):
        for j in range(_C // 16):
            v = idx_v[pl.ds(r * _C + 16 * j, 16)]
            idx_v[pl.ds(r * _C + 16 * j, 16)] = v * 8 + (patt + 4096 * j)
        return 0

    lax.fori_loop(0, _PPW, xform, 0)

    for b in range(_NBUF - 1):
        _issue(p_hbm, idx_v, b, bufs[b], sems[b])

    def ring(i, _):
        p0 = i * _NBUF
        for b in range(_NBUF):
            p = p0 + b
            _drain(p_hbm, bufs[b], sems[b])
            _reduce_into(bufs[b], acc_v, p)

            @pl.when(p + _NBUF - 1 < _PPW)
            def _(p=p, b=b):
                _issue(p_hbm, idx_v, p + _NBUF - 1,
                       bufs[(b + _NBUF - 1) % _NBUF],
                       sems[(b + _NBUF - 1) % _NBUF])
        return 0

    lax.fori_loop(0, _PPW // _NBUF, ring, 0)
    pltpu.sync_copy(acc_v, out_hbm.at[pl.ds(wid * _BPW, _BPW)])


@functools.partial(
    pl.kernel,
    mesh=plsc.VectorSubcoreMesh(core_axis_name="c", subcore_axis_name="s"),
    compiler_params=pltpu.CompilerParams(
        use_tc_tiling_on_sc=False, needs_layout_passes=False),
    out_type=jax.ShapeDtypeStruct((_B, _T, _D), jnp.float32),
    scratch_types=(
        [pltpu.VMEM((_PPW * _C,), jnp.int32)]
        + [pltpu.VMEM((_C, _D // 2), jnp.float32) for _ in range(_NBUF)]
        + [pltpu.VMEM((_BPW, _T, _D), jnp.float32)]
        + [pltpu.SemaphoreType.DMA for _ in range(_NBUF)]
    ),
)
def _sc_gather_sum(p_hbm, ids_hbm, out_hbm, idx_v, *rest):
    bufs = rest[:_NBUF]
    acc_v = rest[_NBUF]
    sems = rest[_NBUF + 1:]
    _sc_body(p_hbm, ids_hbm, out_hbm, idx_v, bufs, acc_v, sems)


def kernel(x, table, proj_w):
    ptc = _precompute_p(table, proj_w)
    pflat = ptc.reshape(_C * _C, _D // 2)
    return _sc_gather_sum(pflat, x.reshape(-1))

# --- scband reference (transcript-rebuilt; emitter-appended) ---
"""Pipeline reference for scband-channel-embedding-5291399708955 (READ-ONLY COPY).

The authoritative reference and input builder live on the scoring server;
editing this copy changes nothing except your own understanding.
"""

import jax, jax.numpy as jnp
import numpy as np

B, T, C, D = 64, 100, 256, 32

def setup_inputs(seed: int = 0) -> dict:
    key = jax.random.key(seed)
    k1, k2, k3 = jax.random.split(key, 3)
    # binned threshold-crossing counts mapped to per-channel token ids in [0, C)
    x = jax.random.randint(k1, (B, T, C), 0, C, dtype=jnp.int32)
    # nn.Embedding weight [num_channels, embedding_dim]
    table = jax.random.normal(k2, (C, D), dtype=jnp.float32) * 0.02
    # nn.Linear(embedding_dim*num_channels, embedding_dim, bias=False); stored as [in, out]
    proj_w = jax.random.normal(k3, (C * D, D), dtype=jnp.float32) * (1.0 / np.sqrt(C * D))
    return {"x": x, "table": table, "proj_w": proj_w}

def reference(x, table, proj_w):
    # embedding lookup: [B, T, C] -> [B, T, C, D]
    emb = jnp.take(table, x, axis=0)
    # flatten channel/embedding dims: [B, T, C*D]
    emb = emb.reshape(emb.shape[0], emb.shape[1], -1)
    # seq_dropout / channel_dropout are identity at p=0.0 (eval mode)
    # activation: exact GELU (torch default)
    emb = jax.nn.gelu(emb, approximate=False)
    # projection back to embedding_dim: [B, T, D]
    out = emb @ proj_w
    return out

if __name__ == "__main__":
    import jax
    _d = setup_inputs()
    print(jax.jit(kernel)(*tuple(_d.values())))

</pallas_src>

<mosaic_0001>
#map = affine_map<(d0, d1) -> (0, 0)>
#map1 = affine_map<(d0, d1) -> (0)>
#map2 = affine_map<(d0, d1) -> (0, 0, 0)>
module attributes {stable_mosaic.version = 14 : i64} {
  func.func @_sc_gather_sum(%arg0: i32, %arg1: i32, %arg2: memref<65536x16xf32, #tpu.memory_space<hbm>>, %arg3: memref<1638400xi32, #tpu.memory_space<hbm>>, %arg4: memref<64x100x32xf32, #tpu.memory_space<hbm>>, %arg5: memref<51200xi32, #tpu.memory_space<vmem>>, %arg6: memref<256x16xf32, #tpu.memory_space<vmem>>, %arg7: memref<256x16xf32, #tpu.memory_space<vmem>>, %arg8: memref<256x16xf32, #tpu.memory_space<vmem>>, %arg9: memref<256x16xf32, #tpu.memory_space<vmem>>, %arg10: memref<256x16xf32, #tpu.memory_space<vmem>>, %arg11: memref<256x16xf32, #tpu.memory_space<vmem>>, %arg12: memref<256x16xf32, #tpu.memory_space<vmem>>, %arg13: memref<256x16xf32, #tpu.memory_space<vmem>>, %arg14: memref<2x100x32xf32, #tpu.memory_space<vmem>>, %arg15: memref<!tpu.dma_semaphore, #tpu.memory_space<semaphore_mem>>, %arg16: memref<!tpu.dma_semaphore, #tpu.memory_space<semaphore_mem>>, %arg17: memref<!tpu.dma_semaphore, #tpu.memory_space<semaphore_mem>>, %arg18: memref<!tpu.dma_semaphore, #tpu.memory_space<semaphore_mem>>, %arg19: memref<!tpu.dma_semaphore, #tpu.memory_space<semaphore_mem>>, %arg20: memref<!tpu.dma_semaphore, #tpu.memory_space<semaphore_mem>>, %arg21: memref<!tpu.dma_semaphore, #tpu.memory_space<semaphore_mem>>, %arg22: memref<!tpu.dma_semaphore, #tpu.memory_space<semaphore_mem>>) attributes {dimension_semantics = [#tpu.dimension_semantics<core_parallel>, #tpu.dimension_semantics<subcore_parallel>], iteration_bounds = array<i64: 2, 16>, scalar_prefetch = 0 : i64, scratch_operands = 18 : i64, tpu.core_type = #tpu.core_type<sc_vector_subcore>, window_params = [{transform_indices = #map}, {transform_indices = #map1}, {transform_indices = #map2}]} {
    %mul3A = arith.constant 2 : i32
    %mul3A_0 = arith.muli %arg1, %mul3A : i32
    %add3A = arith.addi %mul3A_0, %arg0 : i32
    %mul3A_1 = arith.constant 200 : i32
    %mul3A_2 = arith.muli %add3A, %mul3A_1 : i32
    %mul3A_3 = arith.constant 256 : i32
    %mul3A_4 = arith.muli %mul3A_2, %mul3A_3 : i32
    "tpu.region"() ({
      %run_scoped3A = tpu.sem_alloc : memref<!tpu.dma_semaphore, #tpu.memory_space<semaphore_mem>>
      %dma_start3A_178 = tpu.memref_slice %arg3[%mul3A_4] : memref<1638400xi32, #tpu.memory_space<hbm>> -> memref<51200xi32, #tpu.memory_space<hbm>>
      %dma_start3A_179 = tpu.memref_slice %arg3[%mul3A_4] : memref<1638400xi32, #tpu.memory_space<hbm>> -> memref<51200xi32, #tpu.memory_space<hbm>>
      tpu.enqueue_dma source(%dma_start3A_179 : memref<51200xi32, #tpu.memory_space<hbm>>) target(%arg5 : memref<51200xi32, #tpu.memory_space<vmem>>) target_semaphore(%run_scoped3A : memref<!tpu.dma_semaphore, #tpu.memory_space<semaphore_mem>>)
      %dma_wait3A = tpu.memref_slice %arg3[%mul3A_4] : memref<1638400xi32, #tpu.memory_space<hbm>> -> memref<51200xi32, #tpu.memory_space<hbm>>
      %dma_wait3A_180 = tpu.memref_slice %arg3[%mul3A_4] : memref<1638400xi32, #tpu.memory_space<hbm>> -> memref<51200xi32, #tpu.memory_space<hbm>>
      tpu.wait_dma2 semaphore(%run_scoped3A : memref<!tpu.dma_semaphore, #tpu.memory_space<semaphore_mem>>) src(%dma_wait3A_180 : memref<51200xi32, #tpu.memory_space<hbm>>) dst(%arg5 : memref<51200xi32, #tpu.memory_space<vmem>>)
      tpu.yield
    }) : () -> ()
    %iota3A = tpu.iota {dimensions = array<i32: 0>} : vector<16xi32>
    %jit3A = arith.constant 8 : i32
    %div3A = vector.broadcast %jit3A : i32 to vector<16xi32>
    %div3A_5 = arith.divsi %iota3A, %div3A : vector<16xi32>
    %sign3A = arith.constant 0 : i32
    %sign3A_6 = vector.broadcast %sign3A : i32 to vector<16xi32>
    %sign3A_7 = arith.cmpi sgt, %iota3A, %sign3A_6 : vector<16xi32>
    %sign3A_8 = arith.extui %sign3A_7 : vector<16xi1> to vector<16xi32>
    %sign3A_9 = arith.constant 0 : i32
    %sign3A_10 = vector.broadcast %sign3A_9 : i32 to vector<16xi32>
    %sign3A_11 = arith.cmpi slt, %iota3A, %sign3A_10 : vector<16xi32>
    %sign3A_12 = arith.extui %sign3A_11 : vector<16xi1> to vector<16xi32>
    %sign3A_13 = arith.subi %sign3A_8, %sign3A_12 : vector<16xi32>
    %sign3A_14 = arith.constant 0 : i32
    %sign3A_15 = arith.cmpi sgt, %jit3A, %sign3A_14 : i32
    %sign3A_16 = arith.extui %sign3A_15 : i1 to i32
    %sign3A_17 = arith.constant 0 : i32
    %sign3A_18 = arith.cmpi slt, %jit3A, %sign3A_17 : i32
    %sign3A_19 = arith.extui %sign3A_18 : i1 to i32
    %sign3A_20 = arith.subi %sign3A_16, %sign3A_19 : i32
    %ne3A = vector.broadcast %sign3A_20 : i32 to vector<16xi32>
    %ne3A_21 = arith.cmpi ne, %sign3A_13, %ne3A : vector<16xi32>
    %rem3A = vector.broadcast %jit3A : i32 to vector<16xi32>
    %rem3A_22 = arith.remsi %iota3A, %rem3A : vector<16xi32>
    %ne3A_23 = arith.constant 0 : i32
    %ne3A_24 = vector.broadcast %ne3A_23 : i32 to vector<16xi32>
    %ne3A_25 = arith.cmpi ne, %rem3A_22, %ne3A_24 : vector<16xi32>
    %and3A = arith.andi %ne3A_21, %ne3A_25 : vector<16xi1>
    %sub3A = arith.constant 1 : i32
    %sub3A_26 = vector.broadcast %sub3A : i32 to vector<16xi32>
    %sub3A_27 = arith.subi %div3A_5, %sub3A_26 : vector<16xi32>
    %select_n3A = arith.select %and3A, %sub3A_27, %div3A_5 : vector<16xi1>, vector<16xi32>
    %mul3A_28 = arith.constant 2048 : i32
    %mul3A_29 = vector.broadcast %mul3A_28 : i32 to vector<16xi32>
    %mul3A_30 = arith.muli %select_n3A, %mul3A_29 : vector<16xi32>
    %jit3A_31 = arith.constant 8 : i32
    %eq3A = arith.constant 0 : i32
    %eq3A_32 = arith.cmpi eq, %jit3A_31, %eq3A : i32
    %jit3A_33 = arith.constant 1 : i32
    %select_n3A_34 = arith.select %eq3A_32, %jit3A_33, %jit3A_31 : i32
    %rem3A_35 = vector.broadcast %select_n3A_34 : i32 to vector<16xi32>
    %rem3A_36 = arith.remsi %iota3A, %rem3A_35 : vector<16xi32>
    %ne3A_37 = arith.constant 0 : i32
    %ne3A_38 = vector.broadcast %ne3A_37 : i32 to vector<16xi32>
    %ne3A_39 = arith.cmpi ne, %rem3A_36, %ne3A_38 : vector<16xi32>
    %lt3A = arith.constant 0 : i32
    %lt3A_40 = vector.broadcast %lt3A : i32 to vector<16xi32>
    %lt3A_41 = arith.cmpi slt, %rem3A_36, %lt3A_40 : vector<16xi32>
    %lt3A_42 = arith.constant 0 : i32
    %lt3A_43 = arith.cmpi slt, %select_n3A_34, %lt3A_42 : i32
    %ne3A_44 = vector.broadcast %lt3A_43 : i1 to vector<16xi1>
    %ne3A_45 = vector.broadcast %ne3A_44 : vector<16xi1> to vector<16xi1>
    %ne3A_46 = arith.xori %lt3A_41, %ne3A_45 : vector<16xi1>
    %and3A_47 = arith.andi %ne3A_46, %ne3A_39 : vector<16xi1>
    %add3A_48 = vector.broadcast %select_n3A_34 : i32 to vector<16xi32>
    %add3A_49 = arith.addi %rem3A_36, %add3A_48 : vector<16xi32>
    %select_n3A_50 = arith.select %and3A_47, %add3A_49, %rem3A_36 : vector<16xi1>, vector<16xi32>
    %add3A_51 = arith.addi %mul3A_30, %select_n3A_50 : vector<16xi32>
    %scan3A = arith.constant 0 : i32
    %scan3A_52 = arith.constant 0 : i32
    %scan3A_53 = arith.constant 200 : i32
    %scan3A_54 = arith.addi %scan3A_52, %scan3A_53 : i32
    %scan3A_55 = arith.constant 1 : i32
    %scan3A_56 = scf.for %scan3A_178 = %scan3A_52 to %scan3A_54 step %scan3A_55 iter_args(%scan3A_179 = %scan3A) -> (i32)  : i32 {
      %mul3A_180 = arith.constant 256 : i32
      %mul3A_181 = arith.muli %scan3A_178, %mul3A_180 : i32
      %add3A_182 = arith.constant 0 : i32
      %add3A_183 = arith.addi %mul3A_181, %add3A_182 : i32
      %get3A = arith.index_cast %add3A_183 : i32 to index
      %get3A_184 = tpu.vector_load %arg5[%get3A] {strides = array<i32>} : memref<51200xi32, #tpu.memory_space<vmem>>, vector<16xi32>,
      %mul3A_185 = arith.constant 8 : i32
      %mul3A_186 = vector.broadcast %mul3A_185 : i32 to vector<16xi32>
      %mul3A_187 = arith.muli %get3A_184, %mul3A_186 : vector<16xi32>
      %add3A_188 = arith.constant 0 : i32
      %add3A_189 = vector.broadcast %add3A_188 : i32 to vector<16xi32>
      %add3A_190 = arith.addi %add3A_51, %add3A_189 : vector<16xi32>
      %add3A_191 = arith.addi %mul3A_187, %add3A_190 : vector<16xi32>
      %mul3A_192 = arith.constant 256 : i32
      %mul3A_193 = arith.muli %scan3A_178, %mul3A_192 : i32
      %add3A_194 = arith.constant 0 : i32
      %add3A_195 = arith.addi %mul3A_193, %add3A_194 : i32
      %swap3A = arith.index_cast %add3A_195 : i32 to index
      %swap3A_196 = tpu.vector_load %arg5[%swap3A] {strides = array<i32>} : memref<51200xi32, #tpu.memory_space<vmem>>, vector<16xi32>,
      tpu.vector_store %arg5[%swap3A], %add3A_191 {strides = array<i32>} : memref<51200xi32, #tpu.memory_space<vmem>>, vector<16xi32>,
      %mul3A_197 = arith.constant 256 : i32
      %mul3A_198 = arith.muli %scan3A_178, %mul3A_197 : i32
      %add3A_199 = arith.constant 16 : i32
      %add3A_200 = arith.addi %mul3A_198, %add3A_199 : i32
      %get3A_201 = arith.index_cast %add3A_200 : i32 to index
      %get3A_202 = tpu.vector_load %arg5[%get3A_201] {strides = array<i32>} : memref<51200xi32, #tpu.memory_space<vmem>>, vector<16xi32>,
      %mul3A_203 = arith.constant 8 : i32
      %mul3A_204 = vector.broadcast %mul3A_203 : i32 to vector<16xi32>
      %mul3A_205 = arith.muli %get3A_202, %mul3A_204 : vector<16xi32>
      %add3A_206 = arith.constant 4096 : i32
      %add3A_207 = vector.broadcast %add3A_206 : i32 to vector<16xi32>
      %add3A_208 = arith.addi %add3A_51, %add3A_207 : vector<16xi32>
      %add3A_209 = arith.addi %mul3A_205, %add3A_208 : vector<16xi32>
      %mul3A_210 = arith.constant 256 : i32
      %mul3A_211 = arith.muli %scan3A_178, %mul3A_210 : i32
      %add3A_212 = arith.constant 16 : i32
      %add3A_213 = arith.addi %mul3A_211, %add3A_212 : i32
      %swap3A_214 = arith.index_cast %add3A_213 : i32 to index
      %swap3A_215 = tpu.vector_load %arg5[%swap3A_214] {strides = array<i32>} : memref<51200xi32, #tpu.memory_space<vmem>>, vector<16xi32>,
      tpu.vector_store %arg5[%swap3A_214], %add3A_209 {strides = array<i32>} : memref<51200xi32, #tpu.memory_space<vmem>>, vector<16xi32>,
      %mul3A_216 = arith.constant 256 : i32
      %mul3A_217 = arith.muli %scan3A_178, %mul3A_216 : i32
      %add3A_218 = arith.constant 32 : i32
      %add3A_219 = arith.addi %mul3A_217, %add3A_218 : i32
      %get3A_220 = arith.index_cast %add3A_219 : i32 to index
      %get3A_221 = tpu.vector_load %arg5[%get3A_220] {strides = array<i32>} : memref<51200xi32, #tpu.memory_space<vmem>>, vector<16xi32>,
      %mul3A_222 = arith.constant 8 : i32
      %mul3A_223 = vector.broadcast %mul3A_222 : i32 to vector<16xi32>
      %mul3A_224 = arith.muli %get3A_221, %mul3A_223 : vector<16xi32>
      %add3A_225 = arith.constant 8192 : i32
      %add3A_226 = vector.broadcast %add3A_225 : i32 to vector<16xi32>
      %add3A_227 = arith.addi %add3A_51, %add3A_226 : vector<16xi32>
      %add3A_228 = arith.addi %mul3A_224, %add3A_227 : vector<16xi32>
      %mul3A_229 = arith.constant 256 : i32
      %mul3A_230 = arith.muli %scan3A_178, %mul3A_229 : i32
      %add3A_231 = arith.constant 32 : i32
      %add3A_232 = arith.addi %mul3A_230, %add3A_231 : i32
      %swap3A_233 = arith.index_cast %add3A_232 : i32 to index
      %swap3A_234 = tpu.vector_load %arg5[%swap3A_233] {strides = array<i32>} : memref<51200xi32, #tpu.memory_space<vmem>>, vector<16xi32>,
      tpu.vector_store %arg5[%swap3A_233], %add3A_228 {strides = array<i32>} : memref<51200xi32, #tpu.memory_space<vmem>>, vector<16xi32>,
      %mul3A_235 = arith.constant 256 : i32
      %mul3A_236 = arith.muli %scan3A_178, %mul3A_235 : i32
      %add3A_237 = arith.constant 48 : i32
      %add3A_238 = arith.addi %mul3A_236, %add3A_237 : i32
      %get3A_239 = arith.index_cast %add3A_238 : i32 to index
      %get3A_240 = tpu.vector_load %arg5[%get3A_239] {strides = array<i32>} : memref<51200xi32, #tpu.memory_space<vmem>>, vector<16xi32>,
      %mul3A_241 = arith.constant 8 : i32
      %mul3A_242 = vector.broadcast %mul3A_241 : i32 to vector<16xi32>
      %mul3A_243 = arith.muli %get3A_240, %mul3A_242 : vector<16xi32>
      %add3A_244 = arith.constant 12288 : i32
      %add3A_245 = vector.broadcast %add3A_244 : i32 to vector<16xi32>
      %add3A_246 = arith.addi %add3A_51, %add3A_245 : vector<16xi32>
      %add3A_247 = arith.addi %mul3A_243, %add3A_246 : vector<16xi32>
      %mul3A_248 = arith.constant 256 : i32
      %mul3A_249 = arith.muli %scan3A_178, %mul3A_248 : i32
      %add3A_250 = arith.constant 48 : i32
      %add3A_251 = arith.addi %mul3A_249, %add3A_250 : i32
      %swap3A_252 = arith.index_cast %add3A_251 : i32 to index
      %swap3A_253 = tpu.vector_load %arg5[%swap3A_252] {strides = array<i32>} : memref<51200xi32, #tpu.memory_space<vmem>>, vector<16xi32>,
      tpu.vector_store %arg5[%swap3A_252], %add3A_247 {strides = array<i32>} : memref<51200xi32, #tpu.memory_space<vmem>>, vector<16xi32>,
      %mul3A_254 = arith.constant 256 : i32
      %mul3A_255 = arith.muli %scan3A_178, %mul3A_254 : i32
      %add3A_256 = arith.constant 64 : i32
      %add3A_257 = arith.addi %mul3A_255, %add3A_256 : i32
      %get3A_258 = arith.index_cast %add3A_257 : i32 to index
      %get3A_259 = tpu.vector_load %arg5[%get3A_258] {strides = array<i32>} : memref<51200xi32, #tpu.memory_space<vmem>>, vector<16xi32>,
      %mul3A_260 = arith.constant 8 : i32
      %mul3A_261 = vector.broadcast %mul3A_260 : i32 to vector<16xi32>
      %mul3A_262 = arith.muli %get3A_259, %mul3A_261 : vector<16xi32>
      %add3A_263 = arith.constant 16384 : i32
      %add3A_264 = vector.broadcast %add3A_263 : i32 to vector<16xi32>
      %add3A_265 = arith.addi %add3A_51, %add3A_264 : vector<16xi32>
      %add3A_266 = arith.addi %mul3A_262, %add3A_265 : vector<16xi32>
      %mul3A_267 = arith.constant 256 : i32
      %mul3A_268 = arith.muli %scan3A_178, %mul3A_267 : i32
      %add3A_269 = arith.constant 64 : i32
      %add3A_270 = arith.addi %mul3A_268, %add3A_269 : i32
      %swap3A_271 = arith.index_cast %add3A_270 : i32 to index
      %swap3A_272 = tpu.vector_load %arg5[%swap3A_271] {strides = array<i32>} : memref<51200xi32, #tpu.memory_space<vmem>>, vector<16xi32>,
      tpu.vector_store %arg5[%swap3A_271], %add3A_266 {strides = array<i32>} : memref<51200xi32, #tpu.memory_space<vmem>>, vector<16xi32>,
      %mul3A_273 = arith.constant 256 : i32
      %mul3A_274 = arith.muli %scan3A_178, %mul3A_273 : i32
      %add3A_275 = arith.constant 80 : i32
      %add3A_276 = arith.addi %mul3A_274, %add3A_275 : i32
      %get3A_277 = arith.index_cast %add3A_276 : i32 to index
      %get3A_278 = tpu.vector_load %arg5[%get3A_277] {strides = array<i32>} : memref<51200xi32, #tpu.memory_space<vmem>>, vector<16xi32>,
      %mul3A_279 = arith.constant 8 : i32
      %mul3A_280 = vector.broadcast %mul3A_279 : i32 to vector<16xi32>
      %mul3A_281 = arith.muli %get3A_278, %mul3A_280 : vector<16xi32>
      %add3A_282 = arith.constant 20480 : i32
      %add3A_283 = vector.broadcast %add3A_282 : i32 to vector<16xi32>
      %add3A_284 = arith.addi %add3A_51, %add3A_283 : vector<16xi32>
      %add3A_285 = arith.addi %mul3A_281, %add3A_284 : vector<16xi32>
      %mul3A_286 = arith.constant 256 : i32
      %mul3A_287 = arith.muli %scan3A_178, %mul3A_286 : i32
      %add3A_288 = arith.constant 80 : i32
      %add3A_289 = arith.addi %mul3A_287, %add3A_288 : i32
      %swap3A_290 = arith.index_cast %add3A_289 : i32 to index
      %swap3A_291 = tpu.vector_load %arg5[%swap3A_290] {strides = array<i32>} : memref<51200xi32, #tpu.memory_space<vmem>>, vector<16xi32>,
      tpu.vector_store %arg5[%swap3A_290], %add3A_285 {strides = array<i32>} : memref<51200xi32, #tpu.memory_space<vmem>>, vector<16xi32>,
      %mul3A_292 = arith.constant 256 : i32
      %mul3A_293 = arith.muli %scan3A_178, %mul3A_292 : i32
      %add3A_294 = arith.constant 96 : i32
      %add3A_295 = arith.addi %mul3A_293, %add3A_294 : i32
      %get3A_296 = arith.index_cast %add3A_295 : i32 to index
      %get3A_297 = tpu.vector_load %arg5[%get3A_296] {strides = array<i32>} : memref<51200xi32, #tpu.memory_space<vmem>>, vector<16xi32>,
      %mul3A_298 = arith.constant 8 : i32
      %mul3A_299 = vector.broadcast %mul3A_298 : i32 to vector<16xi32>
      %mul3A_300 = arith.muli %get3A_297, %mul3A_299 : vector<16xi32>
      %add3A_301 = arith.constant 24576 : i32
      %add3A_302 = vector.broadcast %add3A_301 : i32 to vector<16xi32>
      %add3A_303 = arith.addi %add3A_51, %add3A_302 : vector<16xi32>
      %add3A_304 = arith.addi %mul3A_300, %add3A_303 : vector<16xi32>
      %mul3A_305 = arith.constant 256 : i32
      %mul3A_306 = arith.muli %scan3A_178, %mul3A_305 : i32
      %add3A_307 = arith.constant 96 : i32
      %add3A_308 = arith.addi %mul3A_306, %add3A_307 : i32
      %swap3A_309 = arith.index_cast %add3A_308 : i32 to index
      %swap3A_310 = tpu.vector_load %arg5[%swap3A_309] {strides = array<i32>} : memref<51200xi32, #tpu.memory_space<vmem>>, vector<16xi32>,
      tpu.vector_store %arg5[%swap3A_309], %add3A_304 {strides = array<i32>} : memref<51200xi32, #tpu.memory_space<vmem>>, vector<16xi32>,
      %mul3A_311 = arith.constant 256 : i32
      %mul3A_312 = arith.muli %scan3A_178, %mul3A_311 : i32
      %add3A_313 = arith.constant 112 : i32
      %add3A_314 = arith.addi %mul3A_312, %add3A_313 : i32
      %get3A_315 = arith.index_cast %add3A_314 : i32 to index
      %get3A_316 = tpu.vector_load %arg5[%get3A_315] {strides = array<i32>} : memref<51200xi32, #tpu.memory_space<vmem>>, vector<16xi32>,
      %mul3A_317 = arith.constant 8 : i32
      %mul3A_318 = vector.broadcast %mul3A_317 : i32 to vector<16xi32>
      %mul3A_319 = arith.muli %get3A_316, %mul3A_318 : vector<16xi32>
      %add3A_320 = arith.constant 28672 : i32
      %add3A_321 = vector.broadcast %add3A_320 : i32 to vector<16xi32>
      %add3A_322 = arith.addi %add3A_51, %add3A_321 : vector<16xi32>
      %add3A_323 = arith.addi %mul3A_319, %add3A_322 : vector<16xi32>
      %mul3A_324 = arith.constant 256 : i32
      %mul3A_325 = arith.muli %scan3A_178, %mul3A_324 : i32
      %add3A_326 = arith.constant 112 : i32
      %add3A_327 = arith.addi %mul3A_325, %add3A_326 : i32
      %swap3A_328 = arith.index_cast %add3A_327 : i32 to index
      %swap3A_329 = tpu.vector_load %arg5[%swap3A_328] {strides = array<i32>} : memref<51200xi32, #tpu.memory_space<vmem>>, vector<16xi32>,
      tpu.vector_store %arg5[%swap3A_328], %add3A_323 {strides = array<i32>} : memref<51200xi32, #tpu.memory_space<vmem>>, vector<16xi32>,
      %mul3A_330 = arith.constant 256 : i32
      %mul3A_331 = arith.muli %scan3A_178, %mul3A_330 : i32
      %add3A_332 = arith.constant 128 : i32
      %add3A_333 = arith.addi %mul3A_331, %add3A_332 : i32
      %get3A_334 = arith.index_cast %add3A_333 : i32 to index
      %get3A_335 = tpu.vector_load %arg5[%get3A_334] {strides = array<i32>} : memref<51200xi32, #tpu.memory_space<vmem>>, vector<16xi32>,
      %mul3A_336 = arith.constant 8 : i32
      %mul3A_337 = vector.broadcast %mul3A_336 : i32 to vector<16xi32>
      %mul3A_338 = arith.muli %get3A_335, %mul3A_337 : vector<16xi32>
      %add3A_339 = arith.constant 32768 : i32
      %add3A_340 = vector.broadcast %add3A_339 : i32 to vector<16xi32>
      %add3A_341 = arith.addi %add3A_51, %add3A_340 : vector<16xi32>
      %add3A_342 = arith.addi %mul3A_338, %add3A_341 : vector<16xi32>
      %mul3A_343 = arith.constant 256 : i32
      %mul3A_344 = arith.muli %scan3A_178, %mul3A_343 : i32
      %add3A_345 = arith.constant 128 : i32
      %add3A_346 = arith.addi %mul3A_344, %add3A_345 : i32
      %swap3A_347 = arith.index_cast %add3A_346 : i32 to index
      %swap3A_348 = tpu.vector_load %arg5[%swap3A_347] {strides = array<i32>} : memref<51200xi32, #tpu.memory_space<vmem>>, vector<16xi32>,
      tpu.vector_store %arg5[%swap3A_347], %add3A_342 {strides = array<i32>} : memref<51200xi32, #tpu.memory_space<vmem>>, vector<16xi32>,
      %mul3A_349 = arith.constant 256 : i32
      %mul3A_350 = arith.muli %scan3A_178, %mul3A_349 : i32
      %add3A_351 = arith.constant 144 : i32
      %add3A_352 = arith.addi %mul3A_350, %add3A_351 : i32
      %get3A_353 = arith.index_cast %add3A_352 : i32 to index
      %get3A_354 = tpu.vector_load %arg5[%get3A_353] {strides = array<i32>} : memref<51200xi32, #tpu.memory_space<vmem>>, vector<16xi32>,
      %mul3A_355 = arith.constant 8 : i32
      %mul3A_356 = vector.broadcast %mul3A_355 : i32 to vector<16xi32>
      %mul3A_357 = arith.muli %get3A_354, %mul3A_356 : vector<16xi32>
      %add3A_358 = arith.constant 36864 : i32
      %add3A_359 = vector.broadcast %add3A_358 : i32 to vector<16xi32>
      %add3A_360 = arith.addi %add3A_51, %add3A_359 : vector<16xi32>
      %add3A_361 = arith.addi %mul3A_357, %add3A_360 : vector<16xi32>
      %mul3A_362 = arith.constant 256 : i32
      %mul3A_363 = arith.muli %scan3A_178, %mul3A_362 : i32
      %add3A_364 = arith.constant 144 : i32
      %add3A_365 = arith.addi %mul3A_363, %add3A_364 : i32
      %swap3A_366 = arith.index_cast %add3A_365 : i32 to index
      %swap3A_367 = tpu.vector_load %arg5[%swap3A_366] {strides = array<i32>} : memref<51200xi32, #tpu.memory_space<vmem>>, vector<16xi32>,
      tpu.vector_store %arg5[%swap3A_366], %add3A_361 {strides = array<i32>} : memref<51200xi32, #tpu.memory_space<vmem>>, vector<16xi32>,
      %mul3A_368 = arith.constant 256 : i32
      %mul3A_369 = arith.muli %scan3A_178, %mul3A_368 : i32
      %add3A_370 = arith.constant 160 : i32
      %add3A_371 = arith.addi %mul3A_369, %add3A_370 : i32
      %get3A_372 = arith.index_cast %add3A_371 : i32 to index
      %get3A_373 = tpu.vector_load %arg5[%get3A_372] {strides = array<i32>} : memref<51200xi32, #tpu.memory_space<vmem>>, vector<16xi32>,
      %mul3A_374 = arith.constant 8 : i32
      %mul3A_375 = vector.broadcast %mul3A_374 : i32 to vector<16xi32>
      %mul3A_376 = arith.muli %get3A_373, %mul3A_375 : vector<16xi32>
      %add3A_377 = arith.constant 40960 : i32
      %add3A_378 = vector.broadcast %add3A_377 : i32 to vector<16xi32>
      %add3A_379 = arith.addi %add3A_51, %add3A_378 : vector<16xi32>
      %add3A_380 = arith.addi %mul3A_376, %add3A_379 : vector<16xi32>
      %mul3A_381 = arith.constant 256 : i32
      %mul3A_382 = arith.muli %scan3A_178, %mul3A_381 : i32
      %add3A_383 = arith.constant 160 : i32
      %add3A_384 = arith.addi %mul3A_382, %add3A_383 : i32
      %swap3A_385 = arith.index_cast %add3A_384 : i32 to index
      %swap3A_386 = tpu.vector_load %arg5[%swap3A_385] {strides = array<i32>} : memref<51200xi32, #tpu.memory_space<vmem>>, vector<16xi32>,
      tpu.vector_store %arg5[%swap3A_385], %add3A_380 {strides = array<i32>} : memref<51200xi32, #tpu.memory_space<vmem>>, vector<16xi32>,
      %mul3A_387 = arith.constant 256 : i32
      %mul3A_388 = arith.muli %scan3A_178, %mul3A_387 : i32
      %add3A_389 = arith.constant 176 : i32
      %add3A_390 = arith.addi %mul3A_388, %add3A_389 : i32
      %get3A_391 = arith.index_cast %add3A_390 : i32 to index
      %get3A_392 = tpu.vector_load %arg5[%get3A_391] {strides = array<i32>} : memref<51200xi32, #tpu.memory_space<vmem>>, vector<16xi32>,
      %mul3A_393 = arith.constant 8 : i32
      %mul3A_394 = vector.broadcast %mul3A_393 : i32 to vector<16xi32>
      %mul3A_395 = arith.muli %get3A_392, %mul3A_394 : vector<16xi32>
      %add3A_396 = arith.constant 45056 : i32
      %add3A_397 = vector.broadcast %add3A_396 : i32 to vector<16xi32>
      %add3A_398 = arith.addi %add3A_51, %add3A_397 : vector<16xi32>
      %add3A_399 = arith.addi %mul3A_395, %add3A_398 : vector<16xi32>
      %mul3A_400 = arith.constant 256 : i32
      %mul3A_401 = arith.muli %scan3A_178, %mul3A_400 : i32
      %add3A_402 = arith.constant 176 : i32
      %add3A_403 = arith.addi %mul3A_401, %add3A_402 : i32
      %swap3A_404 = arith.index_cast %add3A_403 : i32 to index
      %swap3A_405 = tpu.vector_load %arg5[%swap3A_404] {strides = array<i32>} : memref<51200xi32, #tpu.memory_space<vmem>>, vector<16xi32>,
      tpu.vector_store %arg5[%swap3A_404], %add3A_399 {strides = array<i32>} : memref<51200xi32, #tpu.memory_space<vmem>>, vector<16xi32>,
      %mul3A_406 = arith.constant 256 : i32
      %mul3A_407 = arith.muli %scan3A_178, %mul3A_406 : i32
      %add3A_408 = arith.constant 192 : i32
      %add3A_409 = arith.addi %mul3A_407, %add3A_408 : i32
      %get3A_410 = arith.index_cast %add3A_409 : i32 to index
      %get3A_411 = tpu.vector_load %arg5[%get3A_410] {strides = array<i32>} : memref<51200xi32, #tpu.memory_space<vmem>>, vector<16xi32>,
      %mul3A_412 = arith.constant 8 : i32
      %mul3A_413 = vector.broadcast %mul3A_412 : i32 to vector<16xi32>
      %mul3A_414 = arith.muli %get3A_411, %mul3A_413 : vector<16xi32>
      %add3A_415 = arith.constant 49152 : i32
      %add3A_416 = vector.broadcast %add3A_415 : i32 to vector<16xi32>
      %add3A_417 = arith.addi %add3A_51, %add3A_416 : vector<16xi32>
      %add3A_418 = arith.addi %mul3A_414, %add3A_417 : vector<16xi32>
      %mul3A_419 = arith.constant 256 : i32
      %mul3A_420 = arith.muli %scan3A_178, %mul3A_419 : i32
      %add3A_421 = arith.constant 192 : i32
      %add3A_422 = arith.addi %mul3A_420, %add3A_421 : i32
      %swap3A_423 = arith.index_cast %add3A_422 : i32 to index
      %swap3A_424 = tpu.vector_load %arg5[%swap3A_423] {strides = array<i32>} : memref<51200xi32, #tpu.memory_space<vmem>>, vector<16xi32>,
      tpu.vector_store %arg5[%swap3A_423], %add3A_418 {strides = array<i32>} : memref<51200xi32, #tpu.memory_space<vmem>>, vector<16xi32>,
      %mul3A_425 = arith.constant 256 : i32
      %mul3A_426 = arith.muli %scan3A_178, %mul3A_425 : i32
      %add3A_427 = arith.constant 208 : i32
      %add3A_428 = arith.addi %mul3A_426, %add3A_427 : i32
      %get3A_429 = arith.index_cast %add3A_428 : i32 to index
      %get3A_430 = tpu.vector_load %arg5[%get3A_429] {strides = array<i32>} : memref<51200xi32, #tpu.memory_space<vmem>>, vector<16xi32>,
      %mul3A_431 = arith.constant 8 : i32
      %mul3A_432 = vector.broadcast %mul3A_431 : i32 to vector<16xi32>
      %mul3A_433 = arith.muli %get3A_430, %mul3A_432 : vector<16xi32>
      %add3A_434 = arith.constant 53248 : i32
      %add3A_435 = vector.broadcast %add3A_434 : i32 to vector<16xi32>
      %add3A_436 = arith.addi %add3A_51, %add3A_435 : vector<16xi32>
      %add3A_437 = arith.addi %mul3A_433, %add3A_436 : vector<16xi32>
      %mul3A_438 = arith.constant 256 : i32
      %mul3A_439 = arith.muli %scan3A_178, %mul3A_438 : i32
      %add3A_440 = arith.constant 208 : i32
      %add3A_441 = arith.addi %mul3A_439, %add3A_440 : i32
      %swap3A_442 = arith.index_cast %add3A_441 : i32 to index
      %swap3A_443 = tpu.vector_load %arg5[%swap3A_442] {strides = array<i32>} : memref<51200xi32, #tpu.memory_space<vmem>>, vector<16xi32>,
      tpu.vector_store %arg5[%swap3A_442], %add3A_437 {strides = array<i32>} : memref<51200xi32, #tpu.memory_space<vmem>>, vector<16xi32>,
      %mul3A_444 = arith.constant 256 : i32
      %mul3A_445 = arith.muli %scan3A_178, %mul3A_444 : i32
      %add3A_446 = arith.constant 224 : i32
      %add3A_447 = arith.addi %mul3A_445, %add3A_446 : i32
      %get3A_448 = arith.index_cast %add3A_447 : i32 to index
      %get3A_449 = tpu.vector_load %arg5[%get3A_448] {strides = array<i32>} : memref<51200xi32, #tpu.memory_space<vmem>>, vector<16xi32>,
      %mul3A_450 = arith.constant 8 : i32
      %mul3A_451 = vector.broadcast %mul3A_450 : i32 to vector<16xi32>
      %mul3A_452 = arith.muli %get3A_449, %mul3A_451 : vector<16xi32>
      %add3A_453 = arith.constant 57344 : i32
      %add3A_454 = vector.broadcast %add3A_453 : i32 to vector<16xi32>
      %add3A_455 = arith.addi %add3A_51, %add3A_454 : vector<16xi32>
      %add3A_456 = arith.addi %mul3A_452, %add3A_455 : vector<16xi32>
      %mul3A_457 = arith.constant 256 : i32
      %mul3A_458 = arith.muli %scan3A_178, %mul3A_457 : i32
      %add3A_459 = arith.constant 224 : i32
      %add3A_460 = arith.addi %mul3A_458, %add3A_459 : i32
      %swap3A_461 = arith.index_cast %add3A_460 : i32 to index
      %swap3A_462 = tpu.vector_load %arg5[%swap3A_461] {strides = array<i32>} : memref<51200xi32, #tpu.memory_space<vmem>>, vector<16xi32>,
      tpu.vector_store %arg5[%swap3A_461], %add3A_456 {strides = array<i32>} : memref<51200xi32, #tpu.memory_space<vmem>>, vector<16xi32>,
      %mul3A_463 = arith.constant 256 : i32
      %mul3A_464 = arith.muli %scan3A_178, %mul3A_463 : i32
      %add3A_465 = arith.constant 240 : i32
      %add3A_466 = arith.addi %mul3A_464, %add3A_465 : i32
      %get3A_467 = arith.index_cast %add3A_466 : i32 to index
      %get3A_468 = tpu.vector_load %arg5[%get3A_467] {strides = array<i32>} : memref<51200xi32, #tpu.memory_space<vmem>>, vector<16xi32>,
      %mul3A_469 = arith.constant 8 : i32
      %mul3A_470 = vector.broadcast %mul3A_469 : i32 to vector<16xi32>
      %mul3A_471 = arith.muli %get3A_468, %mul3A_470 : vector<16xi32>
      %add3A_472 = arith.constant 61440 : i32
      %add3A_473 = vector.broadcast %add3A_472 : i32 to vector<16xi32>
      %add3A_474 = arith.addi %add3A_51, %add3A_473 : vector<16xi32>
      %add3A_475 = arith.addi %mul3A_471, %add3A_474 : vector<16xi32>
      %mul3A_476 = arith.constant 256 : i32
      %mul3A_477 = arith.muli %scan3A_178, %mul3A_476 : i32
      %add3A_478 = arith.constant 240 : i32
      %add3A_479 = arith.addi %mul3A_477, %add3A_478 : i32
      %swap3A_480 = arith.index_cast %add3A_479 : i32 to index
      %swap3A_481 = tpu.vector_load %arg5[%swap3A_480] {strides = array<i32>} : memref<51200xi32, #tpu.memory_space<vmem>>, vector<16xi32>,
      tpu.vector_store %arg5[%swap3A_480], %add3A_475 {strides = array<i32>} : memref<51200xi32, #tpu.memory_space<vmem>>, vector<16xi32>,
      %scan3A_482 = arith.constant 0 : i32
      scf.yield %scan3A_482 : i32
    }
    %scan3A_57 = arith.constant 200 : i32
    %dma_start3A = arith.constant 0 : i32
    %dma_start3A_58 = arith.constant 0 : i32
    %dma_start3A_59 = tpu.memref_slice %arg6[%dma_start3A, %dma_start3A_58] : memref<256x16xf32, #tpu.memory_space<vmem>> -> memref<128x16xf32, #tpu.memory_space<vmem>>
    %dma_start3A_60 = arith.constant 0 : i32
    %dma_start3A_61 = tpu.memref_slice %arg5[%dma_start3A_60] : memref<51200xi32, #tpu.memory_space<vmem>> -> memref<128xi32, #tpu.memory_space<vmem>>
    %dma_start3A_62 = arith.constant 0 : i32
    %dma_start3A_63 = arith.constant 0 : i32
    %dma_start3A_64 = tpu.memref_slice %arg2[%dma_start3A_62, %dma_start3A_63] : memref<65536x16xf32, #tpu.memory_space<hbm>> -> memref<65536x16xf32, #tpu.memory_space<hbm>>
    tpu.enqueue_indirect_dma source(%dma_start3A_64 : memref<65536x16xf32, #tpu.memory_space<hbm>>) target(%dma_start3A_59 : memref<128x16xf32, #tpu.memory_space<vmem>>) offsets(%dma_start3A_61 : memref<128xi32, #tpu.memory_space<vmem>>) semaphore(%arg15 : memref<!tpu.dma_semaphore, #tpu.memory_space<semaphore_mem>>)
    %dma_start3A_65 = arith.constant 128 : i32
    %dma_start3A_66 = arith.constant 0 : i32
    %dma_start3A_67 = tpu.memref_slice %arg6[%dma_start3A_65, %dma_start3A_66] : memref<256x16xf32, #tpu.memory_space<vmem>> -> memref<128x16xf32, #tpu.memory_space<vmem>>
    %dma_start3A_68 = arith.constant 128 : i32
    %dma_start3A_69 = tpu.memref_slice %arg5[%dma_start3A_68] : memref<51200xi32, #tpu.memory_space<vmem>> -> memref<128xi32, #tpu.memory_space<vmem>>
    %dma_start3A_70 = arith.constant 0 : i32
    %dma_start3A_71 = arith.constant 0 : i32
    %dma_start3A_72 = tpu.memref_slice %arg2[%dma_start3A_70, %dma_start3A_71] : memref<65536x16xf32, #tpu.memory_space<hbm>> -> memref<65536x16xf32, #tpu.memory_space<hbm>>
    tpu.enqueue_indirect_dma source(%dma_start3A_72 : memref<65536x16xf32, #tpu.memory_space<hbm>>) target(%dma_start3A_67 : memref<128x16xf32, #tpu.memory_space<vmem>>) offsets(%dma_start3A_69 : memref<128xi32, #tpu.memory_space<vmem>>) semaphore(%arg15 : memref<!tpu.dma_semaphore, #tpu.memory_space<semaphore_mem>>)
    %dma_start3A_73 = arith.constant 0 : i32
    %dma_start3A_74 = arith.constant 0 : i32
    %dma_start3A_75 = tpu.memref_slice %arg7[%dma_start3A_73, %dma_start3A_74] : memref<256x16xf32, #tpu.memory_space<vmem>> -> memref<128x16xf32, #tpu.memory_space<vmem>>
    %dma_start3A_76 = arith.constant 256 : i32
    %dma_start3A_77 = tpu.memref_slice %arg5[%dma_start3A_76] : memref<51200xi32, #tpu.memory_space<vmem>> -> memref<128xi32, #tpu.memory_space<vmem>>
    %dma_start3A_78 = arith.constant 0 : i32
    %dma_start3A_79 = arith.constant 0 : i32
    %dma_start3A_80 = tpu.memref_slice %arg2[%dma_start3A_78, %dma_start3A_79] : memref<65536x16xf32, #tpu.memory_space<hbm>> -> memref<65536x16xf32, #tpu.memory_space<hbm>>
    tpu.enqueue_indirect_dma source(%dma_start3A_80 : memref<65536x16xf32, #tpu.memory_space<hbm>>) target(%dma_start3A_75 : memref<128x16xf32, #tpu.memory_space<vmem>>) offsets(%dma_start3A_77 : memref<128xi32, #tpu.memory_space<vmem>>) semaphore(%arg16 : memref<!tpu.dma_semaphore, #tpu.memory_space<semaphore_mem>>)
    %dma_start3A_81 = arith.constant 128 : i32
    %dma_start3A_82 = arith.constant 0 : i32
    %dma_start3A_83 = tpu.memref_slice %arg7[%dma_start3A_81, %dma_start3A_82] : memref<256x16xf32, #tpu.memory_space<vmem>> -> memref<128x16xf32, #tpu.memory_space<vmem>>
    %dma_start3A_84 = arith.constant 384 : i32
    %dma_start3A_85 = tpu.memref_slice %arg5[%dma_start3A_84] : memref<51200xi32, #tpu.memory_space<vmem>> -> memref<128xi32, #tpu.memory_space<vmem>>
    %dma_start3A_86 = arith.constant 0 : i32
    %dma_start3A_87 = arith.constant 0 : i32
    %dma_start3A_88 = tpu.memref_slice %arg2[%dma_start3A_86, %dma_start3A_87] : memref<65536x16xf32, #tpu.memory_space<hbm>> -> memref<65536x16xf32, #tpu.memory_space<hbm>>
    tpu.enqueue_indirect_dma source(%dma_start3A_88 : memref<65536x16xf32, #tpu.memory_space<hbm>>) target(%dma_start3A_83 : memref<128x16xf32, #tpu.memory_space<vmem>>) offsets(%dma_start3A_85 : memref<128xi32, #tpu.memory_space<vmem>>) semaphore(%arg16 : memref<!tpu.dma_semaphore, #tpu.memory_space<semaphore_mem>>)
    %dma_start3A_89 = arith.constant 0 : i32
    %dma_start3A_90 = arith.constant 0 : i32
    %dma_start3A_91 = tpu.memref_slice %arg8[%dma_start3A_89, %dma_start3A_90] : memref<256x16xf32, #tpu.memory_space<vmem>> -> memref<128x16xf32, #tpu.memory_space<vmem>>
    %dma_start3A_92 = arith.constant 512 : i32
    %dma_start3A_93 = tpu.memref_slice %arg5[%dma_start3A_92] : memref<51200xi32, #tpu.memory_space<vmem>> -> memref<128xi32, #tpu.memory_space<vmem>>
    %dma_start3A_94 = arith.constant 0 : i32
    %dma_start3A_95 = arith.constant 0 : i32
    %dma_start3A_96 = tpu.memref_slice %arg2[%dma_start3A_94, %dma_start3A_95] : memref<65536x16xf32, #tpu.memory_space<hbm>> -> memref<65536x16xf32, #tpu.memory_space<hbm>>
    tpu.enqueue_indirect_dma source(%dma_start3A_96 : memref<65536x16xf32, #tpu.memory_space<hbm>>) target(%dma_start3A_91 : memref<128x16xf32, #tpu.memory_space<vmem>>) offsets(%dma_start3A_93 : memref<128xi32, #tpu.memory_space<vmem>>) semaphore(%arg17 : memref<!tpu.dma_semaphore, #tpu.memory_space<semaphore_mem>>)
    %dma_start3A_97 = arith.constant 128 : i32
    %dma_start3A_98 = arith.constant 0 : i32
    %dma_start3A_99 = tpu.memref_slice %arg8[%dma_start3A_97, %dma_start3A_98] : memref<256x16xf32, #tpu.memory_space<vmem>> -> memref<128x16xf32, #tpu.memory_space<vmem>>
    %dma_start3A_100 = arith.constant 640 : i32
    %dma_start3A_101 = tpu.memref_slice %arg5[%dma_start3A_100] : memref<51200xi32, #tpu.memory_space<vmem>> -> memref<128xi32, #tpu.memory_space<vmem>>
    %dma_start3A_102 = arith.constant 0 : i32
    %dma_start3A_103 = arith.constant 0 : i32
    %dma_start3A_104 = tpu.memref_slice %arg2[%dma_start3A_102, %dma_start3A_103] : memref<65536x16xf32, #tpu.memory_space<hbm>> -> memref<65536x16xf32, #tpu.memory_space<hbm>>
    tpu.enqueue_indirect_dma source(%dma_start3A_104 : memref<65536x16xf32, #tpu.memory_space<hbm>>) target(%dma_start3A_99 : memref<128x16xf32, #tpu.memory_space<vmem>>) offsets(%dma_start3A_101 : memref<128xi32, #tpu.memory_space<vmem>>) semaphore(%arg17 : memref<!tpu.dma_semaphore, #tpu.memory_space<semaphore_mem>>)
    %dma_start3A_105 = arith.constant 0 : i32
    %dma_start3A_106 = arith.constant 0 : i32
    %dma_start3A_107 = tpu.memref_slice %arg9[%dma_start3A_105, %dma_start3A_106] : memref<256x16xf32, #tpu.memory_space<vmem>> -> memref<128x16xf32, #tpu.memory_space<vmem>>
    %dma_start3A_108 = arith.constant 768 : i32
    %dma_start3A_109 = tpu.memref_slice %arg5[%dma_start3A_108] : memref<51200xi32, #tpu.memory_space<vmem>> -> memref<128xi32, #tpu.memory_space<vmem>>
    %dma_start3A_110 = arith.constant 0 : i32
    %dma_start3A_111 = arith.constant 0 : i32
    %dma_start3A_112 = tpu.memref_slice %arg2[%dma_start3A_110, %dma_start3A_111] : memref<65536x16xf32, #tpu.memory_space<hbm>> -> memref<65536x16xf32, #tpu.memory_space<hbm>>
    tpu.enqueue_indirect_dma source(%dma_start3A_112 : memref<65536x16xf32, #tpu.memory_space<hbm>>) target(%dma_start3A_107 : memref<128x16xf32, #tpu.memory_space<vmem>>) offsets(%dma_start3A_109 : memref<128xi32, #tpu.memory_space<vmem>>) semaphore(%arg18 : memref<!tpu.dma_semaphore, #tpu.memory_space<semaphore_mem>>)
    %dma_start3A_113 = arith.constant 128 : i32
    %dma_start3A_114 = arith.constant 0 : i32
    %dma_start3A_115 = tpu.memref_slice %arg9[%dma_start3A_113, %dma_start3A_114] : memref<256x16xf32, #tpu.memory_space<vmem>> -> memref<128x16xf32, #tpu.memory_space<vmem>>
    %dma_start3A_116 = arith.constant 896 : i32
    %dma_start3A_117 = tpu.memref_slice %arg5[%dma_start3A_116] : memref<51200xi32, #tpu.memory_space<vmem>> -> memref<128xi32, #tpu.memory_space<vmem>>
    %dma_start3A_118 = arith.constant 0 : i32
    %dma_start3A_119 = arith.constant 0 : i32
    %dma_start3A_120 = tpu.memref_slice %arg2[%dma_start3A_118, %dma_start3A_119] : memref<65536x16xf32, #tpu.memory_space<hbm>> -> memref<65536x16xf32, #tpu.memory_space<hbm>>
    tpu.enqueue_indirect_dma source(%dma_start3A_120 : memref<65536x16xf32, #tpu.memory_space<hbm>>) target(%dma_start3A_115 : memref<128x16xf32, #tpu.memory_space<vmem>>) offsets(%dma_start3A_117 : memref<128xi32, #tpu.memory_space<vmem>>) semaphore(%arg18 : memref<!tpu.dma_semaphore, #tpu.memory_space<semaphore_mem>>)
    %dma_start3A_121 = arith.constant 0 : i32
    %dma_start3A_122 = arith.constant 0 : i32
    %dma_start3A_123 = tpu.memref_slice %arg10[%dma_start3A_121, %dma_start3A_122] : memref<256x16xf32, #tpu.memory_space<vmem>> -> memref<128x16xf32, #tpu.memory_space<vmem>>
    %dma_start3A_124 = arith.constant 1024 : i32
    %dma_start3A_125 = tpu.memref_slice %arg5[%dma_start3A_124] : memref<51200xi32, #tpu.memory_space<vmem>> -> memref<128xi32, #tpu.memory_space<vmem>>
    %dma_start3A_126 = arith.constant 0 : i32
    %dma_start3A_127 = arith.constant 0 : i32
    %dma_start3A_128 = tpu.memref_slice %arg2[%dma_start3A_126, %dma_start3A_127] : memref<65536x16xf32, #tpu.memory_space<hbm>> -> memref<65536x16xf32, #tpu.memory_space<hbm>>
    tpu.enqueue_indirect_dma source(%dma_start3A_128 : memref<65536x16xf32, #tpu.memory_space<hbm>>) target(%dma_start3A_123 : memref<128x16xf32, #tpu.memory_space<vmem>>) offsets(%dma_start3A_125 : memref<128xi32, #tpu.memory_space<vmem>>) semaphore(%arg19 : memref<!tpu.dma_semaphore, #tpu.memory_space<semaphore_mem>>)
    %dma_start3A_129 = arith.constant 128 : i32
    %dma_start3A_130 = arith.constant 0 : i32
    %dma_start3A_131 = tpu.memref_slice %arg10[%dma_start3A_129, %dma_start3A_130] : memref<256x16xf32, #tpu.memory_space<vmem>> -> memref<128x16xf32, #tpu.memory_space<vmem>>
    %dma_start3A_132 = arith.constant 1152 : i32
    %dma_start3A_133 = tpu.memref_slice %arg5[%dma_start3A_132] : memref<51200xi32, #tpu.memory_space<vmem>> -> memref<128xi32, #tpu.memory_space<vmem>>
    %dma_start3A_134 = arith.constant 0 : i32
    %dma_start3A_135 = arith.constant 0 : i32
    %dma_start3A_136 = tpu.memref_slice %arg2[%dma_start3A_134, %dma_start3A_135] : memref<65536x16xf32, #tpu.memory_space<hbm>> -> memref<65536x16xf32, #tpu.memory_space<hbm>>
    tpu.enqueue_indirect_dma source(%dma_start3A_136 : memref<65536x16xf32, #tpu.memory_space<hbm>>) target(%dma_start3A_131 : memref<128x16xf32, #tpu.memory_space<vmem>>) offsets(%dma_start3A_133 : memref<128xi32, #tpu.memory_space<vmem>>) semaphore(%arg19 : memref<!tpu.dma_semaphore, #tpu.memory_space<semaphore_mem>>)
    %dma_start3A_137 = arith.constant 0 : i32
    %dma_start3A_138 = arith.constant 0 : i32
    %dma_start3A_139 = tpu.memref_slice %arg11[%dma_start3A_137, %dma_start3A_138] : memref<256x16xf32, #tpu.memory_space<vmem>> -> memref<128x16xf32, #tpu.memory_space<vmem>>
    %dma_start3A_140 = arith.constant 1280 : i32
    %dma_start3A_141 = tpu.memref_slice %arg5[%dma_start3A_140] : memref<51200xi32, #tpu.memory_space<vmem>> -> memref<128xi32, #tpu.memory_space<vmem>>
    %dma_start3A_142 = arith.constant 0 : i32
    %dma_start3A_143 = arith.constant 0 : i32
    %dma_start3A_144 = tpu.memref_slice %arg2[%dma_start3A_142, %dma_start3A_143] : memref<65536x16xf32, #tpu.memory_space<hbm>> -> memref<65536x16xf32, #tpu.memory_space<hbm>>
    tpu.enqueue_indirect_dma source(%dma_start3A_144 : memref<65536x16xf32, #tpu.memory_space<hbm>>) target(%dma_start3A_139 : memref<128x16xf32, #tpu.memory_space<vmem>>) offsets(%dma_start3A_141 : memref<128xi32, #tpu.memory_space<vmem>>) semaphore(%arg20 : memref<!tpu.dma_semaphore, #tpu.memory_space<semaphore_mem>>)
    %dma_start3A_145 = arith.constant 128 : i32
    %dma_start3A_146 = arith.constant 0 : i32
    %dma_start3A_147 = tpu.memref_slice %arg11[%dma_start3A_145, %dma_start3A_146] : memref<256x16xf32, #tpu.memory_space<vmem>> -> memref<128x16xf32, #tpu.memory_space<vmem>>
    %dma_start3A_148 = arith.constant 1408 : i32
    %dma_start3A_149 = tpu.memref_slice %arg5[%dma_start3A_148] : memref<51200xi32, #tpu.memory_space<vmem>> -> memref<128xi32, #tpu.memory_space<vmem>>
    %dma_start3A_150 = arith.constant 0 : i32
    %dma_start3A_151 = arith.constant 0 : i32
    %dma_start3A_152 = tpu.memref_slice %arg2[%dma_start3A_150, %dma_start3A_151] : memref<65536x16xf32, #tpu.memory_space<hbm>> -> memref<65536x16xf32, #tpu.memory_space<hbm>>
    tpu.enqueue_indirect_dma source(%dma_start3A_152 : memref<65536x16xf32, #tpu.memory_space<hbm>>) target(%dma_start3A_147 : memref<128x16xf32, #tpu.memory_space<vmem>>) offsets(%dma_start3A_149 : memref<128xi32, #tpu.memory_space<vmem>>) semaphore(%arg20 : memref<!tpu.dma_semaphore, #tpu.memory_space<semaphore_mem>>)
    %dma_start3A_153 = arith.constant 0 : i32
    %dma_start3A_154 = arith.constant 0 : i32
    %dma_start3A_155 = tpu.memref_slice %arg12[%dma_start3A_153, %dma_start3A_154] : memref<256x16xf32, #tpu.memory_space<vmem>> -> memref<128x16xf32, #tpu.memory_space<vmem>>
    %dma_start3A_156 = arith.constant 1536 : i32
    %dma_start3A_157 = tpu.memref_slice %arg5[%dma_start3A_156] : memref<51200xi32, #tpu.memory_space<vmem>> -> memref<128xi32, #tpu.memory_space<vmem>>
    %dma_start3A_158 = arith.constant 0 : i32
    %dma_start3A_159 = arith.constant 0 : i32
    %dma_start3A_160 = tpu.memref_slice %arg2[%dma_start3A_158, %dma_start3A_159] : memref<65536x16xf32, #tpu.memory_space<hbm>> -> memref<65536x16xf32, #tpu.memory_space<hbm>>
    tpu.enqueue_indirect_dma source(%dma_start3A_160 : memref<65536x16xf32, #tpu.memory_space<hbm>>) target(%dma_start3A_155 : memref<128x16xf32, #tpu.memory_space<vmem>>) offsets(%dma_start3A_157 : memref<128xi32, #tpu.memory_space<vmem>>) semaphore(%arg21 : memref<!tpu.dma_semaphore, #tpu.memory_space<semaphore_mem>>)
    %dma_start3A_161 = arith.constant 128 : i32
    %dma_start3A_162 = arith.constant 0 : i32
    %dma_start3A_163 = tpu.memref_slice %arg12[%dma_start3A_161, %dma_start3A_162] : memref<256x16xf32, #tpu.memory_space<vmem>> -> memref<128x16xf32, #tpu.memory_space<vmem>>
    %dma_start3A_164 = arith.constant 1664 : i32
    %dma_start3A_165 = tpu.memref_slice %arg5[%dma_start3A_164] : memref<51200xi32, #tpu.memory_space<vmem>> -> memref<128xi32, #tpu.memory_space<vmem>>
    %dma_start3A_166 = arith.constant 0 : i32
    %dma_start3A_167 = arith.constant 0 : i32
    %dma_start3A_168 = tpu.memref_slice %arg2[%dma_start3A_166, %dma_start3A_167] : memref<65536x16xf32, #tpu.memory_space<hbm>> -> memref<65536x16xf32, #tpu.memory_space<hbm>>
    tpu.enqueue_indirect_dma source(%dma_start3A_168 : memref<65536x16xf32, #tpu.memory_space<hbm>>) target(%dma_start3A_163 : memref<128x16xf32, #tpu.memory_space<vmem>>) offsets(%dma_start3A_165 : memref<128xi32, #tpu.memory_space<vmem>>) semaphore(%arg21 : memref<!tpu.dma_semaphore, #tpu.memory_space<semaphore_mem>>)
    %scan3A_169 = arith.constant 0 : i32
    %scan3A_170 = arith.constant 0 : i32
    %scan3A_171 = arith.constant 25 : i32
    %scan3A_172 = arith.addi %scan3A_170, %scan3A_171 : i32
    %scan3A_173 = arith.constant 1 : i32
    %scan3A_174 = scf.for %scan3A_178 = %scan3A_170 to %scan3A_172 step %scan3A_173 iter_args(%scan3A_179 = %scan3A_169) -> (i32)  : i32 {
      %mul3A_180 = arith.constant 8 : i32
      %mul3A_181 = arith.muli %scan3A_178, %mul3A_180 : i32
      %add3A_182 = arith.constant 0 : i32
      %add3A_183 = arith.addi %mul3A_181, %add3A_182 : i32
      %dma_wait3A = arith.constant 0 : i32
      %dma_wait3A_184 = arith.constant 0 : i32
      %dma_wait3A_185 = tpu.memref_slice %arg6[%dma_wait3A, %dma_wait3A_184] : memref<256x16xf32, #tpu.memory_space<vmem>> -> memref<128x16xf32, #tpu.memory_space<vmem>>
      %dma_wait3A_186 = arith.constant 0 : i32
      %dma_wait3A_187 = arith.constant 0 : i32
      %dma_wait3A_188 = tpu.memref_slice %arg2[%dma_wait3A_186, %dma_wait3A_187] : memref<65536x16xf32, #tpu.memory_space<hbm>> -> memref<128x16xf32, #tpu.memory_space<hbm>>
      %dma_wait3A_189 = arith.constant 0 : i32
      %dma_wait3A_190 = arith.constant 0 : i32
      %dma_wait3A_191 = tpu.memref_slice %arg6[%dma_wait3A_189, %dma_wait3A_190] : memref<256x16xf32, #tpu.memory_space<vmem>> -> memref<128x16xf32, #tpu.memory_space<vmem>>
      %dma_wait3A_192 = arith.constant 0 : i32
      %dma_wait3A_193 = arith.constant 0 : i32
      %dma_wait3A_194 = tpu.memref_slice %arg2[%dma_wait3A_192, %dma_wait3A_193] : memref<65536x16xf32, #tpu.memory_space<hbm>> -> memref<128x16xf32, #tpu.memory_space<hbm>>
      tpu.wait_dma2 semaphore(%arg15 : memref<!tpu.dma_semaphore, #tpu.memory_space<semaphore_mem>>) src(%dma_wait3A_194 : memref<128x16xf32, #tpu.memory_space<hbm>>) dst(%dma_wait3A_191 : memref<128x16xf32, #tpu.memory_space<vmem>>)
      %dma_wait3A_195 = arith.constant 128 : i32
      %dma_wait3A_196 = arith.constant 0 : i32
      %dma_wait3A_197 = tpu.memref_slice %arg6[%dma_wait3A_195, %dma_wait3A_196] : memref<256x16xf32, #tpu.memory_space<vmem>> -> memref<128x16xf32, #tpu.memory_space<vmem>>
      %dma_wait3A_198 = arith.constant 0 : i32
      %dma_wait3A_199 = arith.constant 0 : i32
      %dma_wait3A_200 = tpu.memref_slice %arg2[%dma_wait3A_198, %dma_wait3A_199] : memref<65536x16xf32, #tpu.memory_space<hbm>> -> memref<128x16xf32, #tpu.memory_space<hbm>>
      %dma_wait3A_201 = arith.constant 128 : i32
      %dma_wait3A_202 = arith.constant 0 : i32
      %dma_wait3A_203 = tpu.memref_slice %arg6[%dma_wait3A_201, %dma_wait3A_202] : memref<256x16xf32, #tpu.memory_space<vmem>> -> memref<128x16xf32, #tpu.memory_space<vmem>>
      %dma_wait3A_204 = arith.constant 0 : i32
      %dma_wait3A_205 = arith.constant 0 : i32
      %dma_wait3A_206 = tpu.memref_slice %arg2[%dma_wait3A_204, %dma_wait3A_205] : memref<65536x16xf32, #tpu.memory_space<hbm>> -> memref<128x16xf32, #tpu.memory_space<hbm>>
      tpu.wait_dma2 semaphore(%arg15 : memref<!tpu.dma_semaphore, #tpu.memory_space<semaphore_mem>>) src(%dma_wait3A_206 : memref<128x16xf32, #tpu.memory_space<hbm>>) dst(%dma_wait3A_203 : memref<128x16xf32, #tpu.memory_space<vmem>>)
      %broadcast_in_dim3A = arith.constant 0.000000e+00 : f32
      %broadcast_in_dim3A_207 = vector.broadcast %broadcast_in_dim3A : f32 to vector<16xf32>
      %scan3A_208 = arith.constant 0 : i32
      %scan3A_209 = arith.constant 32 : i32
      %scan3A_210 = arith.addi %scan3A_208, %scan3A_209 : i32
      %scan3A_211 = arith.constant 1 : i32
      %scan3A_212:2 = scf.for %scan3A_802 = %scan3A_208 to %scan3A_210 step %scan3A_211 iter_args(%scan3A_803 = %broadcast_in_dim3A_207, %scan3A_804 = %broadcast_in_dim3A_207) -> (vector<16xf32>, vector<16xf32>)  : i32 {
        %mul3A_805 = arith.constant 8 : i32
        %mul3A_806 = arith.muli %scan3A_802, %mul3A_805 : i32
        %get3A = arith.index_cast %mul3A_806 : i32 to index
        %get3A_807 = arith.constant 0 : index
        %get3A_808 = tpu.vector_load %arg6[%get3A, %get3A_807] {strides = array<i32>} : memref<256x16xf32, #tpu.memory_space<vmem>>, vector<16xf32>,
        %bitcast3A = vector.bitcast %get3A_808 : vector<16xf32> to vector<32xbf16>
        %add3A_809 = arith.constant 1 : i32
        %add3A_810 = arith.addi %mul3A_806, %add3A_809 : i32
        %get3A_811 = arith.index_cast %add3A_810 : i32 to index
        %get3A_812 = arith.constant 0 : index
        %get3A_813 = tpu.vector_load %arg6[%get3A_811, %get3A_812] {strides = array<i32>} : memref<256x16xf32, #tpu.memory_space<vmem>>, vector<16xf32>,
        %bitcast3A_814 = vector.bitcast %get3A_813 : vector<16xf32> to vector<32xbf16>
        %add3A_815 = arith.addf %bitcast3A, %bitcast3A_814 : vector<32xbf16>
        %add3A_816 = arith.constant 2 : i32
        %add3A_817 = arith.addi %mul3A_806, %add3A_816 : i32
        %get3A_818 = arith.index_cast %add3A_817 : i32 to index
        %get3A_819 = arith.constant 0 : index
        %get3A_820 = tpu.vector_load %arg6[%get3A_818, %get3A_819] {strides = array<i32>} : memref<256x16xf32, #tpu.memory_space<vmem>>, vector<16xf32>,
        %bitcast3A_821 = vector.bitcast %get3A_820 : vector<16xf32> to vector<32xbf16>
        %add3A_822 = arith.addf %add3A_815, %bitcast3A_821 : vector<32xbf16>
        %add3A_823 = arith.constant 3 : i32
        %add3A_824 = arith.addi %mul3A_806, %add3A_823 : i32
        %get3A_825 = arith.index_cast %add3A_824 : i32 to index
        %get3A_826 = arith.constant 0 : index
        %get3A_827 = tpu.vector_load %arg6[%get3A_825, %get3A_826] {strides = array<i32>} : memref<256x16xf32, #tpu.memory_space<vmem>>, vector<16xf32>,
        %bitcast3A_828 = vector.bitcast %get3A_827 : vector<16xf32> to vector<32xbf16>
        %add3A_829 = arith.addf %add3A_822, %bitcast3A_828 : vector<32xbf16>
        %add3A_830 = arith.constant 4 : i32
        %add3A_831 = arith.addi %mul3A_806, %add3A_830 : i32
        %get3A_832 = arith.index_cast %add3A_831 : i32 to index
        %get3A_833 = arith.constant 0 : index
        %get3A_834 = tpu.vector_load %arg6[%get3A_832, %get3A_833] {strides = array<i32>} : memref<256x16xf32, #tpu.memory_space<vmem>>, vector<16xf32>,
        %bitcast3A_835 = vector.bitcast %get3A_834 : vector<16xf32> to vector<32xbf16>
        %add3A_836 = arith.addf %add3A_829, %bitcast3A_835 : vector<32xbf16>
        %add3A_837 = arith.constant 5 : i32
        %add3A_838 = arith.addi %mul3A_806, %add3A_837 : i32
        %get3A_839 = arith.index_cast %add3A_838 : i32 to index
        %get3A_840 = arith.constant 0 : index
        %get3A_841 = tpu.vector_load %arg6[%get3A_839, %get3A_840] {strides = array<i32>} : memref<256x16xf32, #tpu.memory_space<vmem>>, vector<16xf32>,
        %bitcast3A_842 = vector.bitcast %get3A_841 : vector<16xf32> to vector<32xbf16>
        %add3A_843 = arith.addf %add3A_836, %bitcast3A_842 : vector<32xbf16>
        %add3A_844 = arith.constant 6 : i32
        %add3A_845 = arith.addi %mul3A_806, %add3A_844 : i32
        %get3A_846 = arith.index_cast %add3A_845 : i32 to index
        %get3A_847 = arith.constant 0 : index
        %get3A_848 = tpu.vector_load %arg6[%get3A_846, %get3A_847] {strides = array<i32>} : memref<256x16xf32, #tpu.memory_space<vmem>>, vector<16xf32>,
        %bitcast3A_849 = vector.bitcast %get3A_848 : vector<16xf32> to vector<32xbf16>
        %add3A_850 = arith.addf %add3A_843, %bitcast3A_849 : vector<32xbf16>
        %add3A_851 = arith.constant 7 : i32
        %add3A_852 = arith.addi %mul3A_806, %add3A_851 : i32
        %get3A_853 = arith.index_cast %add3A_852 : i32 to index
        %get3A_854 = arith.constant 0 : index
        %get3A_855 = tpu.vector_load %arg6[%get3A_853, %get3A_854] {strides = array<i32>} : memref<256x16xf32, #tpu.memory_space<vmem>>, vector<16xf32>,
        %bitcast3A_856 = vector.bitcast %get3A_855 : vector<16xf32> to vector<32xbf16>
        %add3A_857 = arith.addf %add3A_850, %bitcast3A_856 : vector<32xbf16>
        %unpack3A = tpu.unpack_subelements %add3A_857, 0 {pack_format = #tpu.pack_format<interleaved>} : vector<32xbf16> -> vector<16xf32>
        %unpack3A_858 = tpu.unpack_subelements %add3A_857, 1 {pack_format = #tpu.pack_format<interleaved>} : vector<32xbf16> -> vector<16xf32>
        %add3A_859 = arith.addf %scan3A_803, %unpack3A : vector<16xf32>
        %add3A_860 = arith.addf %scan3A_804, %unpack3A_858 : vector<16xf32>
        scf.yield %add3A_859, %add3A_860 : vector<16xf32>, vector<16xf32>
      }
      %scan3A_213 = arith.constant 32 : i32
      %jit3A_214 = arith.constant 100 : i32
      %div3A_215 = arith.divsi %add3A_183, %jit3A_214 : i32
      %sign3A_216 = arith.constant 0 : i32
      %sign3A_217 = arith.cmpi sgt, %add3A_183, %sign3A_216 : i32
      %sign3A_218 = arith.extui %sign3A_217 : i1 to i32
      %sign3A_219 = arith.constant 0 : i32
      %sign3A_220 = arith.cmpi slt, %add3A_183, %sign3A_219 : i32
      %sign3A_221 = arith.extui %sign3A_220 : i1 to i32
      %sign3A_222 = arith.subi %sign3A_218, %sign3A_221 : i32
      %sign3A_223 = arith.constant 0 : i32
      %sign3A_224 = arith.cmpi sgt, %jit3A_214, %sign3A_223 : i32
      %sign3A_225 = arith.extui %sign3A_224 : i1 to i32
      %sign3A_226 = arith.constant 0 : i32
      %sign3A_227 = arith.cmpi slt, %jit3A_214, %sign3A_226 : i32
      %sign3A_228 = arith.extui %sign3A_227 : i1 to i32
      %sign3A_229 = arith.subi %sign3A_225, %sign3A_228 : i32
      %ne3A_230 = arith.cmpi ne, %sign3A_222, %sign3A_229 : i32
      %rem3A_231 = arith.remsi %add3A_183, %jit3A_214 : i32
      %ne3A_232 = arith.constant 0 : i32
      %ne3A_233 = arith.cmpi ne, %rem3A_231, %ne3A_232 : i32
      %and3A_234 = arith.andi %ne3A_230, %ne3A_233 : i1
      %sub3A_235 = arith.constant 1 : i32
      %sub3A_236 = arith.subi %div3A_215, %sub3A_235 : i32
      %select_n3A_237 = arith.select %and3A_234, %sub3A_236, %div3A_215 : i32
      %mul3A_238 = arith.constant 100 : i32
      %mul3A_239 = arith.muli %select_n3A_237, %mul3A_238 : i32
      %sub3A_240 = arith.subi %add3A_183, %mul3A_239 : i32
      %swap3A = arith.index_cast %select_n3A_237 : i32 to index
      %swap3A_241 = arith.index_cast %sub3A_240 : i32 to index
      %swap3A_242 = arith.constant 0 : index
      %swap3A_243 = tpu.vector_load %arg14[%swap3A, %swap3A_241, %swap3A_242] {strides = array<i32>} : memref<2x100x32xf32, #tpu.memory_space<vmem>>, vector<16xf32>,
      tpu.vector_store %arg14[%swap3A, %swap3A_241, %swap3A_242], %scan3A_212#0 {strides = array<i32>} : memref<2x100x32xf32, #tpu.memory_space<vmem>>, vector<16xf32>,
      %swap3A_244 = arith.index_cast %select_n3A_237 : i32 to index
      %swap3A_245 = arith.index_cast %sub3A_240 : i32 to index
      %swap3A_246 = arith.constant 16 : index
      %swap3A_247 = tpu.vector_load %arg14[%swap3A_244, %swap3A_245, %swap3A_246] {strides = array<i32>} : memref<2x100x32xf32, #tpu.memory_space<vmem>>, vector<16xf32>,
      tpu.vector_store %arg14[%swap3A_244, %swap3A_245, %swap3A_246], %scan3A_212#1 {strides = array<i32>} : memref<2x100x32xf32, #tpu.memory_space<vmem>>, vector<16xf32>,
      %add3A_248 = arith.constant 8 : i32
      %add3A_249 = arith.addi %add3A_183, %add3A_248 : i32
      %sub3A_250 = arith.constant 1 : i32
      %sub3A_251 = arith.subi %add3A_249, %sub3A_250 : i32
      %lt3A_252 = arith.constant 200 : i32
      %lt3A_253 = arith.cmpi slt, %sub3A_251, %lt3A_252 : i32
      %convert_element_type3A = arith.extui %lt3A_253 : i1 to i32
      %cond3A = arith.constant 0 : i32
      %cond3A_254 = arith.cmpi ne, %convert_element_type3A, %cond3A : i32
      scf.if %cond3A_254 {
        %add3A_802 = arith.constant 8 : i32
        %add3A_803 = arith.addi %add3A_183, %add3A_802 : i32
        %sub3A_804 = arith.constant 1 : i32
        %sub3A_805 = arith.subi %add3A_803, %sub3A_804 : i32
        %mul3A_806 = arith.constant 256 : i32
        %mul3A_807 = arith.muli %sub3A_805, %mul3A_806 : i32
        %dma_start3A_808 = arith.constant 0 : i32
        %dma_start3A_809 = arith.constant 0 : i32
        %dma_start3A_810 = tpu.memref_slice %arg13[%dma_start3A_808, %dma_start3A_809] : memref<256x16xf32, #tpu.memory_space<vmem>> -> memref<128x16xf32, #tpu.memory_space<vmem>>
        %dma_start3A_811 = tpu.memref_slice %arg5[%mul3A_807] : memref<51200xi32, #tpu.memory_space<vmem>> -> memref<128xi32, #tpu.memory_space<vmem>>
        %dma_start3A_812 = arith.constant 0 : i32
        %dma_start3A_813 = arith.constant 0 : i32
        %dma_start3A_814 = tpu.memref_slice %arg2[%dma_start3A_812, %dma_start3A_813] : memref<65536x16xf32, #tpu.memory_space<hbm>> -> memref<65536x16xf32, #tpu.memory_space<hbm>>
        tpu.enqueue_indirect_dma source(%dma_start3A_814 : memref<65536x16xf32, #tpu.memory_space<hbm>>) target(%dma_start3A_810 : memref<128x16xf32, #tpu.memory_space<vmem>>) offsets(%dma_start3A_811 : memref<128xi32, #tpu.memory_space<vmem>>) semaphore(%arg22 : memref<!tpu.dma_semaphore, #tpu.memory_space<semaphore_mem>>)
        %mul3A_815 = arith.constant 256 : i32
        %mul3A_816 = arith.muli %sub3A_805, %mul3A_815 : i32
        %add3A_817 = arith.constant 128 : i32
        %add3A_818 = arith.addi %mul3A_816, %add3A_817 : i32
        %dma_start3A_819 = arith.constant 128 : i32
        %dma_start3A_820 = arith.constant 0 : i32
        %dma_start3A_821 = tpu.memref_slice %arg13[%dma_start3A_819, %dma_start3A_820] : memref<256x16xf32, #tpu.memory_space<vmem>> -> memref<128x16xf32, #tpu.memory_space<vmem>>
        %dma_start3A_822 = tpu.memref_slice %arg5[%add3A_818] : memref<51200xi32, #tpu.memory_space<vmem>> -> memref<128xi32, #tpu.memory_space<vmem>>
        %dma_start3A_823 = arith.constant 0 : i32
        %dma_start3A_824 = arith.constant 0 : i32
        %dma_start3A_825 = tpu.memref_slice %arg2[%dma_start3A_823, %dma_start3A_824] : memref<65536x16xf32, #tpu.memory_space<hbm>> -> memref<65536x16xf32, #tpu.memory_space<hbm>>
        tpu.enqueue_indirect_dma source(%dma_start3A_825 : memref<65536x16xf32, #tpu.memory_space<hbm>>) target(%dma_start3A_821 : memref<128x16xf32, #tpu.memory_space<vmem>>) offsets(%dma_start3A_822 : memref<128xi32, #tpu.memory_space<vmem>>) semaphore(%arg22 : memref<!tpu.dma_semaphore, #tpu.memory_space<semaphore_mem>>)
      } else {
      }
      %add3A_255 = arith.constant 1 : i32
      %add3A_256 = arith.addi %mul3A_181, %add3A_255 : i32
      %dma_wait3A_257 = arith.constant 0 : i32
      %dma_wait3A_258 = arith.constant 0 : i32
      %dma_wait3A_259 = tpu.memref_slice %arg7[%dma_wait3A_257, %dma_wait3A_258] : memref<256x16xf32, #tpu.memory_space<vmem>> -> memref<128x16xf32, #tpu.memory_space<vmem>>
      %dma_wait3A_260 = arith.constant 0 : i32
      %dma_wait3A_261 = arith.constant 0 : i32
      %dma_wait3A_262 = tpu.memref_slice %arg2[%dma_wait3A_260, %dma_wait3A_261] : memref<65536x16xf32, #tpu.memory_space<hbm>> -> memref<128x16xf32, #tpu.memory_space<hbm>>
      %dma_wait3A_263 = arith.constant 0 : i32
      %dma_wait3A_264 = arith.constant 0 : i32
      %dma_wait3A_265 = tpu.memref_slice %arg7[%dma_wait3A_263, %dma_wait3A_264] : memref<256x16xf32, #tpu.memory_space<vmem>> -> memref<128x16xf32, #tpu.memory_space<vmem>>
      %dma_wait3A_266 = arith.constant 0 : i32
      %dma_wait3A_267 = arith.constant 0 : i32
      %dma_wait3A_268 = tpu.memref_slice %arg2[%dma_wait3A_266, %dma_wait3A_267] : memref<65536x16xf32, #tpu.memory_space<hbm>> -> memref<128x16xf32, #tpu.memory_space<hbm>>
      tpu.wait_dma2 semaphore(%arg16 : memref<!tpu.dma_semaphore, #tpu.memory_space<semaphore_mem>>) src(%dma_wait3A_268 : memref<128x16xf32, #tpu.memory_space<hbm>>) dst(%dma_wait3A_265 : memref<128x16xf32, #tpu.memory_space<vmem>>)
      %dma_wait3A_269 = arith.constant 128 : i32
      %dma_wait3A_270 = arith.constant 0 : i32
      %dma_wait3A_271 = tpu.memref_slice %arg7[%dma_wait3A_269, %dma_wait3A_270] : memref<256x16xf32, #tpu.memory_space<vmem>> -> memref<128x16xf32, #tpu.memory_space<vmem>>
      %dma_wait3A_272 = arith.constant 0 : i32
      %dma_wait3A_273 = arith.constant 0 : i32
      %dma_wait3A_274 = tpu.memref_slice %arg2[%dma_wait3A_272, %dma_wait3A_273] : memref<65536x16xf32, #tpu.memory_space<hbm>> -> memref<128x16xf32, #tpu.memory_space<hbm>>
      %dma_wait3A_275 = arith.constant 128 : i32
      %dma_wait3A_276 = arith.constant 0 : i32
      %dma_wait3A_277 = tpu.memref_slice %arg7[%dma_wait3A_275, %dma_wait3A_276] : memref<256x16xf32, #tpu.memory_space<vmem>> -> memref<128x16xf32, #tpu.memory_space<vmem>>
      %dma_wait3A_278 = arith.constant 0 : i32
      %dma_wait3A_279 = arith.constant 0 : i32
      %dma_wait3A_280 = tpu.memref_slice %arg2[%dma_wait3A_278, %dma_wait3A_279] : memref<65536x16xf32, #tpu.memory_space<hbm>> -> memref<128x16xf32, #tpu.memory_space<hbm>>
      tpu.wait_dma2 semaphore(%arg16 : memref<!tpu.dma_semaphore, #tpu.memory_space<semaphore_mem>>) src(%dma_wait3A_280 : memref<128x16xf32, #tpu.memory_space<hbm>>) dst(%dma_wait3A_277 : memref<128x16xf32, #tpu.memory_space<vmem>>)
      %broadcast_in_dim3A_281 = arith.constant 0.000000e+00 : f32
      %broadcast_in_dim3A_282 = vector.broadcast %broadcast_in_dim3A_281 : f32 to vector<16xf32>
      %scan3A_283 = arith.constant 0 : i32
      %scan3A_284 = arith.constant 32 : i32
      %scan3A_285 = arith.addi %scan3A_283, %scan3A_284 : i32
      %scan3A_286 = arith.constant 1 : i32
      %scan3A_287:2 = scf.for %scan3A_802 = %scan3A_283 to %scan3A_285 step %scan3A_286 iter_args(%scan3A_803 = %broadcast_in_dim3A_282, %scan3A_804 = %broadcast_in_dim3A_282) -> (vector<16xf32>, vector<16xf32>)  : i32 {
        %mul3A_805 = arith.constant 8 : i32
        %mul3A_806 = arith.muli %scan3A_802, %mul3A_805 : i32
        %get3A = arith.index_cast %mul3A_806 : i32 to index
        %get3A_807 = arith.constant 0 : index
        %get3A_808 = tpu.vector_load %arg7[%get3A, %get3A_807] {strides = array<i32>} : memref<256x16xf32, #tpu.memory_space<vmem>>, vector<16xf32>,
        %bitcast3A = vector.bitcast %get3A_808 : vector<16xf32> to vector<32xbf16>
        %add3A_809 = arith.constant 1 : i32
        %add3A_810 = arith.addi %mul3A_806, %add3A_809 : i32
        %get3A_811 = arith.index_cast %add3A_810 : i32 to index
        %get3A_812 = arith.constant 0 : index
        %get3A_813 = tpu.vector_load %arg7[%get3A_811, %get3A_812] {strides = array<i32>} : memref<256x16xf32, #tpu.memory_space<vmem>>, vector<16xf32>,
        %bitcast3A_814 = vector.bitcast %get3A_813 : vector<16xf32> to vector<32xbf16>
        %add3A_815 = arith.addf %bitcast3A, %bitcast3A_814 : vector<32xbf16>
        %add3A_816 = arith.constant 2 : i32
        %add3A_817 = arith.addi %mul3A_806, %add3A_816 : i32
        %get3A_818 = arith.index_cast %add3A_817 : i32 to index
        %get3A_819 = arith.constant 0 : index
        %get3A_820 = tpu.vector_load %arg7[%get3A_818, %get3A_819] {strides = array<i32>} : memref<256x16xf32, #tpu.memory_space<vmem>>, vector<16xf32>,
        %bitcast3A_821 = vector.bitcast %get3A_820 : vector<16xf32> to vector<32xbf16>
        %add3A_822 = arith.addf %add3A_815, %bitcast3A_821 : vector<32xbf16>
        %add3A_823 = arith.constant 3 : i32
        %add3A_824 = arith.addi %mul3A_806, %add3A_823 : i32
        %get3A_825 = arith.index_cast %add3A_824 : i32 to index
        %get3A_826 = arith.constant 0 : index
        %get3A_827 = tpu.vector_load %arg7[%get3A_825, %get3A_826] {strides = array<i32>} : memref<256x16xf32, #tpu.memory_space<vmem>>, vector<16xf32>,
        %bitcast3A_828 = vector.bitcast %get3A_827 : vector<16xf32> to vector<32xbf16>
        %add3A_829 = arith.addf %add3A_822, %bitcast3A_828 : vector<32xbf16>
        %add3A_830 = arith.constant 4 : i32
        %add3A_831 = arith.addi %mul3A_806, %add3A_830 : i32
        %get3A_832 = arith.index_cast %add3A_831 : i32 to index
        %get3A_833 = arith.constant 0 : index
        %get3A_834 = tpu.vector_load %arg7[%get3A_832, %get3A_833] {strides = array<i32>} : memref<256x16xf32, #tpu.memory_space<vmem>>, vector<16xf32>,
        %bitcast3A_835 = vector.bitcast %get3A_834 : vector<16xf32> to vector<32xbf16>
        %add3A_836 = arith.addf %add3A_829, %bitcast3A_835 : vector<32xbf16>
        %add3A_837 = arith.constant 5 : i32
        %add3A_838 = arith.addi %mul3A_806, %add3A_837 : i32
        %get3A_839 = arith.index_cast %add3A_838 : i32 to index
        %get3A_840 = arith.constant 0 : index
        %get3A_841 = tpu.vector_load %arg7[%get3A_839, %get3A_840] {strides = array<i32>} : memref<256x16xf32, #tpu.memory_space<vmem>>, vector<16xf32>,
        %bitcast3A_842 = vector.bitcast %get3A_841 : vector<16xf32> to vector<32xbf16>
        %add3A_843 = arith.addf %add3A_836, %bitcast3A_842 : vector<32xbf16>
        %add3A_844 = arith.constant 6 : i32
        %add3A_845 = arith.addi %mul3A_806, %add3A_844 : i32
        %get3A_846 = arith.index_cast %add3A_845 : i32 to index
        %get3A_847 = arith.constant 0 : index
        %get3A_848 = tpu.vector_load %arg7[%get3A_846, %get3A_847] {strides = array<i32>} : memref<256x16xf32, #tpu.memory_space<vmem>>, vector<16xf32>,
        %bitcast3A_849 = vector.bitcast %get3A_848 : vector<16xf32> to vector<32xbf16>
        %add3A_850 = arith.addf %add3A_843, %bitcast3A_849 : vector<32xbf16>
        %add3A_851 = arith.constant 7 : i32
        %add3A_852 = arith.addi %mul3A_806, %add3A_851 : i32
        %get3A_853 = arith.index_cast %add3A_852 : i32 to index
        %get3A_854 = arith.constant 0 : index
        %get3A_855 = tpu.vector_load %arg7[%get3A_853, %get3A_854] {strides = array<i32>} : memref<256x16xf32, #tpu.memory_space<vmem>>, vector<16xf32>,
        %bitcast3A_856 = vector.bitcast %get3A_855 : vector<16xf32> to vector<32xbf16>
        %add3A_857 = arith.addf %add3A_850, %bitcast3A_856 : vector<32xbf16>
        %unpack3A = tpu.unpack_subelements %add3A_857, 0 {pack_format = #tpu.pack_format<interleaved>} : vector<32xbf16> -> vector<16xf32>
        %unpack3A_858 = tpu.unpack_subelements %add3A_857, 1 {pack_format = #tpu.pack_format<interleaved>} : vector<32xbf16> -> vector<16xf32>
        %add3A_859 = arith.addf %scan3A_803, %unpack3A : vector<16xf32>
        %add3A_860 = arith.addf %scan3A_804, %unpack3A_858 : vector<16xf32>
        scf.yield %add3A_859, %add3A_860 : vector<16xf32>, vector<16xf32>
      }
      %scan3A_288 = arith.constant 32 : i32
      %jit3A_289 = arith.constant 100 : i32
      %div3A_290 = arith.divsi %add3A_256, %jit3A_289 : i32
      %sign3A_291 = arith.constant 0 : i32
      %sign3A_292 = arith.cmpi sgt, %add3A_256, %sign3A_291 : i32
      %sign3A_293 = arith.extui %sign3A_292 : i1 to i32
      %sign3A_294 = arith.constant 0 : i32
      %sign3A_295 = arith.cmpi slt, %add3A_256, %sign3A_294 : i32
      %sign3A_296 = arith.extui %sign3A_295 : i1 to i32
      %sign3A_297 = arith.subi %sign3A_293, %sign3A_296 : i32
      %sign3A_298 = arith.constant 0 : i32
      %sign3A_299 = arith.cmpi sgt, %jit3A_289, %sign3A_298 : i32
      %sign3A_300 = arith.extui %sign3A_299 : i1 to i32
      %sign3A_301 = arith.constant 0 : i32
      %sign3A_302 = arith.cmpi slt, %jit3A_289, %sign3A_301 : i32
      %sign3A_303 = arith.extui %sign3A_302 : i1 to i32
      %sign3A_304 = arith.subi %sign3A_300, %sign3A_303 : i32
      %ne3A_305 = arith.cmpi ne, %sign3A_297, %sign3A_304 : i32
      %rem3A_306 = arith.remsi %add3A_256, %jit3A_289 : i32
      %ne3A_307 = arith.constant 0 : i32
      %ne3A_308 = arith.cmpi ne, %rem3A_306, %ne3A_307 : i32
      %and3A_309 = arith.andi %ne3A_305, %ne3A_308 : i1
      %sub3A_310 = arith.constant 1 : i32
      %sub3A_311 = arith.subi %div3A_290, %sub3A_310 : i32
      %select_n3A_312 = arith.select %and3A_309, %sub3A_311, %div3A_290 : i32
      %mul3A_313 = arith.constant 100 : i32
      %mul3A_314 = arith.muli %select_n3A_312, %mul3A_313 : i32
      %sub3A_315 = arith.subi %add3A_256, %mul3A_314 : i32
      %swap3A_316 = arith.index_cast %select_n3A_312 : i32 to index
      %swap3A_317 = arith.index_cast %sub3A_315 : i32 to index
      %swap3A_318 = arith.constant 0 : index
      %swap3A_319 = tpu.vector_load %arg14[%swap3A_316, %swap3A_317, %swap3A_318] {strides = array<i32>} : memref<2x100x32xf32, #tpu.memory_space<vmem>>, vector<16xf32>,
      tpu.vector_store %arg14[%swap3A_316, %swap3A_317, %swap3A_318], %scan3A_287#0 {strides = array<i32>} : memref<2x100x32xf32, #tpu.memory_space<vmem>>, vector<16xf32>,
      %swap3A_320 = arith.index_cast %select_n3A_312 : i32 to index
      %swap3A_321 = arith.index_cast %sub3A_315 : i32 to index
      %swap3A_322 = arith.constant 16 : index
      %swap3A_323 = tpu.vector_load %arg14[%swap3A_320, %swap3A_321, %swap3A_322] {strides = array<i32>} : memref<2x100x32xf32, #tpu.memory_space<vmem>>, vector<16xf32>,
      tpu.vector_store %arg14[%swap3A_320, %swap3A_321, %swap3A_322], %scan3A_287#1 {strides = array<i32>} : memref<2x100x32xf32, #tpu.memory_space<vmem>>, vector<16xf32>,
      %add3A_324 = arith.constant 8 : i32
      %add3A_325 = arith.addi %add3A_256, %add3A_324 : i32
      %sub3A_326 = arith.constant 1 : i32
      %sub3A_327 = arith.subi %add3A_325, %sub3A_326 : i32
      %lt3A_328 = arith.constant 200 : i32
      %lt3A_329 = arith.cmpi slt, %sub3A_327, %lt3A_328 : i32
      %convert_element_type3A_330 = arith.extui %lt3A_329 : i1 to i32
      %cond3A_331 = arith.constant 0 : i32
      %cond3A_332 = arith.cmpi ne, %convert_element_type3A_330, %cond3A_331 : i32
      scf.if %cond3A_332 {
        %add3A_802 = arith.constant 8 : i32
        %add3A_803 = arith.addi %add3A_256, %add3A_802 : i32
        %sub3A_804 = arith.constant 1 : i32
        %sub3A_805 = arith.subi %add3A_803, %sub3A_804 : i32
        %mul3A_806 = arith.constant 256 : i32
        %mul3A_807 = arith.muli %sub3A_805, %mul3A_806 : i32
        %dma_start3A_808 = arith.constant 0 : i32
        %dma_start3A_809 = arith.constant 0 : i32
        %dma_start3A_810 = tpu.memref_slice %arg6[%dma_start3A_808, %dma_start3A_809] : memref<256x16xf32, #tpu.memory_space<vmem>> -> memref<128x16xf32, #tpu.memory_space<vmem>>
        %dma_start3A_811 = tpu.memref_slice %arg5[%mul3A_807] : memref<51200xi32, #tpu.memory_space<vmem>> -> memref<128xi32, #tpu.memory_space<vmem>>
        %dma_start3A_812 = arith.constant 0 : i32
        %dma_start3A_813 = arith.constant 0 : i32
        %dma_start3A_814 = tpu.memref_slice %arg2[%dma_start3A_812, %dma_start3A_813] : memref<65536x16xf32, #tpu.memory_space<hbm>> -> memref<65536x16xf32, #tpu.memory_space<hbm>>
        tpu.enqueue_indirect_dma source(%dma_start3A_814 : memref<65536x16xf32, #tpu.memory_space<hbm>>) target(%dma_start3A_810 : memref<128x16xf32, #tpu.memory_space<vmem>>) offsets(%dma_start3A_811 : memref<128xi32, #tpu.memory_space<vmem>>) semaphore(%arg15 : memref<!tpu.dma_semaphore, #tpu.memory_space<semaphore_mem>>)
        %mul3A_815 = arith.constant 256 : i32
        %mul3A_816 = arith.muli %sub3A_805, %mul3A_815 : i32
        %add3A_817 = arith.constant 128 : i32
        %add3A_818 = arith.addi %mul3A_816, %add3A_817 : i32
        %dma_start3A_819 = arith.constant 128 : i32
        %dma_start3A_820 = arith.constant 0 : i32
        %dma_start3A_821 = tpu.memref_slice %arg6[%dma_start3A_819, %dma_start3A_820] : memref<256x16xf32, #tpu.memory_space<vmem>> -> memref<128x16xf32, #tpu.memory_space<vmem>>
        %dma_start3A_822 = tpu.memref_slice %arg5[%add3A_818] : memref<51200xi32, #tpu.memory_space<vmem>> -> memref<128xi32, #tpu.memory_space<vmem>>
        %dma_start3A_823 = arith.constant 0 : i32
        %dma_start3A_824 = arith.constant 0 : i32
        %dma_start3A_825 = tpu.memref_slice %arg2[%dma_start3A_823, %dma_start3A_824] : memref<65536x16xf32, #tpu.memory_space<hbm>> -> memref<65536x16xf32, #tpu.memory_space<hbm>>
        tpu.enqueue_indirect_dma source(%dma_start3A_825 : memref<65536x16xf32, #tpu.memory_space<hbm>>) target(%dma_start3A_821 : memref<128x16xf32, #tpu.memory_space<vmem>>) offsets(%dma_start3A_822 : memref<128xi32, #tpu.memory_space<vmem>>) semaphore(%arg15 : memref<!tpu.dma_semaphore, #tpu.memory_space<semaphore_mem>>)
      } else {
      }
      %add3A_333 = arith.constant 2 : i32
      %add3A_334 = arith.addi %mul3A_181, %add3A_333 : i32
      %dma_wait3A_335 = arith.constant 0 : i32
      %dma_wait3A_336 = arith.constant 0 : i32
      %dma_wait3A_337 = tpu.memref_slice %arg8[%dma_wait3A_335, %dma_wait3A_336] : memref<256x16xf32, #tpu.memory_space<vmem>> -> memref<128x16xf32, #tpu.memory_space<vmem>>
      %dma_wait3A_338 = arith.constant 0 : i32
      %dma_wait3A_339 = arith.constant 0 : i32
      %dma_wait3A_340 = tpu.memref_slice %arg2[%dma_wait3A_338, %dma_wait3A_339] : memref<65536x16xf32, #tpu.memory_space<hbm>> -> memref<128x16xf32, #tpu.memory_space<hbm>>
      %dma_wait3A_341 = arith.constant 0 : i32
      %dma_wait3A_342 = arith.constant 0 : i32
      %dma_wait3A_343 = tpu.memref_slice %arg8[%dma_wait3A_341, %dma_wait3A_342] : memref<256x16xf32, #tpu.memory_space<vmem>> -> memref<128x16xf32, #tpu.memory_space<vmem>>
      %dma_wait3A_344 = arith.constant 0 : i32
      %dma_wait3A_345 = arith.constant 0 : i32
      %dma_wait3A_346 = tpu.memref_slice %arg2[%dma_wait3A_344, %dma_wait3A_345] : memref<65536x16xf32, #tpu.memory_space<hbm>> -> memref<128x16xf32, #tpu.memory_space<hbm>>
      tpu.wait_dma2 semaphore(%arg17 : memref<!tpu.dma_semaphore, #tpu.memory_space<semaphore_mem>>) src(%dma_wait3A_346 : memref<128x16xf32, #tpu.memory_space<hbm>>) dst(%dma_wait3A_343 : memref<128x16xf32, #tpu.memory_space<vmem>>)
      %dma_wait3A_347 = arith.constant 128 : i32
      %dma_wait3A_348 = arith.constant 0 : i32
      %dma_wait3A_349 = tpu.memref_slice %arg8[%dma_wait3A_347, %dma_wait3A_348] : memref<256x16xf32, #tpu.memory_space<vmem>> -> memref<128x16xf32, #tpu.memory_space<vmem>>
      %dma_wait3A_350 = arith.constant 0 : i32
      %dma_wait3A_351 = arith.constant 0 : i32
      %dma_wait3A_352 = tpu.memref_slice %arg2[%dma_wait3A_350, %dma_wait3A_351] : memref<65536x16xf32, #tpu.memory_space<hbm>> -> memref<128x16xf32, #tpu.memory_space<hbm>>
      %dma_wait3A_353 = arith.constant 128 : i32
      %dma_wait3A_354 = arith.constant 0 : i32
      %dma_wait3A_355 = tpu.memref_slice %arg8[%dma_wait3A_353, %dma_wait3A_354] : memref<256x16xf32, #tpu.memory_space<vmem>> -> memref<128x16xf32, #tpu.memory_space<vmem>>
      %dma_wait3A_356 = arith.constant 0 : i32
      %dma_wait3A_357 = arith.constant 0 : i32
      %dma_wait3A_358 = tpu.memref_slice %arg2[%dma_wait3A_356, %dma_wait3A_357] : memref<65536x16xf32, #tpu.memory_space<hbm>> -> memref<128x16xf32, #tpu.memory_space<hbm>>
      tpu.wait_dma2 semaphore(%arg17 : memref<!tpu.dma_semaphore, #tpu.memory_space<semaphore_mem>>) src(%dma_wait3A_358 : memref<128x16xf32, #tpu.memory_space<hbm>>) dst(%dma_wait3A_355 : memref<128x16xf32, #tpu.memory_space<vmem>>)
      %broadcast_in_dim3A_359 = arith.constant 0.000000e+00 : f32
      %broadcast_in_dim3A_360 = vector.broadcast %broadcast_in_dim3A_359 : f32 to vector<16xf32>
      %scan3A_361 = arith.constant 0 : i32
      %scan3A_362 = arith.constant 32 : i32
      %scan3A_363 = arith.addi %scan3A_361, %scan3A_362 : i32
      %scan3A_364 = arith.constant 1 : i32
      %scan3A_365:2 = scf.for %scan3A_802 = %scan3A_361 to %scan3A_363 step %scan3A_364 iter_args(%scan3A_803 = %broadcast_in_dim3A_360, %scan3A_804 = %broadcast_in_dim3A_360) -> (vector<16xf32>, vector<16xf32>)  : i32 {
        %mul3A_805 = arith.constant 8 : i32
        %mul3A_806 = arith.muli %scan3A_802, %mul3A_805 : i32
        %get3A = arith.index_cast %mul3A_806 : i32 to index
        %get3A_807 = arith.constant 0 : index
        %get3A_808 = tpu.vector_load %arg8[%get3A, %get3A_807] {strides = array<i32>} : memref<256x16xf32, #tpu.memory_space<vmem>>, vector<16xf32>,
        %bitcast3A = vector.bitcast %get3A_808 : vector<16xf32> to vector<32xbf16>
        %add3A_809 = arith.constant 1 : i32
        %add3A_810 = arith.addi %mul3A_806, %add3A_809 : i32
        %get3A_811 = arith.index_cast %add3A_810 : i32 to index
        %get3A_812 = arith.constant 0 : index
        %get3A_813 = tpu.vector_load %arg8[%get3A_811, %get3A_812] {strides = array<i32>} : memref<256x16xf32, #tpu.memory_space<vmem>>, vector<16xf32>,
        %bitcast3A_814 = vector.bitcast %get3A_813 : vector<16xf32> to vector<32xbf16>
        %add3A_815 = arith.addf %bitcast3A, %bitcast3A_814 : vector<32xbf16>
        %add3A_816 = arith.constant 2 : i32
        %add3A_817 = arith.addi %mul3A_806, %add3A_816 : i32
        %get3A_818 = arith.index_cast %add3A_817 : i32 to index
        %get3A_819 = arith.constant 0 : index
        %get3A_820 = tpu.vector_load %arg8[%get3A_818, %get3A_819] {strides = array<i32>} : memref<256x16xf32, #tpu.memory_space<vmem>>, vector<16xf32>,
        %bitcast3A_821 = vector.bitcast %get3A_820 : vector<16xf32> to vector<32xbf16>
        %add3A_822 = arith.addf %add3A_815, %bitcast3A_821 : vector<32xbf16>
        %add3A_823 = arith.constant 3 : i32
        %add3A_824 = arith.addi %mul3A_806, %add3A_823 : i32
        %get3A_825 = arith.index_cast %add3A_824 : i32 to index
        %get3A_826 = arith.constant 0 : index
        %get3A_827 = tpu.vector_load %arg8[%get3A_825, %get3A_826] {strides = array<i32>} : memref<256x16xf32, #tpu.memory_space<vmem>>, vector<16xf32>,
        %bitcast3A_828 = vector.bitcast %get3A_827 : vector<16xf32> to vector<32xbf16>
        %add3A_829 = arith.addf %add3A_822, %bitcast3A_828 : vector<32xbf16>
        %add3A_830 = arith.constant 4 : i32
        %add3A_831 = arith.addi %mul3A_806, %add3A_830 : i32
        %get3A_832 = arith.index_cast %add3A_831 : i32 to index
        %get3A_833 = arith.constant 0 : index
        %get3A_834 = tpu.vector_load %arg8[%get3A_832, %get3A_833] {strides = array<i32>} : memref<256x16xf32, #tpu.memory_space<vmem>>, vector<16xf32>,
        %bitcast3A_835 = vector.bitcast %get3A_834 : vector<16xf32> to vector<32xbf16>
        %add3A_836 = arith.addf %add3A_829, %bitcast3A_835 : vector<32xbf16>
        %add3A_837 = arith.constant 5 : i32
        %add3A_838 = arith.addi %mul3A_806, %add3A_837 : i32
        %get3A_839 = arith.index_cast %add3A_838 : i32 to index
        %get3A_840 = arith.constant 0 : index
        %get3A_841 = tpu.vector_load %arg8[%get3A_839, %get3A_840] {strides = array<i32>} : memref<256x16xf32, #tpu.memory_space<vmem>>, vector<16xf32>,
        %bitcast3A_842 = vector.bitcast %get3A_841 : vector<16xf32> to vector<32xbf16>
        %add3A_843 = arith.addf %add3A_836, %bitcast3A_842 : vector<32xbf16>
        %add3A_844 = arith.constant 6 : i32
        %add3A_845 = arith.addi %mul3A_806, %add3A_844 : i32
        %get3A_846 = arith.index_cast %add3A_845 : i32 to index
        %get3A_847 = arith.constant 0 : index
        %get3A_848 = tpu.vector_load %arg8[%get3A_846, %get3A_847] {strides = array<i32>} : memref<256x16xf32, #tpu.memory_space<vmem>>, vector<16xf32>,
        %bitcast3A_849 = vector.bitcast %get3A_848 : vector<16xf32> to vector<32xbf16>
        %add3A_850 = arith.addf %add3A_843, %bitcast3A_849 : vector<32xbf16>
        %add3A_851 = arith.constant 7 : i32
        %add3A_852 = arith.addi %mul3A_806, %add3A_851 : i32
        %get3A_853 = arith.index_cast %add3A_852 : i32 to index
        %get3A_854 = arith.constant 0 : index
        %get3A_855 = tpu.vector_load %arg8[%get3A_853, %get3A_854] {strides = array<i32>} : memref<256x16xf32, #tpu.memory_space<vmem>>, vector<16xf32>,
        %bitcast3A_856 = vector.bitcast %get3A_855 : vector<16xf32> to vector<32xbf16>
        %add3A_857 = arith.addf %add3A_850, %bitcast3A_856 : vector<32xbf16>
        %unpack3A = tpu.unpack_subelements %add3A_857, 0 {pack_format = #tpu.pack_format<interleaved>} : vector<32xbf16> -> vector<16xf32>
        %unpack3A_858 = tpu.unpack_subelements %add3A_857, 1 {pack_format = #tpu.pack_format<interleaved>} : vector<32xbf16> -> vector<16xf32>
        %add3A_859 = arith.addf %scan3A_803, %unpack3A : vector<16xf32>
        %add3A_860 = arith.addf %scan3A_804, %unpack3A_858 : vector<16xf32>
        scf.yield %add3A_859, %add3A_860 : vector<16xf32>, vector<16xf32>
      }
      %scan3A_366 = arith.constant 32 : i32
      %jit3A_367 = arith.constant 100 : i32
      %div3A_368 = arith.divsi %add3A_334, %jit3A_367 : i32
      %sign3A_369 = arith.constant 0 : i32
      %sign3A_370 = arith.cmpi sgt, %add3A_334, %sign3A_369 : i32
      %sign3A_371 = arith.extui %sign3A_370 : i1 to i32
      %sign3A_372 = arith.constant 0 : i32
      %sign3A_373 = arith.cmpi slt, %add3A_334, %sign3A_372 : i32
      %sign3A_374 = arith.extui %sign3A_373 : i1 to i32
      %sign3A_375 = arith.subi %sign3A_371, %sign3A_374 : i32
      %sign3A_376 = arith.constant 0 : i32
      %sign3A_377 = arith.cmpi sgt, %jit3A_367, %sign3A_376 : i32
      %sign3A_378 = arith.extui %sign3A_377 : i1 to i32
      %sign3A_379 = arith.constant 0 : i32
      %sign3A_380 = arith.cmpi slt, %jit3A_367, %sign3A_379 : i32
      %sign3A_381 = arith.extui %sign3A_380 : i1 to i32
      %sign3A_382 = arith.subi %sign3A_378, %sign3A_381 : i32
      %ne3A_383 = arith.cmpi ne, %sign3A_375, %sign3A_382 : i32
      %rem3A_384 = arith.remsi %add3A_334, %jit3A_367 : i32
      %ne3A_385 = arith.constant 0 : i32
      %ne3A_386 = arith.cmpi ne, %rem3A_384, %ne3A_385 : i32
      %and3A_387 = arith.andi %ne3A_383, %ne3A_386 : i1
      %sub3A_388 = arith.constant 1 : i32
      %sub3A_389 = arith.subi %div3A_368, %sub3A_388 : i32
      %select_n3A_390 = arith.select %and3A_387, %sub3A_389, %div3A_368 : i32
      %mul3A_391 = arith.constant 100 : i32
      %mul3A_392 = arith.muli %select_n3A_390, %mul3A_391 : i32
      %sub3A_393 = arith.subi %add3A_334, %mul3A_392 : i32
      %swap3A_394 = arith.index_cast %select_n3A_390 : i32 to index
      %swap3A_395 = arith.index_cast %sub3A_393 : i32 to index
      %swap3A_396 = arith.constant 0 : index
      %swap3A_397 = tpu.vector_load %arg14[%swap3A_394, %swap3A_395, %swap3A_396] {strides = array<i32>} : memref<2x100x32xf32, #tpu.memory_space<vmem>>, vector<16xf32>,
      tpu.vector_store %arg14[%swap3A_394, %swap3A_395, %swap3A_396], %scan3A_365#0 {strides = array<i32>} : memref<2x100x32xf32, #tpu.memory_space<vmem>>, vector<16xf32>,
      %swap3A_398 = arith.index_cast %select_n3A_390 : i32 to index
      %swap3A_399 = arith.index_cast %sub3A_393 : i32 to index
      %swap3A_400 = arith.constant 16 : index
      %swap3A_401 = tpu.vector_load %arg14[%swap3A_398, %swap3A_399, %swap3A_400] {strides = array<i32>} : memref<2x100x32xf32, #tpu.memory_space<vmem>>, vector<16xf32>,
      tpu.vector_store %arg14[%swap3A_398, %swap3A_399, %swap3A_400], %scan3A_365#1 {strides = array<i32>} : memref<2x100x32xf32, #tpu.memory_space<vmem>>, vector<16xf32>,
      %add3A_402 = arith.constant 8 : i32
      %add3A_403 = arith.addi %add3A_334, %add3A_402 : i32
      %sub3A_404 = arith.constant 1 : i32
      %sub3A_405 = arith.subi %add3A_403, %sub3A_404 : i32
      %lt3A_406 = arith.constant 200 : i32
      %lt3A_407 = arith.cmpi slt, %sub3A_405, %lt3A_406 : i32
      %convert_element_type3A_408 = arith.extui %lt3A_407 : i1 to i32
      %cond3A_409 = arith.constant 0 : i32
      %cond3A_410 = arith.cmpi ne, %convert_element_type3A_408, %cond3A_409 : i32
      scf.if %cond3A_410 {
        %add3A_802 = arith.constant 8 : i32
        %add3A_803 = arith.addi %add3A_334, %add3A_802 : i32
        %sub3A_804 = arith.constant 1 : i32
        %sub3A_805 = arith.subi %add3A_803, %sub3A_804 : i32
        %mul3A_806 = arith.constant 256 : i32
        %mul3A_807 = arith.muli %sub3A_805, %mul3A_806 : i32
        %dma_start3A_808 = arith.constant 0 : i32
        %dma_start3A_809 = arith.constant 0 : i32
        %dma_start3A_810 = tpu.memref_slice %arg7[%dma_start3A_808, %dma_start3A_809] : memref<256x16xf32, #tpu.memory_space<vmem>> -> memref<128x16xf32, #tpu.memory_space<vmem>>
        %dma_start3A_811 = tpu.memref_slice %arg5[%mul3A_807] : memref<51200xi32, #tpu.memory_space<vmem>> -> memref<128xi32, #tpu.memory_space<vmem>>
        %dma_start3A_812 = arith.constant 0 : i32
        %dma_start3A_813 = arith.constant 0 : i32
        %dma_start3A_814 = tpu.memref_slice %arg2[%dma_start3A_812, %dma_start3A_813] : memref<65536x16xf32, #tpu.memory_space<hbm>> -> memref<65536x16xf32, #tpu.memory_space<hbm>>
        tpu.enqueue_indirect_dma source(%dma_start3A_814 : memref<65536x16xf32, #tpu.memory_space<hbm>>) target(%dma_start3A_810 : memref<128x16xf32, #tpu.memory_space<vmem>>) offsets(%dma_start3A_811 : memref<128xi32, #tpu.memory_space<vmem>>) semaphore(%arg16 : memref<!tpu.dma_semaphore, #tpu.memory_space<semaphore_mem>>)
        %mul3A_815 = arith.constant 256 : i32
        %mul3A_816 = arith.muli %sub3A_805, %mul3A_815 : i32
        %add3A_817 = arith.constant 128 : i32
        %add3A_818 = arith.addi %mul3A_816, %add3A_817 : i32
        %dma_start3A_819 = arith.constant 128 : i32
        %dma_start3A_820 = arith.constant 0 : i32
        %dma_start3A_821 = tpu.memref_slice %arg7[%dma_start3A_819, %dma_start3A_820] : memref<256x16xf32, #tpu.memory_space<vmem>> -> memref<128x16xf32, #tpu.memory_space<vmem>>
        %dma_start3A_822 = tpu.memref_slice %arg5[%add3A_818] : memref<51200xi32, #tpu.memory_space<vmem>> -> memref<128xi32, #tpu.memory_space<vmem>>
        %dma_start3A_823 = arith.constant 0 : i32
        %dma_start3A_824 = arith.constant 0 : i32
        %dma_start3A_825 = tpu.memref_slice %arg2[%dma_start3A_823, %dma_start3A_824] : memref<65536x16xf32, #tpu.memory_space<hbm>> -> memref<65536x16xf32, #tpu.memory_space<hbm>>
        tpu.enqueue_indirect_dma source(%dma_start3A_825 : memref<65536x16xf32, #tpu.memory_space<hbm>>) target(%dma_start3A_821 : memref<128x16xf32, #tpu.memory_space<vmem>>) offsets(%dma_start3A_822 : memref<128xi32, #tpu.memory_space<vmem>>) semaphore(%arg16 : memref<!tpu.dma_semaphore, #tpu.memory_space<semaphore_mem>>)
      } else {
      }
      %add3A_411 = arith.constant 3 : i32
      %add3A_412 = arith.addi %mul3A_181, %add3A_411 : i32
      %dma_wait3A_413 = arith.constant 0 : i32
      %dma_wait3A_414 = arith.constant 0 : i32
      %dma_wait3A_415 = tpu.memref_slice %arg9[%dma_wait3A_413, %dma_wait3A_414] : memref<256x16xf32, #tpu.memory_space<vmem>> -> memref<128x16xf32, #tpu.memory_space<vmem>>
      %dma_wait3A_416 = arith.constant 0 : i32
      %dma_wait3A_417 = arith.constant 0 : i32
      %dma_wait3A_418 = tpu.memref_slice %arg2[%dma_wait3A_416, %dma_wait3A_417] : memref<65536x16xf32, #tpu.memory_space<hbm>> -> memref<128x16xf32, #tpu.memory_space<hbm>>
      %dma_wait3A_419 = arith.constant 0 : i32
      %dma_wait3A_420 = arith.constant 0 : i32
      %dma_wait3A_421 = tpu.memref_slice %arg9[%dma_wait3A_419, %dma_wait3A_420] : memref<256x16xf32, #tpu.memory_space<vmem>> -> memref<128x16xf32, #tpu.memory_space<vmem>>
      %dma_wait3A_422 = arith.constant 0 : i32
      %dma_wait3A_423 = arith.constant 0 : i32
      %dma_wait3A_424 = tpu.memref_slice %arg2[%dma_wait3A_422, %dma_wait3A_423] : memref<65536x16xf32, #tpu.memory_space<hbm>> -> memref<128x16xf32, #tpu.memory_space<hbm>>
      tpu.wait_dma2 semaphore(%arg18 : memref<!tpu.dma_semaphore, #tpu.memory_space<semaphore_mem>>) src(%dma_wait3A_424 : memref<128x16xf32, #tpu.memory_space<hbm>>) dst(%dma_wait3A_421 : memref<128x16xf32, #tpu.memory_space<vmem>>)
      %dma_wait3A_425 = arith.constant 128 : i32
      %dma_wait3A_426 = arith.constant 0 : i32
      %dma_wait3A_427 = tpu.memref_slice %arg9[%dma_wait3A_425, %dma_wait3A_426] : memref<256x16xf32, #tpu.memory_space<vmem>> -> memref<128x16xf32, #tpu.memory_space<vmem>>
      %dma_wait3A_428 = arith.constant 0 : i32
      %dma_wait3A_429 = arith.constant 0 : i32
      %dma_wait3A_430 = tpu.memref_slice %arg2[%dma_wait3A_428, %dma_wait3A_429] : memref<65536x16xf32, #tpu.memory_space<hbm>> -> memref<128x16xf32, #tpu.memory_space<hbm>>
      %dma_wait3A_431 = arith.constant 128 : i32
      %dma_wait3A_432 = arith.constant 0 : i32
      %dma_wait3A_433 = tpu.memref_slice %arg9[%dma_wait3A_431, %dma_wait3A_432] : memref<256x16xf32, #tpu.memory_space<vmem>> -> memref<128x16xf32, #tpu.memory_space<vmem>>
      %dma_wait3A_434 = arith.constant 0 : i32
      %dma_wait3A_435 = arith.constant 0 : i32
      %dma_wait3A_436 = tpu.memref_slice %arg2[%dma_wait3A_434, %dma_wait3A_435] : memref<65536x16xf32, #tpu.memory_space<hbm>> -> memref<128x16xf32, #tpu.memory_space<hbm>>
      tpu.wait_dma2 semaphore(%arg18 : memref<!tpu.dma_semaphore, #tpu.memory_space<semaphore_mem>>) src(%dma_wait3A_436 : memref<128x16xf32, #tpu.memory_space<hbm>>) dst(%dma_wait3A_433 : memref<128x16xf32, #tpu.memory_space<vmem>>)
      %broadcast_in_dim3A_437 = arith.constant 0.000000e+00 : f32
      %broadcast_in_dim3A_438 = vector.broadcast %broadcast_in_dim3A_437 : f32 to vector<16xf32>
      %scan3A_439 = arith.constant 0 : i32
      %scan3A_440 = arith.constant 32 : i32
      %scan3A_441 = arith.addi %scan3A_439, %scan3A_440 : i32
      %scan3A_442 = arith.constant 1 : i32
      %scan3A_443:2 = scf.for %scan3A_802 = %scan3A_439 to %scan3A_441 step %scan3A_442 iter_args(%scan3A_803 = %broadcast_in_dim3A_438, %scan3A_804 = %broadcast_in_dim3A_438) -> (vector<16xf32>, vector<16xf32>)  : i32 {
        %mul3A_805 = arith.constant 8 : i32
        %mul3A_806 = arith.muli %scan3A_802, %mul3A_805 : i32
        %get3A = arith.index_cast %mul3A_806 : i32 to index
        %get3A_807 = arith.constant 0 : index
        %get3A_808 = tpu.vector_load %arg9[%get3A, %get3A_807] {strides = array<i32>} : memref<256x16xf32, #tpu.memory_space<vmem>>, vector<16xf32>,
        %bitcast3A = vector.bitcast %get3A_808 : vector<16xf32> to vector<32xbf16>
        %add3A_809 = arith.constant 1 : i32
        %add3A_810 = arith.addi %mul3A_806, %add3A_809 : i32
        %get3A_811 = arith.index_cast %add3A_810 : i32 to index
        %get3A_812 = arith.constant 0 : index
        %get3A_813 = tpu.vector_load %arg9[%get3A_811, %get3A_812] {strides = array<i32>} : memref<256x16xf32, #tpu.memory_space<vmem>>, vector<16xf32>,
        %bitcast3A_814 = vector.bitcast %get3A_813 : vector<16xf32> to vector<32xbf16>
        %add3A_815 = arith.addf %bitcast3A, %bitcast3A_814 : vector<32xbf16>
        %add3A_816 = arith.constant 2 : i32
        %add3A_817 = arith.addi %mul3A_806, %add3A_816 : i32
        %get3A_818 = arith.index_cast %add3A_817 : i32 to index
        %get3A_819 = arith.constant 0 : index
        %get3A_820 = tpu.vector_load %arg9[%get3A_818, %get3A_819] {strides = array<i32>} : memref<256x16xf32, #tpu.memory_space<vmem>>, vector<16xf32>,
        %bitcast3A_821 = vector.bitcast %get3A_820 : vector<16xf32> to vector<32xbf16>
        %add3A_822 = arith.addf %add3A_815, %bitcast3A_821 : vector<32xbf16>
        %add3A_823 = arith.constant 3 : i32
        %add3A_824 = arith.addi %mul3A_806, %add3A_823 : i32
        %get3A_825 = arith.index_cast %add3A_824 : i32 to index
        %get3A_826 = arith.constant 0 : index
        %get3A_827 = tpu.vector_load %arg9[%get3A_825, %get3A_826] {strides = array<i32>} : memref<256x16xf32, #tpu.memory_space<vmem>>, vector<16xf32>,
        %bitcast3A_828 = vector.bitcast %get3A_827 : vector<16xf32> to vector<32xbf16>
        %add3A_829 = arith.addf %add3A_822, %bitcast3A_828 : vector<32xbf16>
        %add3A_830 = arith.constant 4 : i32
        %add3A_831 = arith.addi %mul3A_806, %add3A_830 : i32
        %get3A_832 = arith.index_cast %add3A_831 : i32 to index
        %get3A_833 = arith.constant 0 : index
        %get3A_834 = tpu.vector_load %arg9[%get3A_832, %get3A_833] {strides = array<i32>} : memref<256x16xf32, #tpu.memory_space<vmem>>, vector<16xf32>,
        %bitcast3A_835 = vector.bitcast %get3A_834 : vector<16xf32> to vector<32xbf16>
        %add3A_836 = arith.addf %add3A_829, %bitcast3A_835 : vector<32xbf16>
        %add3A_837 = arith.constant 5 : i32
        %add3A_838 = arith.addi %mul3A_806, %add3A_837 : i32
        %get3A_839 = arith.index_cast %add3A_838 : i32 to index
        %get3A_840 = arith.constant 0 : index
        %get3A_841 = tpu.vector_load %arg9[%get3A_839, %get3A_840] {strides = array<i32>} : memref<256x16xf32, #tpu.memory_space<vmem>>, vector<16xf32>,
        %bitcast3A_842 = vector.bitcast %get3A_841 : vector<16xf32> to vector<32xbf16>
        %add3A_843 = arith.addf %add3A_836, %bitcast3A_842 : vector<32xbf16>
        %add3A_844 = arith.constant 6 : i32
        %add3A_845 = arith.addi %mul3A_806, %add3A_844 : i32
        %get3A_846 = arith.index_cast %add3A_845 : i32 to index
        %get3A_847 = arith.constant 0 : index
        %get3A_848 = tpu.vector_load %arg9[%get3A_846, %get3A_847] {strides = array<i32>} : memref<256x16xf32, #tpu.memory_space<vmem>>, vector<16xf32>,
        %bitcast3A_849 = vector.bitcast %get3A_848 : vector<16xf32> to vector<32xbf16>
        %add3A_850 = arith.addf %add3A_843, %bitcast3A_849 : vector<32xbf16>
        %add3A_851 = arith.constant 7 : i32
        %add3A_852 = arith.addi %mul3A_806, %add3A_851 : i32
        %get3A_853 = arith.index_cast %add3A_852 : i32 to index
        %get3A_854 = arith.constant 0 : index
        %get3A_855 = tpu.vector_load %arg9[%get3A_853, %get3A_854] {strides = array<i32>} : memref<256x16xf32, #tpu.memory_space<vmem>>, vector<16xf32>,
        %bitcast3A_856 = vector.bitcast %get3A_855 : vector<16xf32> to vector<32xbf16>
        %add3A_857 = arith.addf %add3A_850, %bitcast3A_856 : vector<32xbf16>
        %unpack3A = tpu.unpack_subelements %add3A_857, 0 {pack_format = #tpu.pack_format<interleaved>} : vector<32xbf16> -> vector<16xf32>
        %unpack3A_858 = tpu.unpack_subelements %add3A_857, 1 {pack_format = #tpu.pack_format<interleaved>} : vector<32xbf16> -> vector<16xf32>
        %add3A_859 = arith.addf %scan3A_803, %unpack3A : vector<16xf32>
        %add3A_860 = arith.addf %scan3A_804, %unpack3A_858 : vector<16xf32>
        scf.yield %add3A_859, %add3A_860 : vector<16xf32>, vector<16xf32>
      }
      %scan3A_444 = arith.constant 32 : i32
      %jit3A_445 = arith.constant 100 : i32
      %div3A_446 = arith.divsi %add3A_412, %jit3A_445 : i32
      %sign3A_447 = arith.constant 0 : i32
      %sign3A_448 = arith.cmpi sgt, %add3A_412, %sign3A_447 : i32
      %sign3A_449 = arith.extui %sign3A_448 : i1 to i32
      %sign3A_450 = arith.constant 0 : i32
      %sign3A_451 = arith.cmpi slt, %add3A_412, %sign3A_450 : i32
      %sign3A_452 = arith.extui %sign3A_451 : i1 to i32
      %sign3A_453 = arith.subi %sign3A_449, %sign3A_452 : i32
      %sign3A_454 = arith.constant 0 : i32
      %sign3A_455 = arith.cmpi sgt, %jit3A_445, %sign3A_454 : i32
      %sign3A_456 = arith.extui %sign3A_455 : i1 to i32
      %sign3A_457 = arith.constant 0 : i32
      %sign3A_458 = arith.cmpi slt, %jit3A_445, %sign3A_457 : i32
      %sign3A_459 = arith.extui %sign3A_458 : i1 to i32
      %sign3A_460 = arith.subi %sign3A_456, %sign3A_459 : i32
      %ne3A_461 = arith.cmpi ne, %sign3A_453, %sign3A_460 : i32
      %rem3A_462 = arith.remsi %add3A_412, %jit3A_445 : i32
      %ne3A_463 = arith.constant 0 : i32
      %ne3A_464 = arith.cmpi ne, %rem3A_462, %ne3A_463 : i32
      %and3A_465 = arith.andi %ne3A_461, %ne3A_464 : i1
      %sub3A_466 = arith.constant 1 : i32
      %sub3A_467 = arith.subi %div3A_446, %sub3A_466 : i32
      %select_n3A_468 = arith.select %and3A_465, %sub3A_467, %div3A_446 : i32
      %mul3A_469 = arith.constant 100 : i32
      %mul3A_470 = arith.muli %select_n3A_468, %mul3A_469 : i32
      %sub3A_471 = arith.subi %add3A_412, %mul3A_470 : i32
      %swap3A_472 = arith.index_cast %select_n3A_468 : i32 to index
      %swap3A_473 = arith.index_cast %sub3A_471 : i32 to index
      %swap3A_474 = arith.constant 0 : index
      %swap3A_475 = tpu.vector_load %arg14[%swap3A_472, %swap3A_473, %swap3A_474] {strides = array<i32>} : memref<2x100x32xf32, #tpu.memory_space<vmem>>, vector<16xf32>,
      tpu.vector_store %arg14[%swap3A_472, %swap3A_473, %swap3A_474], %scan3A_443#0 {strides = array<i32>} : memref<2x100x32xf32, #tpu.memory_space<vmem>>, vector<16xf32>,
      %swap3A_476 = arith.index_cast %select_n3A_468 : i32 to index
      %swap3A_477 = arith.index_cast %sub3A_471 : i32 to index
      %swap3A_478 = arith.constant 16 : index
      %swap3A_479 = tpu.vector_load %arg14[%swap3A_476, %swap3A_477, %swap3A_478] {strides = array<i32>} : memref<2x100x32xf32, #tpu.memory_space<vmem>>, vector<16xf32>,
      tpu.vector_store %arg14[%swap3A_476, %swap3A_477, %swap3A_478], %scan3A_443#1 {strides = array<i32>} : memref<2x100x32xf32, #tpu.memory_space<vmem>>, vector<16xf32>,
      %add3A_480 = arith.constant 8 : i32
      %add3A_481 = arith.addi %add3A_412, %add3A_480 : i32
      %sub3A_482 = arith.constant 1 : i32
      %sub3A_483 = arith.subi %add3A_481, %sub3A_482 : i32
      %lt3A_484 = arith.constant 200 : i32
      %lt3A_485 = arith.cmpi slt, %sub3A_483, %lt3A_484 : i32
      %convert_element_type3A_486 = arith.extui %lt3A_485 : i1 to i32
      %cond3A_487 = arith.constant 0 : i32
      %cond3A_488 = arith.cmpi ne, %convert_element_type3A_486, %cond3A_487 : i32
      scf.if %cond3A_488 {
        %add3A_802 = arith.constant 8 : i32
        %add3A_803 = arith.addi %add3A_412, %add3A_802 : i32
        %sub3A_804 = arith.constant 1 : i32
        %sub3A_805 = arith.subi %add3A_803, %sub3A_804 : i32
        %mul3A_806 = arith.constant 256 : i32
        %mul3A_807 = arith.muli %sub3A_805, %mul3A_806 : i32
        %dma_start3A_808 = arith.constant 0 : i32
        %dma_start3A_809 = arith.constant 0 : i32
        %dma_start3A_810 = tpu.memref_slice %arg8[%dma_start3A_808, %dma_start3A_809] : memref<256x16xf32, #tpu.memory_space<vmem>> -> memref<128x16xf32, #tpu.memory_space<vmem>>
        %dma_start3A_811 = tpu.memref_slice %arg5[%mul3A_807] : memref<51200xi32, #tpu.memory_space<vmem>> -> memref<128xi32, #tpu.memory_space<vmem>>
        %dma_start3A_812 = arith.constant 0 : i32
        %dma_start3A_813 = arith.constant 0 : i32
        %dma_start3A_814 = tpu.memref_slice %arg2[%dma_start3A_812, %dma_start3A_813] : memref<65536x16xf32, #tpu.memory_space<hbm>> -> memref<65536x16xf32, #tpu.memory_space<hbm>>
        tpu.enqueue_indirect_dma source(%dma_start3A_814 : memref<65536x16xf32, #tpu.memory_space<hbm>>) target(%dma_start3A_810 : memref<128x16xf32, #tpu.memory_space<vmem>>) offsets(%dma_start3A_811 : memref<128xi32, #tpu.memory_space<vmem>>) semaphore(%arg17 : memref<!tpu.dma_semaphore, #tpu.memory_space<semaphore_mem>>)
        %mul3A_815 = arith.constant 256 : i32
        %mul3A_816 = arith.muli %sub3A_805, %mul3A_815 : i32
        %add3A_817 = arith.constant 128 : i32
        %add3A_818 = arith.addi %mul3A_816, %add3A_817 : i32
        %dma_start3A_819 = arith.constant 128 : i32
        %dma_start3A_820 = arith.constant 0 : i32
        %dma_start3A_821 = tpu.memref_slice %arg8[%dma_start3A_819, %dma_start3A_820] : memref<256x16xf32, #tpu.memory_space<vmem>> -> memref<128x16xf32, #tpu.memory_space<vmem>>
        %dma_start3A_822 = tpu.memref_slice %arg5[%add3A_818] : memref<51200xi32, #tpu.memory_space<vmem>> -> memref<128xi32, #tpu.memory_space<vmem>>
        %dma_start3A_823 = arith.constant 0 : i32
        %dma_start3A_824 = arith.constant 0 : i32
        %dma_start3A_825 = tpu.memref_slice %arg2[%dma_start3A_823, %dma_start3A_824] : memref<65536x16xf32, #tpu.memory_space<hbm>> -> memref<65536x16xf32, #tpu.memory_space<hbm>>
        tpu.enqueue_indirect_dma source(%dma_start3A_825 : memref<65536x16xf32, #tpu.memory_space<hbm>>) target(%dma_start3A_821 : memref<128x16xf32, #tpu.memory_space<vmem>>) offsets(%dma_start3A_822 : memref<128xi32, #tpu.memory_space<vmem>>) semaphore(%arg17 : memref<!tpu.dma_semaphore, #tpu.memory_space<semaphore_mem>>)
      } else {
      }
      %add3A_489 = arith.constant 4 : i32
      %add3A_490 = arith.addi %mul3A_181, %add3A_489 : i32
      %dma_wait3A_491 = arith.constant 0 : i32
      %dma_wait3A_492 = arith.constant 0 : i32
      %dma_wait3A_493 = tpu.memref_slice %arg10[%dma_wait3A_491, %dma_wait3A_492] : memref<256x16xf32, #tpu.memory_space<vmem>> -> memref<128x16xf32, #tpu.memory_space<vmem>>
      %dma_wait3A_494 = arith.constant 0 : i32
      %dma_wait3A_495 = arith.constant 0 : i32
      %dma_wait3A_496 = tpu.memref_slice %arg2[%dma_wait3A_494, %dma_wait3A_495] : memref<65536x16xf32, #tpu.memory_space<hbm>> -> memref<128x16xf32, #tpu.memory_space<hbm>>
      %dma_wait3A_497 = arith.constant 0 : i32
      %dma_wait3A_498 = arith.constant 0 : i32
      %dma_wait3A_499 = tpu.memref_slice %arg10[%dma_wait3A_497, %dma_wait3A_498] : memref<256x16xf32, #tpu.memory_space<vmem>> -> memref<128x16xf32, #tpu.memory_space<vmem>>
      %dma_wait3A_500 = arith.constant 0 : i32
      %dma_wait3A_501 = arith.constant 0 : i32
      %dma_wait3A_502 = tpu.memref_slice %arg2[%dma_wait3A_500, %dma_wait3A_501] : memref<65536x16xf32, #tpu.memory_space<hbm>> -> memref<128x16xf32, #tpu.memory_space<hbm>>
      tpu.wait_dma2 semaphore(%arg19 : memref<!tpu.dma_semaphore, #tpu.memory_space<semaphore_mem>>) src(%dma_wait3A_502 : memref<128x16xf32, #tpu.memory_space<hbm>>) dst(%dma_wait3A_499 : memref<128x16xf32, #tpu.memory_space<vmem>>)
      %dma_wait3A_503 = arith.constant 128 : i32
      %dma_wait3A_504 = arith.constant 0 : i32
      %dma_wait3A_505 = tpu.memref_slice %arg10[%dma_wait3A_503, %dma_wait3A_504] : memref<256x16xf32, #tpu.memory_space<vmem>> -> memref<128x16xf32, #tpu.memory_space<vmem>>
      %dma_wait3A_506 = arith.constant 0 : i32
      %dma_wait3A_507 = arith.constant 0 : i32
      %dma_wait3A_508 = tpu.memref_slice %arg2[%dma_wait3A_506, %dma_wait3A_507] : memref<65536x16xf32, #tpu.memory_space<hbm>> -> memref<128x16xf32, #tpu.memory_space<hbm>>
      %dma_wait3A_509 = arith.constant 128 : i32
      %dma_wait3A_510 = arith.constant 0 : i32
      %dma_wait3A_511 = tpu.memref_slice %arg10[%dma_wait3A_509, %dma_wait3A_510] : memref<256x16xf32, #tpu.memory_space<vmem>> -> memref<128x16xf32, #tpu.memory_space<vmem>>
      %dma_wait3A_512 = arith.constant 0 : i32
      %dma_wait3A_513 = arith.constant 0 : i32
      %dma_wait3A_514 = tpu.memref_slice %arg2[%dma_wait3A_512, %dma_wait3A_513] : memref<65536x16xf32, #tpu.memory_space<hbm>> -> memref<128x16xf32, #tpu.memory_space<hbm>>
      tpu.wait_dma2 semaphore(%arg19 : memref<!tpu.dma_semaphore, #tpu.memory_space<semaphore_mem>>) src(%dma_wait3A_514 : memref<128x16xf32, #tpu.memory_space<hbm>>) dst(%dma_wait3A_511 : memref<128x16xf32, #tpu.memory_space<vmem>>)
      %broadcast_in_dim3A_515 = arith.constant 0.000000e+00 : f32
      %broadcast_in_dim3A_516 = vector.broadcast %broadcast_in_dim3A_515 : f32 to vector<16xf32>
      %scan3A_517 = arith.constant 0 : i32
      %scan3A_518 = arith.constant 32 : i32
      %scan3A_519 = arith.addi %scan3A_517, %scan3A_518 : i32
      %scan3A_520 = arith.constant 1 : i32
      %scan3A_521:2 = scf.for %scan3A_802 = %scan3A_517 to %scan3A_519 step %scan3A_520 iter_args(%scan3A_803 = %broadcast_in_dim3A_516, %scan3A_804 = %broadcast_in_dim3A_516) -> (vector<16xf32>, vector<16xf32>)  : i32 {
        %mul3A_805 = arith.constant 8 : i32
        %mul3A_806 = arith.muli %scan3A_802, %mul3A_805 : i32
        %get3A = arith.index_cast %mul3A_806 : i32 to index
        %get3A_807 = arith.constant 0 : index
        %get3A_808 = tpu.vector_load %arg10[%get3A, %get3A_807] {strides = array<i32>} : memref<256x16xf32, #tpu.memory_space<vmem>>, vector<16xf32>,
        %bitcast3A = vector.bitcast %get3A_808 : vector<16xf32> to vector<32xbf16>
        %add3A_809 = arith.constant 1 : i32
        %add3A_810 = arith.addi %mul3A_806, %add3A_809 : i32
        %get3A_811 = arith.index_cast %add3A_810 : i32 to index
        %get3A_812 = arith.constant 0 : index
        %get3A_813 = tpu.vector_load %arg10[%get3A_811, %get3A_812] {strides = array<i32>} : memref<256x16xf32, #tpu.memory_space<vmem>>, vector<16xf32>,
        %bitcast3A_814 = vector.bitcast %get3A_813 : vector<16xf32> to vector<32xbf16>
        %add3A_815 = arith.addf %bitcast3A, %bitcast3A_814 : vector<32xbf16>
        %add3A_816 = arith.constant 2 : i32
        %add3A_817 = arith.addi %mul3A_806, %add3A_816 : i32
        %get3A_818 = arith.index_cast %add3A_817 : i32 to index
        %get3A_819 = arith.constant 0 : index
        %get3A_820 = tpu.vector_load %arg10[%get3A_818, %get3A_819] {strides = array<i32>} : memref<256x16xf32, #tpu.memory_space<vmem>>, vector<16xf32>,
        %bitcast3A_821 = vector.bitcast %get3A_820 : vector<16xf32> to vector<32xbf16>
        %add3A_822 = arith.addf %add3A_815, %bitcast3A_821 : vector<32xbf16>
        %add3A_823 = arith.constant 3 : i32
        %add3A_824 = arith.addi %mul3A_806, %add3A_823 : i32
        %get3A_825 = arith.index_cast %add3A_824 : i32 to index
        %get3A_826 = arith.constant 0 : index
        %get3A_827 = tpu.vector_load %arg10[%get3A_825, %get3A_826] {strides = array<i32>} : memref<256x16xf32, #tpu.memory_space<vmem>>, vector<16xf32>,
        %bitcast3A_828 = vector.bitcast %get3A_827 : vector<16xf32> to vector<32xbf16>
        %add3A_829 = arith.addf %add3A_822, %bitcast3A_828 : vector<32xbf16>
        %add3A_830 = arith.constant 4 : i32
        %add3A_831 = arith.addi %mul3A_806, %add3A_830 : i32
        %get3A_832 = arith.index_cast %add3A_831 : i32 to index
        %get3A_833 = arith.constant 0 : index
        %get3A_834 = tpu.vector_load %arg10[%get3A_832, %get3A_833] {strides = array<i32>} : memref<256x16xf32, #tpu.memory_space<vmem>>, vector<16xf32>,
        %bitcast3A_835 = vector.bitcast %get3A_834 : vector<16xf32> to vector<32xbf16>
        %add3A_836 = arith.addf %add3A_829, %bitcast3A_835 : vector<32xbf16>
        %add3A_837 = arith.constant 5 : i32
        %add3A_838 = arith.addi %mul3A_806, %add3A_837 : i32
        %get3A_839 = arith.index_cast %add3A_838 : i32 to index
        %get3A_840 = arith.constant 0 : index
        %get3A_841 = tpu.vector_load %arg10[%get3A_839, %get3A_840] {strides = array<i32>} : memref<256x16xf32, #tpu.memory_space<vmem>>, vector<16xf32>,
        %bitcast3A_842 = vector.bitcast %get3A_841 : vector<16xf32> to vector<32xbf16>
        %add3A_843 = arith.addf %add3A_836, %bitcast3A_842 : vector<32xbf16>
        %add3A_844 = arith.constant 6 : i32
        %add3A_845 = arith.addi %mul3A_806, %add3A_844 : i32
        %get3A_846 = arith.index_cast %add3A_845 : i32 to index
        %get3A_847 = arith.constant 0 : index
        %get3A_848 = tpu.vector_load %arg10[%get3A_846, %get3A_847] {strides = array<i32>} : memref<256x16xf32, #tpu.memory_space<vmem>>, vector<16xf32>,
        %bitcast3A_849 = vector.bitcast %get3A_848 : vector<16xf32> to vector<32xbf16>
        %add3A_850 = arith.addf %add3A_843, %bitcast3A_849 : vector<32xbf16>
        %add3A_851 = arith.constant 7 : i32
        %add3A_852 = arith.addi %mul3A_806, %add3A_851 : i32
        %get3A_853 = arith.index_cast %add3A_852 : i32 to index
        %get3A_854 = arith.constant 0 : index
        %get3A_855 = tpu.vector_load %arg10[%get3A_853, %get3A_854] {strides = array<i32>} : memref<256x16xf32, #tpu.memory_space<vmem>>, vector<16xf32>,
        %bitcast3A_856 = vector.bitcast %get3A_855 : vector<16xf32> to vector<32xbf16>
        %add3A_857 = arith.addf %add3A_850, %bitcast3A_856 : vector<32xbf16>
        %unpack3A = tpu.unpack_subelements %add3A_857, 0 {pack_format = #tpu.pack_format<interleaved>} : vector<32xbf16> -> vector<16xf32>
        %unpack3A_858 = tpu.unpack_subelements %add3A_857, 1 {pack_format = #tpu.pack_format<interleaved>} : vector<32xbf16> -> vector<16xf32>
        %add3A_859 = arith.addf %scan3A_803, %unpack3A : vector<16xf32>
        %add3A_860 = arith.addf %scan3A_804, %unpack3A_858 : vector<16xf32>
        scf.yield %add3A_859, %add3A_860 : vector<16xf32>, vector<16xf32>
      }
      %scan3A_522 = arith.constant 32 : i32
      %jit3A_523 = arith.constant 100 : i32
      %div3A_524 = arith.divsi %add3A_490, %jit3A_523 : i32
      %sign3A_525 = arith.constant 0 : i32
      %sign3A_526 = arith.cmpi sgt, %add3A_490, %sign3A_525 : i32
      %sign3A_527 = arith.extui %sign3A_526 : i1 to i32
      %sign3A_528 = arith.constant 0 : i32
      %sign3A_529 = arith.cmpi slt, %add3A_490, %sign3A_528 : i32
      %sign3A_530 = arith.extui %sign3A_529 : i1 to i32
      %sign3A_531 = arith.subi %sign3A_527, %sign3A_530 : i32
      %sign3A_532 = arith.constant 0 : i32
      %sign3A_533 = arith.cmpi sgt, %jit3A_523, %sign3A_532 : i32
      %sign3A_534 = arith.extui %sign3A_533 : i1 to i32
      %sign3A_535 = arith.constant 0 : i32
      %sign3A_536 = arith.cmpi slt, %jit3A_523, %sign3A_535 : i32
      %sign3A_537 = arith.extui %sign3A_536 : i1 to i32
      %sign3A_538 = arith.subi %sign3A_534, %sign3A_537 : i32
      %ne3A_539 = arith.cmpi ne, %sign3A_531, %sign3A_538 : i32
      %rem3A_540 = arith.remsi %add3A_490, %jit3A_523 : i32
      %ne3A_541 = arith.constant 0 : i32
      %ne3A_542 = arith.cmpi ne, %rem3A_540, %ne3A_541 : i32
      %and3A_543 = arith.andi %ne3A_539, %ne3A_542 : i1
      %sub3A_544 = arith.constant 1 : i32
      %sub3A_545 = arith.subi %div3A_524, %sub3A_544 : i32
      %select_n3A_546 = arith.select %and3A_543, %sub3A_545, %div3A_524 : i32
      %mul3A_547 = arith.constant 100 : i32
      %mul3A_548 = arith.muli %select_n3A_546, %mul3A_547 : i32
      %sub3A_549 = arith.subi %add3A_490, %mul3A_548 : i32
      %swap3A_550 = arith.index_cast %select_n3A_546 : i32 to index
      %swap3A_551 = arith.index_cast %sub3A_549 : i32 to index
      %swap3A_552 = arith.constant 0 : index
      %swap3A_553 = tpu.vector_load %arg14[%swap3A_550, %swap3A_551, %swap3A_552] {strides = array<i32>} : memref<2x100x32xf32, #tpu.memory_space<vmem>>, vector<16xf32>,
      tpu.vector_store %arg14[%swap3A_550, %swap3A_551, %swap3A_552], %scan3A_521#0 {strides = array<i32>} : memref<2x100x32xf32, #tpu.memory_space<vmem>>, vector<16xf32>,
      %swap3A_554 = arith.index_cast %select_n3A_546 : i32 to index
      %swap3A_555 = arith.index_cast %sub3A_549 : i32 to index
      %swap3A_556 = arith.constant 16 : index
      %swap3A_557 = tpu.vector_load %arg14[%swap3A_554, %swap3A_555, %swap3A_556] {strides = array<i32>} : memref<2x100x32xf32, #tpu.memory_space<vmem>>, vector<16xf32>,
      tpu.vector_store %arg14[%swap3A_554, %swap3A_555, %swap3A_556], %scan3A_521#1 {strides = array<i32>} : memref<2x100x32xf32, #tpu.memory_space<vmem>>, vector<16xf32>,
      %add3A_558 = arith.constant 8 : i32
      %add3A_559 = arith.addi %add3A_490, %add3A_558 : i32
      %sub3A_560 = arith.constant 1 : i32
      %sub3A_561 = arith.subi %add3A_559, %sub3A_560 : i32
      %lt3A_562 = arith.constant 200 : i32
      %lt3A_563 = arith.cmpi slt, %sub3A_561, %lt3A_562 : i32
      %convert_element_type3A_564 = arith.extui %lt3A_563 : i1 to i32
      %cond3A_565 = arith.constant 0 : i32
      %cond3A_566 = arith.cmpi ne, %convert_element_type3A_564, %cond3A_565 : i32
      scf.if %cond3A_566 {
        %add3A_802 = arith.constant 8 : i32
        %add3A_803 = arith.addi %add3A_490, %add3A_802 : i32
        %sub3A_804 = arith.constant 1 : i32
        %sub3A_805 = arith.subi %add3A_803, %sub3A_804 : i32
        %mul3A_806 = arith.constant 256 : i32
        %mul3A_807 = arith.muli %sub3A_805, %mul3A_806 : i32
        %dma_start3A_808 = arith.constant 0 : i32
        %dma_start3A_809 = arith.constant 0 : i32
        %dma_start3A_810 = tpu.memref_slice %arg9[%dma_start3A_808, %dma_start3A_809] : memref<256x16xf32, #tpu.memory_space<vmem>> -> memref<128x16xf32, #tpu.memory_space<vmem>>
        %dma_start3A_811 = tpu.memref_slice %arg5[%mul3A_807] : memref<51200xi32, #tpu.memory_space<vmem>> -> memref<128xi32, #tpu.memory_space<vmem>>
        %dma_start3A_812 = arith.constant 0 : i32
        %dma_start3A_813 = arith.constant 0 : i32
        %dma_start3A_814 = tpu.memref_slice %arg2[%dma_start3A_812, %dma_start3A_813] : memref<65536x16xf32, #tpu.memory_space<hbm>> -> memref<65536x16xf32, #tpu.memory_space<hbm>>
        tpu.enqueue_indirect_dma source(%dma_start3A_814 : memref<65536x16xf32, #tpu.memory_space<hbm>>) target(%dma_start3A_810 : memref<128x16xf32, #tpu.memory_space<vmem>>) offsets(%dma_start3A_811 : memref<128xi32, #tpu.memory_space<vmem>>) semaphore(%arg18 : memref<!tpu.dma_semaphore, #tpu.memory_space<semaphore_mem>>)
        %mul3A_815 = arith.constant 256 : i32
        %mul3A_816 = arith.muli %sub3A_805, %mul3A_815 : i32
        %add3A_817 = arith.constant 128 : i32
        %add3A_818 = arith.addi %mul3A_816, %add3A_817 : i32
        %dma_start3A_819 = arith.constant 128 : i32
        %dma_start3A_820 = arith.constant 0 : i32
        %dma_start3A_821 = tpu.memref_slice %arg9[%dma_start3A_819, %dma_start3A_820] : memref<256x16xf32, #tpu.memory_space<vmem>> -> memref<128x16xf32, #tpu.memory_space<vmem>>
        %dma_start3A_822 = tpu.memref_slice %arg5[%add3A_818] : memref<51200xi32, #tpu.memory_space<vmem>> -> memref<128xi32, #tpu.memory_space<vmem>>
        %dma_start3A_823 = arith.constant 0 : i32
        %dma_start3A_824 = arith.constant 0 : i32
        %dma_start3A_825 = tpu.memref_slice %arg2[%dma_start3A_823, %dma_start3A_824] : memref<65536x16xf32, #tpu.memory_space<hbm>> -> memref<65536x16xf32, #tpu.memory_space<hbm>>
        tpu.enqueue_indirect_dma source(%dma_start3A_825 : memref<65536x16xf32, #tpu.memory_space<hbm>>) target(%dma_start3A_821 : memref<128x16xf32, #tpu.memory_space<vmem>>) offsets(%dma_start3A_822 : memref<128xi32, #tpu.memory_space<vmem>>) semaphore(%arg18 : memref<!tpu.dma_semaphore, #tpu.memory_space<semaphore_mem>>)
      } else {
      }
      %add3A_567 = arith.constant 5 : i32
      %add3A_568 = arith.addi %mul3A_181, %add3A_567 : i32
      %dma_wait3A_569 = arith.constant 0 : i32
      %dma_wait3A_570 = arith.constant 0 : i32
      %dma_wait3A_571 = tpu.memref_slice %arg11[%dma_wait3A_569, %dma_wait3A_570] : memref<256x16xf32, #tpu.memory_space<vmem>> -> memref<128x16xf32, #tpu.memory_space<vmem>>
      %dma_wait3A_572 = arith.constant 0 : i32
      %dma_wait3A_573 = arith.constant 0 : i32
      %dma_wait3A_574 = tpu.memref_slice %arg2[%dma_wait3A_572, %dma_wait3A_573] : memref<65536x16xf32, #tpu.memory_space<hbm>> -> memref<128x16xf32, #tpu.memory_space<hbm>>
      %dma_wait3A_575 = arith.constant 0 : i32
      %dma_wait3A_576 = arith.constant 0 : i32
      %dma_wait3A_577 = tpu.memref_slice %arg11[%dma_wait3A_575, %dma_wait3A_576] : memref<256x16xf32, #tpu.memory_space<vmem>> -> memref<128x16xf32, #tpu.memory_space<vmem>>
      %dma_wait3A_578 = arith.constant 0 : i32
      %dma_wait3A_579 = arith.constant 0 : i32
      %dma_wait3A_580 = tpu.memref_slice %arg2[%dma_wait3A_578, %dma_wait3A_579] : memref<65536x16xf32, #tpu.memory_space<hbm>> -> memref<128x16xf32, #tpu.memory_space<hbm>>
      tpu.wait_dma2 semaphore(%arg20 : memref<!tpu.dma_semaphore, #tpu.memory_space<semaphore_mem>>) src(%dma_wait3A_580 : memref<128x16xf32, #tpu.memory_space<hbm>>) dst(%dma_wait3A_577 : memref<128x16xf32, #tpu.memory_space<vmem>>)
      %dma_wait3A_581 = arith.constant 128 : i32
      %dma_wait3A_582 = arith.constant 0 : i32
      %dma_wait3A_583 = tpu.memref_slice %arg11[%dma_wait3A_581, %dma_wait3A_582] : memref<256x16xf32, #tpu.memory_space<vmem>> -> memref<128x16xf32, #tpu.memory_space<vmem>>
      %dma_wait3A_584 = arith.constant 0 : i32
      %dma_wait3A_585 = arith.constant 0 : i32
      %dma_wait3A_586 = tpu.memref_slice %arg2[%dma_wait3A_584, %dma_wait3A_585] : memref<65536x16xf32, #tpu.memory_space<hbm>> -> memref<128x16xf32, #tpu.memory_space<hbm>>
      %dma_wait3A_587 = arith.constant 128 : i32
      %dma_wait3A_588 = arith.constant 0 : i32
      %dma_wait3A_589 = tpu.memref_slice %arg11[%dma_wait3A_587, %dma_wait3A_588] : memref<256x16xf32, #tpu.memory_space<vmem>> -> memref<128x16xf32, #tpu.memory_space<vmem>>
      %dma_wait3A_590 = arith.constant 0 : i32
      %dma_wait3A_591 = arith.constant 0 : i32
      %dma_wait3A_592 = tpu.memref_slice %arg2[%dma_wait3A_590, %dma_wait3A_591] : memref<65536x16xf32, #tpu.memory_space<hbm>> -> memref<128x16xf32, #tpu.memory_space<hbm>>
      tpu.wait_dma2 semaphore(%arg20 : memref<!tpu.dma_semaphore, #tpu.memory_space<semaphore_mem>>) src(%dma_wait3A_592 : memref<128x16xf32, #tpu.memory_space<hbm>>) dst(%dma_wait3A_589 : memref<128x16xf32, #tpu.memory_space<vmem>>)
      %broadcast_in_dim3A_593 = arith.constant 0.000000e+00 : f32
      %broadcast_in_dim3A_594 = vector.broadcast %broadcast_in_dim3A_593 : f32 to vector<16xf32>
      %scan3A_595 = arith.constant 0 : i32
      %scan3A_596 = arith.constant 32 : i32
      %scan3A_597 = arith.addi %scan3A_595, %scan3A_596 : i32
      %scan3A_598 = arith.constant 1 : i32
      %scan3A_599:2 = scf.for %scan3A_802 = %scan3A_595 to %scan3A_597 step %scan3A_598 iter_args(%scan3A_803 = %broadcast_in_dim3A_594, %scan3A_804 = %broadcast_in_dim3A_594) -> (vector<16xf32>, vector<16xf32>)  : i32 {
        %mul3A_805 = arith.constant 8 : i32
        %mul3A_806 = arith.muli %scan3A_802, %mul3A_805 : i32
        %get3A = arith.index_cast %mul3A_806 : i32 to index
        %get3A_807 = arith.constant 0 : index
        %get3A_808 = tpu.vector_load %arg11[%get3A, %get3A_807] {strides = array<i32>} : memref<256x16xf32, #tpu.memory_space<vmem>>, vector<16xf32>,
        %bitcast3A = vector.bitcast %get3A_808 : vector<16xf32> to vector<32xbf16>
        %add3A_809 = arith.constant 1 : i32
        %add3A_810 = arith.addi %mul3A_806, %add3A_809 : i32
        %get3A_811 = arith.index_cast %add3A_810 : i32 to index
        %get3A_812 = arith.constant 0 : index
        %get3A_813 = tpu.vector_load %arg11[%get3A_811, %get3A_812] {strides = array<i32>} : memref<256x16xf32, #tpu.memory_space<vmem>>, vector<16xf32>,
        %bitcast3A_814 = vector.bitcast %get3A_813 : vector<16xf32> to vector<32xbf16>
        %add3A_815 = arith.addf %bitcast3A, %bitcast3A_814 : vector<32xbf16>
        %add3A_816 = arith.constant 2 : i32
        %add3A_817 = arith.addi %mul3A_806, %add3A_816 : i32
        %get3A_818 = arith.index_cast %add3A_817 : i32 to index
        %get3A_819 = arith.constant 0 : index
        %get3A_820 = tpu.vector_load %arg11[%get3A_818, %get3A_819] {strides = array<i32>} : memref<256x16xf32, #tpu.memory_space<vmem>>, vector<16xf32>,
        %bitcast3A_821 = vector.bitcast %get3A_820 : vector<16xf32> to vector<32xbf16>
        %add3A_822 = arith.addf %add3A_815, %bitcast3A_821 : vector<32xbf16>
        %add3A_823 = arith.constant 3 : i32
        %add3A_824 = arith.addi %mul3A_806, %add3A_823 : i32
        %get3A_825 = arith.index_cast %add3A_824 : i32 to index
        %get3A_826 = arith.constant 0 : index
        %get3A_827 = tpu.vector_load %arg11[%get3A_825, %get3A_826] {strides = array<i32>} : memref<256x16xf32, #tpu.memory_space<vmem>>, vector<16xf32>,
        %bitcast3A_828 = vector.bitcast %get3A_827 : vector<16xf32> to vector<32xbf16>
        %add3A_829 = arith.addf %add3A_822, %bitcast3A_828 : vector<32xbf16>
        %add3A_830 = arith.constant 4 : i32
        %add3A_831 = arith.addi %mul3A_806, %add3A_830 : i32
        %get3A_832 = arith.index_cast %add3A_831 : i32 to index
        %get3A_833 = arith.constant 0 : index
        %get3A_834 = tpu.vector_load %arg11[%get3A_832, %get3A_833] {strides = array<i32>} : memref<256x16xf32, #tpu.memory_space<vmem>>, vector<16xf32>,
        %bitcast3A_835 = vector.bitcast %get3A_834 : vector<16xf32> to vector<32xbf16>
        %add3A_836 = arith.addf %add3A_829, %bitcast3A_835 : vector<32xbf16>
        %add3A_837 = arith.constant 5 : i32
        %add3A_838 = arith.addi %mul3A_806, %add3A_837 : i32
        %get3A_839 = arith.index_cast %add3A_838 : i32 to index
        %get3A_840 = arith.constant 0 : index
        %get3A_841 = tpu.vector_load %arg11[%get3A_839, %get3A_840] {strides = array<i32>} : memref<256x16xf32, #tpu.memory_space<vmem>>, vector<16xf32>,
        %bitcast3A_842 = vector.bitcast %get3A_841 : vector<16xf32> to vector<32xbf16>
        %add3A_843 = arith.addf %add3A_836, %bitcast3A_842 : vector<32xbf16>
        %add3A_844 = arith.constant 6 : i32
        %add3A_845 = arith.addi %mul3A_806, %add3A_844 : i32
        %get3A_846 = arith.index_cast %add3A_845 : i32 to index
        %get3A_847 = arith.constant 0 : index
        %get3A_848 = tpu.vector_load %arg11[%get3A_846, %get3A_847] {strides = array<i32>} : memref<256x16xf32, #tpu.memory_space<vmem>>, vector<16xf32>,
        %bitcast3A_849 = vector.bitcast %get3A_848 : vector<16xf32> to vector<32xbf16>
        %add3A_850 = arith.addf %add3A_843, %bitcast3A_849 : vector<32xbf16>
        %add3A_851 = arith.constant 7 : i32
        %add3A_852 = arith.addi %mul3A_806, %add3A_851 : i32
        %get3A_853 = arith.index_cast %add3A_852 : i32 to index
        %get3A_854 = arith.constant 0 : index
        %get3A_855 = tpu.vector_load %arg11[%get3A_853, %get3A_854] {strides = array<i32>} : memref<256x16xf32, #tpu.memory_space<vmem>>, vector<16xf32>,
        %bitcast3A_856 = vector.bitcast %get3A_855 : vector<16xf32> to vector<32xbf16>
        %add3A_857 = arith.addf %add3A_850, %bitcast3A_856 : vector<32xbf16>
        %unpack3A = tpu.unpack_subelements %add3A_857, 0 {pack_format = #tpu.pack_format<interleaved>} : vector<32xbf16> -> vector<16xf32>
        %unpack3A_858 = tpu.unpack_subelements %add3A_857, 1 {pack_format = #tpu.pack_format<interleaved>} : vector<32xbf16> -> vector<16xf32>
        %add3A_859 = arith.addf %scan3A_803, %unpack3A : vector<16xf32>
        %add3A_860 = arith.addf %scan3A_804, %unpack3A_858 : vector<16xf32>
        scf.yield %add3A_859, %add3A_860 : vector<16xf32>, vector<16xf32>
      }
      %scan3A_600 = arith.constant 32 : i32
      %jit3A_601 = arith.constant 100 : i32
      %div3A_602 = arith.divsi %add3A_568, %jit3A_601 : i32
      %sign3A_603 = arith.constant 0 : i32
      %sign3A_604 = arith.cmpi sgt, %add3A_568, %sign3A_603 : i32
      %sign3A_605 = arith.extui %sign3A_604 : i1 to i32
      %sign3A_606 = arith.constant 0 : i32
      %sign3A_607 = arith.cmpi slt, %add3A_568, %sign3A_606 : i32
      %sign3A_608 = arith.extui %sign3A_607 : i1 to i32
      %sign3A_609 = arith.subi %sign3A_605, %sign3A_608 : i32
      %sign3A_610 = arith.constant 0 : i32
      %sign3A_611 = arith.cmpi sgt, %jit3A_601, %sign3A_610 : i32
      %sign3A_612 = arith.extui %sign3A_611 : i1 to i32
      %sign3A_613 = arith.constant 0 : i32
      %sign3A_614 = arith.cmpi slt, %jit3A_601, %sign3A_613 : i32
      %sign3A_615 = arith.extui %sign3A_614 : i1 to i32
      %sign3A_616 = arith.subi %sign3A_612, %sign3A_615 : i32
      %ne3A_617 = arith.cmpi ne, %sign3A_609, %sign3A_616 : i32
      %rem3A_618 = arith.remsi %add3A_568, %jit3A_601 : i32
      %ne3A_619 = arith.constant 0 : i32
      %ne3A_620 = arith.cmpi ne, %rem3A_618, %ne3A_619 : i32
      %and3A_621 = arith.andi %ne3A_617, %ne3A_620 : i1
      %sub3A_622 = arith.constant 1 : i32
      %sub3A_623 = arith.subi %div3A_602, %sub3A_622 : i32
      %select_n3A_624 = arith.select %and3A_621, %sub3A_623, %div3A_602 : i32
      %mul3A_625 = arith.constant 100 : i32
      %mul3A_626 = arith.muli %select_n3A_624, %mul3A_625 : i32
      %sub3A_627 = arith.subi %add3A_568, %mul3A_626 : i32
      %swap3A_628 = arith.index_cast %select_n3A_624 : i32 to index
      %swap3A_629 = arith.index_cast %sub3A_627 : i32 to index
      %swap3A_630 = arith.constant 0 : index
      %swap3A_631 = tpu.vector_load %arg14[%swap3A_628, %swap3A_629, %swap3A_630] {strides = array<i32>} : memref<2x100x32xf32, #tpu.memory_space<vmem>>, vector<16xf32>,
      tpu.vector_store %arg14[%swap3A_628, %swap3A_629, %swap3A_630], %scan3A_599#0 {strides = array<i32>} : memref<2x100x32xf32, #tpu.memory_space<vmem>>, vector<16xf32>,
      %swap3A_632 = arith.index_cast %select_n3A_624 : i32 to index
      %swap3A_633 = arith.index_cast %sub3A_627 : i32 to index
      %swap3A_634 = arith.constant 16 : index
      %swap3A_635 = tpu.vector_load %arg14[%swap3A_632, %swap3A_633, %swap3A_634] {strides = array<i32>} : memref<2x100x32xf32, #tpu.memory_space<vmem>>, vector<16xf32>,
      tpu.vector_store %arg14[%swap3A_632, %swap3A_633, %swap3A_634], %scan3A_599#1 {strides = array<i32>} : memref<2x100x32xf32, #tpu.memory_space<vmem>>, vector<16xf32>,
      %add3A_636 = arith.constant 8 : i32
      %add3A_637 = arith.addi %add3A_568, %add3A_636 : i32
      %sub3A_638 = arith.constant 1 : i32
      %sub3A_639 = arith.subi %add3A_637, %sub3A_638 : i32
      %lt3A_640 = arith.constant 200 : i32
      %lt3A_641 = arith.cmpi slt, %sub3A_639, %lt3A_640 : i32
      %convert_element_type3A_642 = arith.extui %lt3A_641 : i1 to i32
      %cond3A_643 = arith.constant 0 : i32
      %cond3A_644 = arith.cmpi ne, %convert_element_type3A_642, %cond3A_643 : i32
      scf.if %cond3A_644 {
        %add3A_802 = arith.constant 8 : i32
        %add3A_803 = arith.addi %add3A_568, %add3A_802 : i32
        %sub3A_804 = arith.constant 1 : i32
        %sub3A_805 = arith.subi %add3A_803, %sub3A_804 : i32
        %mul3A_806 = arith.constant 256 : i32
        %mul3A_807 = arith.muli %sub3A_805, %mul3A_806 : i32
        %dma_start3A_808 = arith.constant 0 : i32
        %dma_start3A_809 = arith.constant 0 : i32
        %dma_start3A_810 = tpu.memref_slice %arg10[%dma_start3A_808, %dma_start3A_809] : memref<256x16xf32, #tpu.memory_space<vmem>> -> memref<128x16xf32, #tpu.memory_space<vmem>>
        %dma_start3A_811 = tpu.memref_slice %arg5[%mul3A_807] : memref<51200xi32, #tpu.memory_space<vmem>> -> memref<128xi32, #tpu.memory_space<vmem>>
        %dma_start3A_812 = arith.constant 0 : i32
        %dma_start3A_813 = arith.constant 0 : i32
        %dma_start3A_814 = tpu.memref_slice %arg2[%dma_start3A_812, %dma_start3A_813] : memref<65536x16xf32, #tpu.memory_space<hbm>> -> memref<65536x16xf32, #tpu.memory_space<hbm>>
        tpu.enqueue_indirect_dma source(%dma_start3A_814 : memref<65536x16xf32, #tpu.memory_space<hbm>>) target(%dma_start3A_810 : memref<128x16xf32, #tpu.memory_space<vmem>>) offsets(%dma_start3A_811 : memref<128xi32, #tpu.memory_space<vmem>>) semaphore(%arg19 : memref<!tpu.dma_semaphore, #tpu.memory_space<semaphore_mem>>)
        %mul3A_815 = arith.constant 256 : i32
        %mul3A_816 = arith.muli %sub3A_805, %mul3A_815 : i32
        %add3A_817 = arith.constant 128 : i32
        %add3A_818 = arith.addi %mul3A_816, %add3A_817 : i32
        %dma_start3A_819 = arith.constant 128 : i32
        %dma_start3A_820 = arith.constant 0 : i32
        %dma_start3A_821 = tpu.memref_slice %arg10[%dma_start3A_819, %dma_start3A_820] : memref<256x16xf32, #tpu.memory_space<vmem>> -> memref<128x16xf32, #tpu.memory_space<vmem>>
        %dma_start3A_822 = tpu.memref_slice %arg5[%add3A_818] : memref<51200xi32, #tpu.memory_space<vmem>> -> memref<128xi32, #tpu.memory_space<vmem>>
        %dma_start3A_823 = arith.constant 0 : i32
        %dma_start3A_824 = arith.constant 0 : i32
        %dma_start3A_825 = tpu.memref_slice %arg2[%dma_start3A_823, %dma_start3A_824] : memref<65536x16xf32, #tpu.memory_space<hbm>> -> memref<65536x16xf32, #tpu.memory_space<hbm>>
        tpu.enqueue_indirect_dma source(%dma_start3A_825 : memref<65536x16xf32, #tpu.memory_space<hbm>>) target(%dma_start3A_821 : memref<128x16xf32, #tpu.memory_space<vmem>>) offsets(%dma_start3A_822 : memref<128xi32, #tpu.memory_space<vmem>>) semaphore(%arg19 : memref<!tpu.dma_semaphore, #tpu.memory_space<semaphore_mem>>)
      } else {
      }
      %add3A_645 = arith.constant 6 : i32
      %add3A_646 = arith.addi %mul3A_181, %add3A_645 : i32
      %dma_wait3A_647 = arith.constant 0 : i32
      %dma_wait3A_648 = arith.constant 0 : i32
      %dma_wait3A_649 = tpu.memref_slice %arg12[%dma_wait3A_647, %dma_wait3A_648] : memref<256x16xf32, #tpu.memory_space<vmem>> -> memref<128x16xf32, #tpu.memory_space<vmem>>
      %dma_wait3A_650 = arith.constant 0 : i32
      %dma_wait3A_651 = arith.constant 0 : i32
      %dma_wait3A_652 = tpu.memref_slice %arg2[%dma_wait3A_650, %dma_wait3A_651] : memref<65536x16xf32, #tpu.memory_space<hbm>> -> memref<128x16xf32, #tpu.memory_space<hbm>>
      %dma_wait3A_653 = arith.constant 0 : i32
      %dma_wait3A_654 = arith.constant 0 : i32
      %dma_wait3A_655 = tpu.memref_slice %arg12[%dma_wait3A_653, %dma_wait3A_654] : memref<256x16xf32, #tpu.memory_space<vmem>> -> memref<128x16xf32, #tpu.memory_space<vmem>>
      %dma_wait3A_656 = arith.constant 0 : i32
      %dma_wait3A_657 = arith.constant 0 : i32
      %dma_wait3A_658 = tpu.memref_slice %arg2[%dma_wait3A_656, %dma_wait3A_657] : memref<65536x16xf32, #tpu.memory_space<hbm>> -> memref<128x16xf32, #tpu.memory_space<hbm>>
      tpu.wait_dma2 semaphore(%arg21 : memref<!tpu.dma_semaphore, #tpu.memory_space<semaphore_mem>>) src(%dma_wait3A_658 : memref<128x16xf32, #tpu.memory_space<hbm>>) dst(%dma_wait3A_655 : memref<128x16xf32, #tpu.memory_space<vmem>>)
      %dma_wait3A_659 = arith.constant 128 : i32
      %dma_wait3A_660 = arith.constant 0 : i32
      %dma_wait3A_661 = tpu.memref_slice %arg12[%dma_wait3A_659, %dma_wait3A_660] : memref<256x16xf32, #tpu.memory_space<vmem>> -> memref<128x16xf32, #tpu.memory_space<vmem>>
      %dma_wait3A_662 = arith.constant 0 : i32
      %dma_wait3A_663 = arith.constant 0 : i32
      %dma_wait3A_664 = tpu.memref_slice %arg2[%dma_wait3A_662, %dma_wait3A_663] : memref<65536x16xf32, #tpu.memory_space<hbm>> -> memref<128x16xf32, #tpu.memory_space<hbm>>
      %dma_wait3A_665 = arith.constant 128 : i32
      %dma_wait3A_666 = arith.constant 0 : i32
      %dma_wait3A_667 = tpu.memref_slice %arg12[%dma_wait3A_665, %dma_wait3A_666] : memref<256x16xf32, #tpu.memory_space<vmem>> -> memref<128x16xf32, #tpu.memory_space<vmem>>
      %dma_wait3A_668 = arith.constant 0 : i32
      %dma_wait3A_669 = arith.constant 0 : i32
      %dma_wait3A_670 = tpu.memref_slice %arg2[%dma_wait3A_668, %dma_wait3A_669] : memref<65536x16xf32, #tpu.memory_space<hbm>> -> memref<128x16xf32, #tpu.memory_space<hbm>>
      tpu.wait_dma2 semaphore(%arg21 : memref<!tpu.dma_semaphore, #tpu.memory_space<semaphore_mem>>) src(%dma_wait3A_670 : memref<128x16xf32, #tpu.memory_space<hbm>>) dst(%dma_wait3A_667 : memref<128x16xf32, #tpu.memory_space<vmem>>)
      %broadcast_in_dim3A_671 = arith.constant 0.000000e+00 : f32
      %broadcast_in_dim3A_672 = vector.broadcast %broadcast_in_dim3A_671 : f32 to vector<16xf32>
      %scan3A_673 = arith.constant 0 : i32
      %scan3A_674 = arith.constant 32 : i32
      %scan3A_675 = arith.addi %scan3A_673, %scan3A_674 : i32
      %scan3A_676 = arith.constant 1 : i32
      %scan3A_677:2 = scf.for %scan3A_802 = %scan3A_673 to %scan3A_675 step %scan3A_676 iter_args(%scan3A_803 = %broadcast_in_dim3A_672, %scan3A_804 = %broadcast_in_dim3A_672) -> (vector<16xf32>, vector<16xf32>)  : i32 {
        %mul3A_805 = arith.constant 8 : i32
        %mul3A_806 = arith.muli %scan3A_802, %mul3A_805 : i32
        %get3A = arith.index_cast %mul3A_806 : i32 to index
        %get3A_807 = arith.constant 0 : index
        %get3A_808 = tpu.vector_load %arg12[%get3A, %get3A_807] {strides = array<i32>} : memref<256x16xf32, #tpu.memory_space<vmem>>, vector<16xf32>,
        %bitcast3A = vector.bitcast %get3A_808 : vector<16xf32> to vector<32xbf16>
        %add3A_809 = arith.constant 1 : i32
        %add3A_810 = arith.addi %mul3A_806, %add3A_809 : i32
        %get3A_811 = arith.index_cast %add3A_810 : i32 to index
        %get3A_812 = arith.constant 0 : index
        %get3A_813 = tpu.vector_load %arg12[%get3A_811, %get3A_812] {strides = array<i32>} : memref<256x16xf32, #tpu.memory_space<vmem>>, vector<16xf32>,
        %bitcast3A_814 = vector.bitcast %get3A_813 : vector<16xf32> to vector<32xbf16>
        %add3A_815 = arith.addf %bitcast3A, %bitcast3A_814 : vector<32xbf16>
        %add3A_816 = arith.constant 2 : i32
        %add3A_817 = arith.addi %mul3A_806, %add3A_816 : i32
        %get3A_818 = arith.index_cast %add3A_817 : i32 to index
        %get3A_819 = arith.constant 0 : index
        %get3A_820 = tpu.vector_load %arg12[%get3A_818, %get3A_819] {strides = array<i32>} : memref<256x16xf32, #tpu.memory_space<vmem>>, vector<16xf32>,
        %bitcast3A_821 = vector.bitcast %get3A_820 : vector<16xf32> to vector<32xbf16>
        %add3A_822 = arith.addf %add3A_815, %bitcast3A_821 : vector<32xbf16>
        %add3A_823 = arith.constant 3 : i32
        %add3A_824 = arith.addi %mul3A_806, %add3A_823 : i32
        %get3A_825 = arith.index_cast %add3A_824 : i32 to index
        %get3A_826 = arith.constant 0 : index
        %get3A_827 = tpu.vector_load %arg12[%get3A_825, %get3A_826] {strides = array<i32>} : memref<256x16xf32, #tpu.memory_space<vmem>>, vector<16xf32>,
        %bitcast3A_828 = vector.bitcast %get3A_827 : vector<16xf32> to vector<32xbf16>
        %add3A_829 = arith.addf %add3A_822, %bitcast3A_828 : vector<32xbf16>
        %add3A_830 = arith.constant 4 : i32
        %add3A_831 = arith.addi %mul3A_806, %add3A_830 : i32
        %get3A_832 = arith.index_cast %add3A_831 : i32 to index
        %get3A_833 = arith.constant 0 : index
        %get3A_834 = tpu.vector_load %arg12[%get3A_832, %get3A_833] {strides = array<i32>} : memref<256x16xf32, #tpu.memory_space<vmem>>, vector<16xf32>,
        %bitcast3A_835 = vector.bitcast %get3A_834 : vector<16xf32> to vector<32xbf16>
        %add3A_836 = arith.addf %add3A_829, %bitcast3A_835 : vector<32xbf16>
        %add3A_837 = arith.constant 5 : i32
        %add3A_838 = arith.addi %mul3A_806, %add3A_837 : i32
        %get3A_839 = arith.index_cast %add3A_838 : i32 to index
        %get3A_840 = arith.constant 0 : index
        %get3A_841 = tpu.vector_load %arg12[%get3A_839, %get3A_840] {strides = array<i32>} : memref<256x16xf32, #tpu.memory_space<vmem>>, vector<16xf32>,
        %bitcast3A_842 = vector.bitcast %get3A_841 : vector<16xf32> to vector<32xbf16>
        %add3A_843 = arith.addf %add3A_836, %bitcast3A_842 : vector<32xbf16>
        %add3A_844 = arith.constant 6 : i32
        %add3A_845 = arith.addi %mul3A_806, %add3A_844 : i32
        %get3A_846 = arith.index_cast %add3A_845 : i32 to index
        %get3A_847 = arith.constant 0 : index
        %get3A_848 = tpu.vector_load %arg12[%get3A_846, %get3A_847] {strides = array<i32>} : memref<256x16xf32, #tpu.memory_space<vmem>>, vector<16xf32>,
        %bitcast3A_849 = vector.bitcast %get3A_848 : vector<16xf32> to vector<32xbf16>
        %add3A_850 = arith.addf %add3A_843, %bitcast3A_849 : vector<32xbf16>
        %add3A_851 = arith.constant 7 : i32
        %add3A_852 = arith.addi %mul3A_806, %add3A_851 : i32
        %get3A_853 = arith.index_cast %add3A_852 : i32 to index
        %get3A_854 = arith.constant 0 : index
        %get3A_855 = tpu.vector_load %arg12[%get3A_853, %get3A_854] {strides = array<i32>} : memref<256x16xf32, #tpu.memory_space<vmem>>, vector<16xf32>,
        %bitcast3A_856 = vector.bitcast %get3A_855 : vector<16xf32> to vector<32xbf16>
        %add3A_857 = arith.addf %add3A_850, %bitcast3A_856 : vector<32xbf16>
        %unpack3A = tpu.unpack_subelements %add3A_857, 0 {pack_format = #tpu.pack_format<interleaved>} : vector<32xbf16> -> vector<16xf32>
        %unpack3A_858 = tpu.unpack_subelements %add3A_857, 1 {pack_format = #tpu.pack_format<interleaved>} : vector<32xbf16> -> vector<16xf32>
        %add3A_859 = arith.addf %scan3A_803, %unpack3A : vector<16xf32>
        %add3A_860 = arith.addf %scan3A_804, %unpack3A_858 : vector<16xf32>
        scf.yield %add3A_859, %add3A_860 : vector<16xf32>, vector<16xf32>
      }
      %scan3A_678 = arith.constant 32 : i32
      %jit3A_679 = arith.constant 100 : i32
      %div3A_680 = arith.divsi %add3A_646, %jit3A_679 : i32
      %sign3A_681 = arith.constant 0 : i32
      %sign3A_682 = arith.cmpi sgt, %add3A_646, %sign3A_681 : i32
      %sign3A_683 = arith.extui %sign3A_682 : i1 to i32
      %sign3A_684 = arith.constant 0 : i32
      %sign3A_685 = arith.cmpi slt, %add3A_646, %sign3A_684 : i32
      %sign3A_686 = arith.extui %sign3A_685 : i1 to i32
      %sign3A_687 = arith.subi %sign3A_683, %sign3A_686 : i32
      %sign3A_688 = arith.constant 0 : i32
      %sign3A_689 = arith.cmpi sgt, %jit3A_679, %sign3A_688 : i32
      %sign3A_690 = arith.extui %sign3A_689 : i1 to i32
      %sign3A_691 = arith.constant 0 : i32
      %sign3A_692 = arith.cmpi slt, %jit3A_679, %sign3A_691 : i32
      %sign3A_693 = arith.extui %sign3A_692 : i1 to i32
      %sign3A_694 = arith.subi %sign3A_690, %sign3A_693 : i32
      %ne3A_695 = arith.cmpi ne, %sign3A_687, %sign3A_694 : i32
      %rem3A_696 = arith.remsi %add3A_646, %jit3A_679 : i32
      %ne3A_697 = arith.constant 0 : i32
      %ne3A_698 = arith.cmpi ne, %rem3A_696, %ne3A_697 : i32
      %and3A_699 = arith.andi %ne3A_695, %ne3A_698 : i1
      %sub3A_700 = arith.constant 1 : i32
      %sub3A_701 = arith.subi %div3A_680, %sub3A_700 : i32
      %select_n3A_702 = arith.select %and3A_699, %sub3A_701, %div3A_680 : i32
      %mul3A_703 = arith.constant 100 : i32
      %mul3A_704 = arith.muli %select_n3A_702, %mul3A_703 : i32
      %sub3A_705 = arith.subi %add3A_646, %mul3A_704 : i32
      %swap3A_706 = arith.index_cast %select_n3A_702 : i32 to index
      %swap3A_707 = arith.index_cast %sub3A_705 : i32 to index
      %swap3A_708 = arith.constant 0 : index
      %swap3A_709 = tpu.vector_load %arg14[%swap3A_706, %swap3A_707, %swap3A_708] {strides = array<i32>} : memref<2x100x32xf32, #tpu.memory_space<vmem>>, vector<16xf32>,
      tpu.vector_store %arg14[%swap3A_706, %swap3A_707, %swap3A_708], %scan3A_677#0 {strides = array<i32>} : memref<2x100x32xf32, #tpu.memory_space<vmem>>, vector<16xf32>,
      %swap3A_710 = arith.index_cast %select_n3A_702 : i32 to index
      %swap3A_711 = arith.index_cast %sub3A_705 : i32 to index
      %swap3A_712 = arith.constant 16 : index
      %swap3A_713 = tpu.vector_load %arg14[%swap3A_710, %swap3A_711, %swap3A_712] {strides = array<i32>} : memref<2x100x32xf32, #tpu.memory_space<vmem>>, vector<16xf32>,
      tpu.vector_store %arg14[%swap3A_710, %swap3A_711, %swap3A_712], %scan3A_677#1 {strides = array<i32>} : memref<2x100x32xf32, #tpu.memory_space<vmem>>, vector<16xf32>,
      %add3A_714 = arith.constant 8 : i32
      %add3A_715 = arith.addi %add3A_646, %add3A_714 : i32
      %sub3A_716 = arith.constant 1 : i32
      %sub3A_717 = arith.subi %add3A_715, %sub3A_716 : i32
      %lt3A_718 = arith.constant 200 : i32
      %lt3A_719 = arith.cmpi slt, %sub3A_717, %lt3A_718 : i32
      %convert_element_type3A_720 = arith.extui %lt3A_719 : i1 to i32
      %cond3A_721 = arith.constant 0 : i32
      %cond3A_722 = arith.cmpi ne, %convert_element_type3A_720, %cond3A_721 : i32
      scf.if %cond3A_722 {
        %add3A_802 = arith.constant 8 : i32
        %add3A_803 = arith.addi %add3A_646, %add3A_802 : i32
        %sub3A_804 = arith.constant 1 : i32
        %sub3A_805 = arith.subi %add3A_803, %sub3A_804 : i32
        %mul3A_806 = arith.constant 256 : i32
        %mul3A_807 = arith.muli %sub3A_805, %mul3A_806 : i32
        %dma_start3A_808 = arith.constant 0 : i32
        %dma_start3A_809 = arith.constant 0 : i32
        %dma_start3A_810 = tpu.memref_slice %arg11[%dma_start3A_808, %dma_start3A_809] : memref<256x16xf32, #tpu.memory_space<vmem>> -> memref<128x16xf32, #tpu.memory_space<vmem>>
        %dma_start3A_811 = tpu.memref_slice %arg5[%mul3A_807] : memref<51200xi32, #tpu.memory_space<vmem>> -> memref<128xi32, #tpu.memory_space<vmem>>
        %dma_start3A_812 = arith.constant 0 : i32
        %dma_start3A_813 = arith.constant 0 : i32
        %dma_start3A_814 = tpu.memref_slice %arg2[%dma_start3A_812, %dma_start3A_813] : memref<65536x16xf32, #tpu.memory_space<hbm>> -> memref<65536x16xf32, #tpu.memory_space<hbm>>
        tpu.enqueue_indirect_dma source(%dma_start3A_814 : memref<65536x16xf32, #tpu.memory_space<hbm>>) target(%dma_start3A_810 : memref<128x16xf32, #tpu.memory_space<vmem>>) offsets(%dma_start3A_811 : memref<128xi32, #tpu.memory_space<vmem>>) semaphore(%arg20 : memref<!tpu.dma_semaphore, #tpu.memory_space<semaphore_mem>>)
        %mul3A_815 = arith.constant 256 : i32
        %mul3A_816 = arith.muli %sub3A_805, %mul3A_815 : i32
        %add3A_817 = arith.constant 128 : i32
        %add3A_818 = arith.addi %mul3A_816, %add3A_817 : i32
        %dma_start3A_819 = arith.constant 128 : i32
        %dma_start3A_820 = arith.constant 0 : i32
        %dma_start3A_821 = tpu.memref_slice %arg11[%dma_start3A_819, %dma_start3A_820] : memref<256x16xf32, #tpu.memory_space<vmem>> -> memref<128x16xf32, #tpu.memory_space<vmem>>
        %dma_start3A_822 = tpu.memref_slice %arg5[%add3A_818] : memref<51200xi32, #tpu.memory_space<vmem>> -> memref<128xi32, #tpu.memory_space<vmem>>
        %dma_start3A_823 = arith.constant 0 : i32
        %dma_start3A_824 = arith.constant 0 : i32
        %dma_start3A_825 = tpu.memref_slice %arg2[%dma_start3A_823, %dma_start3A_824] : memref<65536x16xf32, #tpu.memory_space<hbm>> -> memref<65536x16xf32, #tpu.memory_space<hbm>>
        tpu.enqueue_indirect_dma source(%dma_start3A_825 : memref<65536x16xf32, #tpu.memory_space<hbm>>) target(%dma_start3A_821 : memref<128x16xf32, #tpu.memory_space<vmem>>) offsets(%dma_start3A_822 : memref<128xi32, #tpu.memory_space<vmem>>) semaphore(%arg20 : memref<!tpu.dma_semaphore, #tpu.memory_space<semaphore_mem>>)
      } else {
      }
      %add3A_723 = arith.constant 7 : i32
      %add3A_724 = arith.addi %mul3A_181, %add3A_723 : i32
      %dma_wait3A_725 = arith.constant 0 : i32
      %dma_wait3A_726 = arith.constant 0 : i32
      %dma_wait3A_727 = tpu.memref_slice %arg13[%dma_wait3A_725, %dma_wait3A_726] : memref<256x16xf32, #tpu.memory_space<vmem>> -> memref<128x16xf32, #tpu.memory_space<vmem>>
      %dma_wait3A_728 = arith.constant 0 : i32
      %dma_wait3A_729 = arith.constant 0 : i32
      %dma_wait3A_730 = tpu.memref_slice %arg2[%dma_wait3A_728, %dma_wait3A_729] : memref<65536x16xf32, #tpu.memory_space<hbm>> -> memref<128x16xf32, #tpu.memory_space<hbm>>
      %dma_wait3A_731 = arith.constant 0 : i32
      %dma_wait3A_732 = arith.constant 0 : i32
      %dma_wait3A_733 = tpu.memref_slice %arg13[%dma_wait3A_731, %dma_wait3A_732] : memref<256x16xf32, #tpu.memory_space<vmem>> -> memref<128x16xf32, #tpu.memory_space<vmem>>
      %dma_wait3A_734 = arith.constant 0 : i32
      %dma_wait3A_735 = arith.constant 0 : i32
      %dma_wait3A_736 = tpu.memref_slice %arg2[%dma_wait3A_734, %dma_wait3A_735] : memref<65536x16xf32, #tpu.memory_space<hbm>> -> memref<128x16xf32, #tpu.memory_space<hbm>>
      tpu.wait_dma2 semaphore(%arg22 : memref<!tpu.dma_semaphore, #tpu.memory_space<semaphore_mem>>) src(%dma_wait3A_736 : memref<128x16xf32, #tpu.memory_space<hbm>>) dst(%dma_wait3A_733 : memref<128x16xf32, #tpu.memory_space<vmem>>)
      %dma_wait3A_737 = arith.constant 128 : i32
      %dma_wait3A_738 = arith.constant 0 : i32
      %dma_wait3A_739 = tpu.memref_slice %arg13[%dma_wait3A_737, %dma_wait3A_738] : memref<256x16xf32, #tpu.memory_space<vmem>> -> memref<128x16xf32, #tpu.memory_space<vmem>>
      %dma_wait3A_740 = arith.constant 0 : i32
      %dma_wait3A_741 = arith.constant 0 : i32
      %dma_wait3A_742 = tpu.memref_slice %arg2[%dma_wait3A_740, %dma_wait3A_741] : memref<65536x16xf32, #tpu.memory_space<hbm>> -> memref<128x16xf32, #tpu.memory_space<hbm>>
      %dma_wait3A_743 = arith.constant 128 : i32
      %dma_wait3A_744 = arith.constant 0 : i32
      %dma_wait3A_745 = tpu.memref_slice %arg13[%dma_wait3A_743, %dma_wait3A_744] : memref<256x16xf32, #tpu.memory_space<vmem>> -> memref<128x16xf32, #tpu.memory_space<vmem>>
      %dma_wait3A_746 = arith.constant 0 : i32
      %dma_wait3A_747 = arith.constant 0 : i32
      %dma_wait3A_748 = tpu.memref_slice %arg2[%dma_wait3A_746, %dma_wait3A_747] : memref<65536x16xf32, #tpu.memory_space<hbm>> -> memref<128x16xf32, #tpu.memory_space<hbm>>
      tpu.wait_dma2 semaphore(%arg22 : memref<!tpu.dma_semaphore, #tpu.memory_space<semaphore_mem>>) src(%dma_wait3A_748 : memref<128x16xf32, #tpu.memory_space<hbm>>) dst(%dma_wait3A_745 : memref<128x16xf32, #tpu.memory_space<vmem>>)
      %broadcast_in_dim3A_749 = arith.constant 0.000000e+00 : f32
      %broadcast_in_dim3A_750 = vector.broadcast %broadcast_in_dim3A_749 : f32 to vector<16xf32>
      %scan3A_751 = arith.constant 0 : i32
      %scan3A_752 = arith.constant 32 : i32
      %scan3A_753 = arith.addi %scan3A_751, %scan3A_752 : i32
      %scan3A_754 = arith.constant 1 : i32
      %scan3A_755:2 = scf.for %scan3A_802 = %scan3A_751 to %scan3A_753 step %scan3A_754 iter_args(%scan3A_803 = %broadcast_in_dim3A_750, %scan3A_804 = %broadcast_in_dim3A_750) -> (vector<16xf32>, vector<16xf32>)  : i32 {
        %mul3A_805 = arith.constant 8 : i32
        %mul3A_806 = arith.muli %scan3A_802, %mul3A_805 : i32
        %get3A = arith.index_cast %mul3A_806 : i32 to index
        %get3A_807 = arith.constant 0 : index
        %get3A_808 = tpu.vector_load %arg13[%get3A, %get3A_807] {strides = array<i32>} : memref<256x16xf32, #tpu.memory_space<vmem>>, vector<16xf32>,
        %bitcast3A = vector.bitcast %get3A_808 : vector<16xf32> to vector<32xbf16>
        %add3A_809 = arith.constant 1 : i32
        %add3A_810 = arith.addi %mul3A_806, %add3A_809 : i32
        %get3A_811 = arith.index_cast %add3A_810 : i32 to index
        %get3A_812 = arith.constant 0 : index
        %get3A_813 = tpu.vector_load %arg13[%get3A_811, %get3A_812] {strides = array<i32>} : memref<256x16xf32, #tpu.memory_space<vmem>>, vector<16xf32>,
        %bitcast3A_814 = vector.bitcast %get3A_813 : vector<16xf32> to vector<32xbf16>
        %add3A_815 = arith.addf %bitcast3A, %bitcast3A_814 : vector<32xbf16>
        %add3A_816 = arith.constant 2 : i32
        %add3A_817 = arith.addi %mul3A_806, %add3A_816 : i32
        %get3A_818 = arith.index_cast %add3A_817 : i32 to index
        %get3A_819 = arith.constant 0 : index
        %get3A_820 = tpu.vector_load %arg13[%get3A_818, %get3A_819] {strides = array<i32>} : memref<256x16xf32, #tpu.memory_space<vmem>>, vector<16xf32>,
        %bitcast3A_821 = vector.bitcast %get3A_820 : vector<16xf32> to vector<32xbf16>
        %add3A_822 = arith.addf %add3A_815, %bitcast3A_821 : vector<32xbf16>
        %add3A_823 = arith.constant 3 : i32
        %add3A_824 = arith.addi %mul3A_806, %add3A_823 : i32
        %get3A_825 = arith.index_cast %add3A_824 : i32 to index
        %get3A_826 = arith.constant 0 : index
        %get3A_827 = tpu.vector_load %arg13[%get3A_825, %get3A_826] {strides = array<i32>} : memref<256x16xf32, #tpu.memory_space<vmem>>, vector<16xf32>,
        %bitcast3A_828 = vector.bitcast %get3A_827 : vector<16xf32> to vector<32xbf16>
        %add3A_829 = arith.addf %add3A_822, %bitcast3A_828 : vector<32xbf16>
        %add3A_830 = arith.constant 4 : i32
        %add3A_831 = arith.addi %mul3A_806, %add3A_830 : i32
        %get3A_832 = arith.index_cast %add3A_831 : i32 to index
        %get3A_833 = arith.constant 0 : index
        %get3A_834 = tpu.vector_load %arg13[%get3A_832, %get3A_833] {strides = array<i32>} : memref<256x16xf32, #tpu.memory_space<vmem>>, vector<16xf32>,
        %bitcast3A_835 = vector.bitcast %get3A_834 : vector<16xf32> to vector<32xbf16>
        %add3A_836 = arith.addf %add3A_829, %bitcast3A_835 : vector<32xbf16>
        %add3A_837 = arith.constant 5 : i32
        %add3A_838 = arith.addi %mul3A_806, %add3A_837 : i32
        %get3A_839 = arith.index_cast %add3A_838 : i32 to index
        %get3A_840 = arith.constant 0 : index
        %get3A_841 = tpu.vector_load %arg13[%get3A_839, %get3A_840] {strides = array<i32>} : memref<256x16xf32, #tpu.memory_space<vmem>>, vector<16xf32>,
        %bitcast3A_842 = vector.bitcast %get3A_841 : vector<16xf32> to vector<32xbf16>
        %add3A_843 = arith.addf %add3A_836, %bitcast3A_842 : vector<32xbf16>
        %add3A_844 = arith.constant 6 : i32
        %add3A_845 = arith.addi %mul3A_806, %add3A_844 : i32
        %get3A_846 = arith.index_cast %add3A_845 : i32 to index
        %get3A_847 = arith.constant 0 : index
        %get3A_848 = tpu.vector_load %arg13[%get3A_846, %get3A_847] {strides = array<i32>} : memref<256x16xf32, #tpu.memory_space<vmem>>, vector<16xf32>,
        %bitcast3A_849 = vector.bitcast %get3A_848 : vector<16xf32> to vector<32xbf16>
        %add3A_850 = arith.addf %add3A_843, %bitcast3A_849 : vector<32xbf16>
        %add3A_851 = arith.constant 7 : i32
        %add3A_852 = arith.addi %mul3A_806, %add3A_851 : i32
        %get3A_853 = arith.index_cast %add3A_852 : i32 to index
        %get3A_854 = arith.constant 0 : index
        %get3A_855 = tpu.vector_load %arg13[%get3A_853, %get3A_854] {strides = array<i32>} : memref<256x16xf32, #tpu.memory_space<vmem>>, vector<16xf32>,
        %bitcast3A_856 = vector.bitcast %get3A_855 : vector<16xf32> to vector<32xbf16>
        %add3A_857 = arith.addf %add3A_850, %bitcast3A_856 : vector<32xbf16>
        %unpack3A = tpu.unpack_subelements %add3A_857, 0 {pack_format = #tpu.pack_format<interleaved>} : vector<32xbf16> -> vector<16xf32>
        %unpack3A_858 = tpu.unpack_subelements %add3A_857, 1 {pack_format = #tpu.pack_format<interleaved>} : vector<32xbf16> -> vector<16xf32>
        %add3A_859 = arith.addf %scan3A_803, %unpack3A : vector<16xf32>
        %add3A_860 = arith.addf %scan3A_804, %unpack3A_858 : vector<16xf32>
        scf.yield %add3A_859, %add3A_860 : vector<16xf32>, vector<16xf32>
      }
      %scan3A_756 = arith.constant 32 : i32
      %jit3A_757 = arith.constant 100 : i32
      %div3A_758 = arith.divsi %add3A_724, %jit3A_757 : i32
      %sign3A_759 = arith.constant 0 : i32
      %sign3A_760 = arith.cmpi sgt, %add3A_724, %sign3A_759 : i32
      %sign3A_761 = arith.extui %sign3A_760 : i1 to i32
      %sign3A_762 = arith.constant 0 : i32
      %sign3A_763 = arith.cmpi slt, %add3A_724, %sign3A_762 : i32
      %sign3A_764 = arith.extui %sign3A_763 : i1 to i32
      %sign3A_765 = arith.subi %sign3A_761, %sign3A_764 : i32
      %sign3A_766 = arith.constant 0 : i32
      %sign3A_767 = arith.cmpi sgt, %jit3A_757, %sign3A_766 : i32
      %sign3A_768 = arith.extui %sign3A_767 : i1 to i32
      %sign3A_769 = arith.constant 0 : i32
      %sign3A_770 = arith.cmpi slt, %jit3A_757, %sign3A_769 : i32
      %sign3A_771 = arith.extui %sign3A_770 : i1 to i32
      %sign3A_772 = arith.subi %sign3A_768, %sign3A_771 : i32
      %ne3A_773 = arith.cmpi ne, %sign3A_765, %sign3A_772 : i32
      %rem3A_774 = arith.remsi %add3A_724, %jit3A_757 : i32
      %ne3A_775 = arith.constant 0 : i32
      %ne3A_776 = arith.cmpi ne, %rem3A_774, %ne3A_775 : i32
      %and3A_777 = arith.andi %ne3A_773, %ne3A_776 : i1
      %sub3A_778 = arith.constant 1 : i32
      %sub3A_779 = arith.subi %div3A_758, %sub3A_778 : i32
      %select_n3A_780 = arith.select %and3A_777, %sub3A_779, %div3A_758 : i32
      %mul3A_781 = arith.constant 100 : i32
      %mul3A_782 = arith.muli %select_n3A_780, %mul3A_781 : i32
      %sub3A_783 = arith.subi %add3A_724, %mul3A_782 : i32
      %swap3A_784 = arith.index_cast %select_n3A_780 : i32 to index
      %swap3A_785 = arith.index_cast %sub3A_783 : i32 to index
      %swap3A_786 = arith.constant 0 : index
      %swap3A_787 = tpu.vector_load %arg14[%swap3A_784, %swap3A_785, %swap3A_786] {strides = array<i32>} : memref<2x100x32xf32, #tpu.memory_space<vmem>>, vector<16xf32>,
      tpu.vector_store %arg14[%swap3A_784, %swap3A_785, %swap3A_786], %scan3A_755#0 {strides = array<i32>} : memref<2x100x32xf32, #tpu.memory_space<vmem>>, vector<16xf32>,
      %swap3A_788 = arith.index_cast %select_n3A_780 : i32 to index
      %swap3A_789 = arith.index_cast %sub3A_783 : i32 to index
      %swap3A_790 = arith.constant 16 : index
      %swap3A_791 = tpu.vector_load %arg14[%swap3A_788, %swap3A_789, %swap3A_790] {strides = array<i32>} : memref<2x100x32xf32, #tpu.memory_space<vmem>>, vector<16xf32>,
      tpu.vector_store %arg14[%swap3A_788, %swap3A_789, %swap3A_790], %scan3A_755#1 {strides = array<i32>} : memref<2x100x32xf32, #tpu.memory_space<vmem>>, vector<16xf32>,
      %add3A_792 = arith.constant 8 : i32
      %add3A_793 = arith.addi %add3A_724, %add3A_792 : i32
      %sub3A_794 = arith.constant 1 : i32
      %sub3A_795 = arith.subi %add3A_793, %sub3A_794 : i32
      %lt3A_796 = arith.constant 200 : i32
      %lt3A_797 = arith.cmpi slt, %sub3A_795, %lt3A_796 : i32
      %convert_element_type3A_798 = arith.extui %lt3A_797 : i1 to i32
      %cond3A_799 = arith.constant 0 : i32
      %cond3A_800 = arith.cmpi ne, %convert_element_type3A_798, %cond3A_799 : i32
      scf.if %cond3A_800 {
        %add3A_802 = arith.constant 8 : i32
        %add3A_803 = arith.addi %add3A_724, %add3A_802 : i32
        %sub3A_804 = arith.constant 1 : i32
        %sub3A_805 = arith.subi %add3A_803, %sub3A_804 : i32
        %mul3A_806 = arith.constant 256 : i32
        %mul3A_807 = arith.muli %sub3A_805, %mul3A_806 : i32
        %dma_start3A_808 = arith.constant 0 : i32
        %dma_start3A_809 = arith.constant 0 : i32
        %dma_start3A_810 = tpu.memref_slice %arg12[%dma_start3A_808, %dma_start3A_809] : memref<256x16xf32, #tpu.memory_space<vmem>> -> memref<128x16xf32, #tpu.memory_space<vmem>>
        %dma_start3A_811 = tpu.memref_slice %arg5[%mul3A_807] : memref<51200xi32, #tpu.memory_space<vmem>> -> memref<128xi32, #tpu.memory_space<vmem>>
        %dma_start3A_812 = arith.constant 0 : i32
        %dma_start3A_813 = arith.constant 0 : i32
        %dma_start3A_814 = tpu.memref_slice %arg2[%dma_start3A_812, %dma_start3A_813] : memref<65536x16xf32, #tpu.memory_space<hbm>> -> memref<65536x16xf32, #tpu.memory_space<hbm>>
        tpu.enqueue_indirect_dma source(%dma_start3A_814 : memref<65536x16xf32, #tpu.memory_space<hbm>>) target(%dma_start3A_810 : memref<128x16xf32, #tpu.memory_space<vmem>>) offsets(%dma_start3A_811 : memref<128xi32, #tpu.memory_space<vmem>>) semaphore(%arg21 : memref<!tpu.dma_semaphore, #tpu.memory_space<semaphore_mem>>)
        %mul3A_815 = arith.constant 256 : i32
        %mul3A_816 = arith.muli %sub3A_805, %mul3A_815 : i32
        %add3A_817 = arith.constant 128 : i32
        %add3A_818 = arith.addi %mul3A_816, %add3A_817 : i32
        %dma_start3A_819 = arith.constant 128 : i32
        %dma_start3A_820 = arith.constant 0 : i32
        %dma_start3A_821 = tpu.memref_slice %arg12[%dma_start3A_819, %dma_start3A_820] : memref<256x16xf32, #tpu.memory_space<vmem>> -> memref<128x16xf32, #tpu.memory_space<vmem>>
        %dma_start3A_822 = tpu.memref_slice %arg5[%add3A_818] : memref<51200xi32, #tpu.memory_space<vmem>> -> memref<128xi32, #tpu.memory_space<vmem>>
        %dma_start3A_823 = arith.constant 0 : i32
        %dma_start3A_824 = arith.constant 0 : i32
        %dma_start3A_825 = tpu.memref_slice %arg2[%dma_start3A_823, %dma_start3A_824] : memref<65536x16xf32, #tpu.memory_space<hbm>> -> memref<65536x16xf32, #tpu.memory_space<hbm>>
        tpu.enqueue_indirect_dma source(%dma_start3A_825 : memref<65536x16xf32, #tpu.memory_space<hbm>>) target(%dma_start3A_821 : memref<128x16xf32, #tpu.memory_space<vmem>>) offsets(%dma_start3A_822 : memref<128xi32, #tpu.memory_space<vmem>>) semaphore(%arg21 : memref<!tpu.dma_semaphore, #tpu.memory_space<semaphore_mem>>)
      } else {
      }
      %scan3A_801 = arith.constant 0 : i32
      scf.yield %scan3A_801 : i32
    }
    %scan3A_175 = arith.constant 25 : i32
    %mul3A_176 = arith.constant 2 : i32
    %mul3A_177 = arith.muli %add3A, %mul3A_176 : i32
    "tpu.region"() ({
      %run_scoped3A = tpu.sem_alloc : memref<!tpu.dma_semaphore, #tpu.memory_space<semaphore_mem>>
      %dma_start3A_178 = arith.constant 0 : i32
      %dma_start3A_179 = arith.constant 0 : i32
      %dma_start3A_180 = tpu.memref_slice %arg4[%mul3A_177, %dma_start3A_178, %dma_start3A_179] : memref<64x100x32xf32, #tpu.memory_space<hbm>> -> memref<2x100x32xf32, #tpu.memory_space<hbm>>
      %dma_start3A_181 = arith.constant 0 : i32
      %dma_start3A_182 = arith.constant 0 : i32
      %dma_start3A_183 = tpu.memref_slice %arg4[%mul3A_177, %dma_start3A_181, %dma_start3A_182] : memref<64x100x32xf32, #tpu.memory_space<hbm>> -> memref<2x100x32xf32, #tpu.memory_space<hbm>>
      tpu.enqueue_dma source(%arg14 : memref<2x100x32xf32, #tpu.memory_space<vmem>>) target(%dma_start3A_183 : memref<2x100x32xf32, #tpu.memory_space<hbm>>) target_semaphore(%run_scoped3A : memref<!tpu.dma_semaphore, #tpu.memory_space<semaphore_mem>>)
      %dma_wait3A = arith.constant 0 : i32
      %dma_wait3A_184 = arith.constant 0 : i32
      %dma_wait3A_185 = tpu.memref_slice %arg4[%mul3A_177, %dma_wait3A, %dma_wait3A_184] : memref<64x100x32xf32, #tpu.memory_space<hbm>> -> memref<2x100x32xf32, #tpu.memory_space<hbm>>
      %dma_wait3A_186 = arith.constant 0 : i32
      %dma_wait3A_187 = arith.constant 0 : i32
      %dma_wait3A_188 = tpu.memref_slice %arg4[%mul3A_177, %dma_wait3A_186, %dma_wait3A_187] : memref<64x100x32xf32, #tpu.memory_space<hbm>> -> memref<2x100x32xf32, #tpu.memory_space<hbm>>
      tpu.wait_dma2 semaphore(%run_scoped3A : memref<!tpu.dma_semaphore, #tpu.memory_space<semaphore_mem>>) src(%arg14 : memref<2x100x32xf32, #tpu.memory_space<vmem>>) dst(%dma_wait3A_188 : memref<2x100x32xf32, #tpu.memory_space<hbm>>)
      tpu.yield
    }) : () -> ()
    return
  }
}

module attributes {stable_mosaic.version = 14 : i64} {
  func.func @_tc_body(%arg0: i32, %arg1: memref<256x32xf32, #tpu.memory_space<vmem>>, %arg2: memref<1024x32xf32, #tpu.memory_space<vmem>>, %arg3: memref<1024x128xf32, #tpu.memory_space<vmem>>, %arg4: memref<256x256xbf16, #tpu.memory_space<vmem>>, %arg5: memref<256x256xf32, #tpu.memory_space<vmem>>) attributes {dimension_semantics = [#tpu.dimension_semantics<arbitrary>], iteration_bounds = array<i64: 8>, scalar_prefetch = 0 : i64, scratch_operands = 2 : i64, tpu.core_type = #tpu.core_type<tc>, window_params = [{pipeline_mode = #tpu.pipeline_mode<synchronous>, transform_indices = @transform_0, window_bounds = array<i64: 256, 32>}, {transform_indices = @transform_1, window_bounds = array<i64: 1024, 32>}, {transform_indices = @transform_2, window_bounds = array<i64: 1024, 128>}]} {
    %eq3A = arith.constant 0 : i32
    %eq3A_0 = arith.cmpi eq, %arg0, %eq3A : i32
    %convert_element_type3A = arith.extui %eq3A_0 : i1 to i32
    %cond3A = arith.constant 0 : i32
    %cond3A_1 = arith.cmpi ne, %convert_element_type3A, %cond3A : i32
    scf.if %cond3A_1 {
      %get3A_132 = arith.constant 0 : index
      %get3A_133 = arith.constant 0 : index
      %get3A_134 = vector.load %arg1[%get3A_132, %get3A_133] : memref<256x32xf32, #tpu.memory_space<vmem>>, vector<256x32xf32>
      %mul3A_135 = arith.constant 5.000000e-01 : f32
      %mul3A_136 = vector.broadcast %mul3A_135 : f32 to vector<256x32xf32>
      %mul3A_137 = arith.mulf %get3A_134, %mul3A_136 : vector<256x32xf32>
      %mul3A_138 = arith.constant 0.707106769 : f32
      %mul3A_139 = vector.broadcast %mul3A_138 : f32 to vector<256x32xf32>
      %mul3A_140 = arith.mulf %get3A_134, %mul3A_139 : vector<256x32xf32>
      %erf3A = math.erf %mul3A_140 : vector<256x32xf32>
      %add3A_141 = arith.constant 1.000000e+00 : f32
      %add3A_142 = vector.broadcast %add3A_141 : f32 to vector<256x32xf32>
      %add3A_143 = arith.addf %add3A_142, %erf3A : vector<256x32xf32>
      %mul3A_144 = arith.mulf %mul3A_137, %add3A_143 : vector<256x32xf32>
      %concatenate3A_145 = tpu.concatenate %mul3A_144, %mul3A_144, %mul3A_144, %mul3A_144, %mul3A_144, %mul3A_144, %mul3A_144, %mul3A_144 in 1 : vector<256x32xf32>, vector<256x32xf32>, vector<256x32xf32>, vector<256x32xf32>, vector<256x32xf32>, vector<256x32xf32>, vector<256x32xf32>, vector<256x32xf32> -> vector<256x256xf32>
      %convert_element_type3A_146 = arith.truncf %concatenate3A_145 : vector<256x256xf32> to vector<256x256xbf16>
      %swap3A_147 = arith.constant 0 : index
      %swap3A_148 = arith.constant 0 : index
      %swap3A_149 = vector.load %arg4[%swap3A_147, %swap3A_148] : memref<256x256xbf16, #tpu.memory_space<vmem>>, vector<256x256xbf16>
      tpu.vector_store %arg4[%swap3A_147, %swap3A_148], %convert_element_type3A_146 {strides = array<i32>} : memref<256x256xbf16, #tpu.memory_space<vmem>>, vector<256x256xbf16>,
      %iota3A = tpu.iota {dimensions = array<i32: 0>} : vector<256x256xi32>
      %iota3A_150 = tpu.iota {dimensions = array<i32: 1>} : vector<256x256xi32>
      %jit3A = arith.constant 32 : i32
      %div3A = vector.broadcast %jit3A : i32 to vector<256x256xi32>
      %div3A_151 = arith.divsi %iota3A, %div3A : vector<256x256xi32>
      %sign3A = arith.constant 0 : i32
      %sign3A_152 = vector.broadcast %sign3A : i32 to vector<256x256xi32>
      %sign3A_153 = arith.cmpi sgt, %iota3A, %sign3A_152 : vector<256x256xi32>
      %sign3A_154 = arith.extui %sign3A_153 : vector<256x256xi1> to vector<256x256xi32>
      %sign3A_155 = arith.constant 0 : i32
      %sign3A_156 = vector.broadcast %sign3A_155 : i32 to vector<256x256xi32>
      %sign3A_157 = arith.cmpi slt, %iota3A, %sign3A_156 : vector<256x256xi32>
      %sign3A_158 = arith.extui %sign3A_157 : vector<256x256xi1> to vector<256x256xi32>
      %sign3A_159 = arith.subi %sign3A_154, %sign3A_158 : vector<256x256xi32>
      %sign3A_160 = arith.constant 0 : i32
      %sign3A_161 = arith.cmpi sgt, %jit3A, %sign3A_160 : i32
      %sign3A_162 = arith.extui %sign3A_161 : i1 to i32
      %sign3A_163 = arith.constant 0 : i32
      %sign3A_164 = arith.cmpi slt, %jit3A, %sign3A_163 : i32
      %sign3A_165 = arith.extui %sign3A_164 : i1 to i32
      %sign3A_166 = arith.subi %sign3A_162, %sign3A_165 : i32
      %ne3A = vector.broadcast %sign3A_166 : i32 to vector<256x256xi32>
      %ne3A_167 = arith.cmpi ne, %sign3A_159, %ne3A : vector<256x256xi32>
      %rem3A = vector.broadcast %jit3A : i32 to vector<256x256xi32>
      %rem3A_168 = arith.remsi %iota3A, %rem3A : vector<256x256xi32>
      %ne3A_169 = arith.constant 0 : i32
      %ne3A_170 = vector.broadcast %ne3A_169 : i32 to vector<256x256xi32>
      %ne3A_171 = arith.cmpi ne, %rem3A_168, %ne3A_170 : vector<256x256xi32>
      %and3A_172 = arith.andi %ne3A_167, %ne3A_171 : vector<256x256xi1>
      %sub3A = arith.constant 1 : i32
      %sub3A_173 = vector.broadcast %sub3A : i32 to vector<256x256xi32>
      %sub3A_174 = arith.subi %div3A_151, %sub3A_173 : vector<256x256xi32>
      %select_n3A = arith.select %and3A_172, %sub3A_174, %div3A_151 : vector<256x256xi1>, vector<256x256xi32>
      %jit3A_175 = arith.constant 128 : i32
      %eq3A_176 = arith.constant 0 : i32
      %eq3A_177 = arith.cmpi eq, %jit3A_175, %eq3A_176 : i32
      %jit3A_178 = arith.constant 1 : i32
      %select_n3A_179 = arith.select %eq3A_177, %jit3A_178, %jit3A_175 : i32
      %rem3A_180 = vector.broadcast %select_n3A_179 : i32 to vector<256x256xi32>
      %rem3A_181 = arith.remsi %iota3A_150, %rem3A_180 : vector<256x256xi32>
      %ne3A_182 = arith.constant 0 : i32
      %ne3A_183 = vector.broadcast %ne3A_182 : i32 to vector<256x256xi32>
      %ne3A_184 = arith.cmpi ne, %rem3A_181, %ne3A_183 : vector<256x256xi32>
      %lt3A = arith.constant 0 : i32
      %lt3A_185 = vector.broadcast %lt3A : i32 to vector<256x256xi32>
      %lt3A_186 = arith.cmpi slt, %rem3A_181, %lt3A_185 : vector<256x256xi32>
      %lt3A_187 = arith.constant 0 : i32
      %lt3A_188 = arith.cmpi slt, %select_n3A_179, %lt3A_187 : i32
      %ne3A_189 = vector.broadcast %lt3A_188 : i1 to vector<256x256xi1>
      %ne3A_190 = vector.broadcast %ne3A_189 : vector<256x256xi1> to vector<256x256xi1>
      %ne3A_191 = arith.xori %lt3A_186, %ne3A_190 : vector<256x256xi1>
      %and3A_192 = arith.andi %ne3A_191, %ne3A_184 : vector<256x256xi1>
      %add3A_193 = vector.broadcast %select_n3A_179 : i32 to vector<256x256xi32>
      %add3A_194 = arith.addi %rem3A_181, %add3A_193 : vector<256x256xi32>
      %select_n3A_195 = arith.select %and3A_192, %add3A_194, %rem3A_181 : vector<256x256xi1>, vector<256x256xi32>
      %jit3A_196 = arith.constant 16 : i32
      %div3A_197 = vector.broadcast %jit3A_196 : i32 to vector<256x256xi32>
      %div3A_198 = arith.divsi %select_n3A_195, %div3A_197 : vector<256x256xi32>
      %sign3A_199 = arith.constant 0 : i32
      %sign3A_200 = vector.broadcast %sign3A_199 : i32 to vector<256x256xi32>
      %sign3A_201 = arith.cmpi sgt, %select_n3A_195, %sign3A_200 : vector<256x256xi32>
      %sign3A_202 = arith.extui %sign3A_201 : vector<256x256xi1> to vector<256x256xi32>
      %sign3A_203 = arith.constant 0 : i32
      %sign3A_204 = vector.broadcast %sign3A_203 : i32 to vector<256x256xi32>
      %sign3A_205 = arith.cmpi slt, %select_n3A_195, %sign3A_204 : vector<256x256xi32>
      %sign3A_206 = arith.extui %sign3A_205 : vector<256x256xi1> to vector<256x256xi32>
      %sign3A_207 = arith.subi %sign3A_202, %sign3A_206 : vector<256x256xi32>
      %sign3A_208 = arith.constant 0 : i32
      %sign3A_209 = arith.cmpi sgt, %jit3A_196, %sign3A_208 : i32
      %sign3A_210 = arith.extui %sign3A_209 : i1 to i32
      %sign3A_211 = arith.constant 0 : i32
      %sign3A_212 = arith.cmpi slt, %jit3A_196, %sign3A_211 : i32
      %sign3A_213 = arith.extui %sign3A_212 : i1 to i32
      %sign3A_214 = arith.subi %sign3A_210, %sign3A_213 : i32
      %ne3A_215 = vector.broadcast %sign3A_214 : i32 to vector<256x256xi32>
      %ne3A_216 = arith.cmpi ne, %sign3A_207, %ne3A_215 : vector<256x256xi32>
      %rem3A_217 = vector.broadcast %jit3A_196 : i32 to vector<256x256xi32>
      %rem3A_218 = arith.remsi %select_n3A_195, %rem3A_217 : vector<256x256xi32>
      %ne3A_219 = arith.constant 0 : i32
      %ne3A_220 = vector.broadcast %ne3A_219 : i32 to vector<256x256xi32>
      %ne3A_221 = arith.cmpi ne, %rem3A_218, %ne3A_220 : vector<256x256xi32>
      %and3A_222 = arith.andi %ne3A_216, %ne3A_221 : vector<256x256xi1>
      %sub3A_223 = arith.constant 1 : i32
      %sub3A_224 = vector.broadcast %sub3A_223 : i32 to vector<256x256xi32>
      %sub3A_225 = arith.subi %div3A_198, %sub3A_224 : vector<256x256xi32>
      %select_n3A_226 = arith.select %and3A_222, %sub3A_225, %div3A_198 : vector<256x256xi1>, vector<256x256xi32>
      %eq3A_227 = arith.cmpi eq, %select_n3A, %select_n3A_226 : vector<256x256xi32>
      %jit3A_228 = arith.constant 1.000000e+00 : f32
      %jit3A_229 = arith.constant 0.000000e+00 : f32
      %broadcast_in_dim3A = vector.broadcast %jit3A_228 : f32 to vector<256x256xf32>
      %broadcast_in_dim3A_230 = vector.broadcast %jit3A_229 : f32 to vector<256x256xf32>
      %select_n3A_231 = arith.select %eq3A_227, %broadcast_in_dim3A, %broadcast_in_dim3A_230 : vector<256x256xi1>, vector<256x256xf32>
      %swap3A_232 = arith.constant 0 : index
      %swap3A_233 = arith.constant 0 : index
      %swap3A_234 = vector.load %arg5[%swap3A_232, %swap3A_233] : memref<256x256xf32, #tpu.memory_space<vmem>>, vector<256x256xf32>
      tpu.vector_store %arg5[%swap3A_232, %swap3A_233], %select_n3A_231 {strides = array<i32>} : memref<256x256xf32, #tpu.memory_space<vmem>>, vector<256x256xf32>,
    } else {
    }
    %get3A = arith.constant 0 : index
    %get3A_2 = arith.constant 0 : index
    %get3A_3 = vector.load %arg4[%get3A, %get3A_2] : memref<256x256xbf16, #tpu.memory_space<vmem>>, vector<256x256xbf16>
    %get3A_4 = arith.constant 0 : index
    %get3A_5 = arith.constant 0 : index
    %get3A_6 = vector.load %arg5[%get3A_4, %get3A_5] : memref<256x256xf32, #tpu.memory_space<vmem>>, vector<256x256xf32>
    %get3A_7 = arith.constant 0 : index
    %get3A_8 = arith.constant 0 : index
    %get3A_9 = vector.load %arg2[%get3A_7, %get3A_8] : memref<1024x32xf32, #tpu.memory_space<vmem>>, vector<256x32xf32>
    %slice3A = vector.extract_strided_slice %get3A_9 {offsets = [0, 0], sizes = [256, 16], strides = [1, 1]} : vector<256x32xf32> to vector<256x16xf32>
    %slice3A_10 = vector.extract_strided_slice %get3A_9 {offsets = [0, 16], sizes = [256, 16], strides = [1, 1]} : vector<256x32xf32> to vector<256x16xf32>
    %concatenate3A = tpu.concatenate %slice3A, %slice3A, %slice3A, %slice3A, %slice3A, %slice3A, %slice3A, %slice3A, %slice3A_10, %slice3A_10, %slice3A_10, %slice3A_10, %slice3A_10, %slice3A_10, %slice3A_10, %slice3A_10 in 1 : vector<256x16xf32>, vector<256x16xf32>, vector<256x16xf32>, vector<256x16xf32>, vector<256x16xf32>, vector<256x16xf32>, vector<256x16xf32>, vector<256x16xf32>, vector<256x16xf32>, vector<256x16xf32>, vector<256x16xf32>, vector<256x16xf32>, vector<256x16xf32>, vector<256x16xf32>, vector<256x16xf32>, vector<256x16xf32> -> vector<256x256xf32>
    %mul3A = arith.mulf %concatenate3A, %get3A_6 : vector<256x256xf32>
    %convert_element_type3A_11 = arith.truncf %mul3A : vector<256x256xf32> to vector<256x256xbf16>
    %dot_general3A = arith.constant dense<0.000000e+00> : vector<256x256xf32>
    %dot_general3A_12 = tpu.matmul %get3A_3, %convert_element_type3A_11, %dot_general3A {dimension_numbers = #tpu.dot_dimension_numbers<[1], [0], [0], [1], [0, 0, 1, 1], [], []>, transpose_lhs_hint = false} : vector<256x256xbf16>, vector<256x256xbf16>, vector<256x256xf32> -> vector<256x256xf32>
    %bitcast_convert_type3A = tpu.bitcast %dot_general3A_12 : vector<256x256xf32> -> vector<256x256xi32>
    %add3A = arith.constant 32767 : i32
    %add3A_13 = vector.broadcast %add3A : i32 to vector<256x256xi32>
    %add3A_14 = arith.addi %bitcast_convert_type3A, %add3A_13 : vector<256x256xi32>
    %shift_right_logical3A = arith.constant 16 : i32
    %shift_right_logical3A_15 = vector.broadcast %shift_right_logical3A : i32 to vector<256x256xi32>
    %shift_right_logical3A_16 = arith.shrui %bitcast_convert_type3A, %shift_right_logical3A_15 : vector<256x256xi32>
    %and3A = arith.constant 1 : i32
    %and3A_17 = vector.broadcast %and3A : i32 to vector<256x256xi32>
    %and3A_18 = arith.andi %shift_right_logical3A_16, %and3A_17 : vector<256x256xi32>
    %add3A_19 = arith.addi %add3A_14, %and3A_18 : vector<256x256xi32>
    %shift_right_logical3A_20 = arith.constant 16 : i32
    %shift_right_logical3A_21 = vector.broadcast %shift_right_logical3A_20 : i32 to vector<256x256xi32>
    %shift_right_logical3A_22 = arith.shrui %add3A_19, %shift_right_logical3A_21 : vector<256x256xi32>
    %slice3A_23 = vector.extract_strided_slice %shift_right_logical3A_22 {offsets = [0, 0], sizes = [256, 128], strides = [1, 1]} : vector<256x256xi32> to vector<256x128xi32>
    %slice3A_24 = vector.extract_strided_slice %shift_right_logical3A_22 {offsets = [0, 128], sizes = [256, 128], strides = [1, 1]} : vector<256x256xi32> to vector<256x128xi32>
    %shift_left3A = arith.constant 16 : i32
    %shift_left3A_25 = vector.broadcast %shift_left3A : i32 to vector<256x128xi32>
    %shift_left3A_26 = arith.shli %slice3A_24, %shift_left3A_25 : vector<256x128xi32>
    %or3A = arith.ori %slice3A_23, %shift_left3A_26 : vector<256x128xi32>
    %bitcast_convert_type3A_27 = tpu.bitcast %or3A : vector<256x128xi32> -> vector<256x128xf32>
    %swap3A = arith.constant 0 : index
    %swap3A_28 = arith.constant 0 : index
    %swap3A_29 = vector.load %arg3[%swap3A, %swap3A_28] : memref<1024x128xf32, #tpu.memory_space<vmem>>, vector<256x128xf32>
    tpu.vector_store %arg3[%swap3A, %swap3A_28], %bitcast_convert_type3A_27 {strides = array<i32>} : memref<1024x128xf32, #tpu.memory_space<vmem>>, vector<256x128xf32>,
    %get3A_30 = arith.constant 256 : index
    %get3A_31 = arith.constant 0 : index
    %get3A_32 = vector.load %arg2[%get3A_30, %get3A_31] : memref<1024x32xf32, #tpu.memory_space<vmem>>, vector<256x32xf32>
    %slice3A_33 = vector.extract_strided_slice %get3A_32 {offsets = [0, 0], sizes = [256, 16], strides = [1, 1]} : vector<256x32xf32> to vector<256x16xf32>
    %slice3A_34 = vector.extract_strided_slice %get3A_32 {offsets = [0, 16], sizes = [256, 16], strides = [1, 1]} : vector<256x32xf32> to vector<256x16xf32>
    %concatenate3A_35 = tpu.concatenate %slice3A_33, %slice3A_33, %slice3A_33, %slice3A_33, %slice3A_33, %slice3A_33, %slice3A_33, %slice3A_33, %slice3A_34, %slice3A_34, %slice3A_34, %slice3A_34, %slice3A_34, %slice3A_34, %slice3A_34, %slice3A_34 in 1 : vector<256x16xf32>, vector<256x16xf32>, vector<256x16xf32>, vector<256x16xf32>, vector<256x16xf32>, vector<256x16xf32>, vector<256x16xf32>, vector<256x16xf32>, vector<256x16xf32>, vector<256x16xf32>, vector<256x16xf32>, vector<256x16xf32>, vector<256x16xf32>, vector<256x16xf32>, vector<256x16xf32>, vector<256x16xf32> -> vector<256x256xf32>
    %mul3A_36 = arith.mulf %concatenate3A_35, %get3A_6 : vector<256x256xf32>
    %convert_element_type3A_37 = arith.truncf %mul3A_36 : vector<256x256xf32> to vector<256x256xbf16>
    %dot_general3A_38 = arith.constant dense<0.000000e+00> : vector<256x256xf32>
    %dot_general3A_39 = tpu.matmul %get3A_3, %convert_element_type3A_37, %dot_general3A_38 {dimension_numbers = #tpu.dot_dimension_numbers<[1], [0], [0], [1], [0, 0, 1, 1], [], []>, transpose_lhs_hint = false} : vector<256x256xbf16>, vector<256x256xbf16>, vector<256x256xf32> -> vector<256x256xf32>
    %bitcast_convert_type3A_40 = tpu.bitcast %dot_general3A_39 : vector<256x256xf32> -> vector<256x256xi32>
    %add3A_41 = arith.constant 32767 : i32
    %add3A_42 = vector.broadcast %add3A_41 : i32 to vector<256x256xi32>
    %add3A_43 = arith.addi %bitcast_convert_type3A_40, %add3A_42 : vector<256x256xi32>
    %shift_right_logical3A_44 = arith.constant 16 : i32
    %shift_right_logical3A_45 = vector.broadcast %shift_right_logical3A_44 : i32 to vector<256x256xi32>
    %shift_right_logical3A_46 = arith.shrui %bitcast_convert_type3A_40, %shift_right_logical3A_45 : vector<256x256xi32>
    %and3A_47 = arith.constant 1 : i32
    %and3A_48 = vector.broadcast %and3A_47 : i32 to vector<256x256xi32>
    %and3A_49 = arith.andi %shift_right_logical3A_46, %and3A_48 : vector<256x256xi32>
    %add3A_50 = arith.addi %add3A_43, %and3A_49 : vector<256x256xi32>
    %shift_right_logical3A_51 = arith.constant 16 : i32
    %shift_right_logical3A_52 = vector.broadcast %shift_right_logical3A_51 : i32 to vector<256x256xi32>
    %shift_right_logical3A_53 = arith.shrui %add3A_50, %shift_right_logical3A_52 : vector<256x256xi32>
    %slice3A_54 = vector.extract_strided_slice %shift_right_logical3A_53 {offsets = [0, 0], sizes = [256, 128], strides = [1, 1]} : vector<256x256xi32> to vector<256x128xi32>
    %slice3A_55 = vector.extract_strided_slice %shift_right_logical3A_53 {offsets = [0, 128], sizes = [256, 128], strides = [1, 1]} : vector<256x256xi32> to vector<256x128xi32>
    %shift_left3A_56 = arith.constant 16 : i32
    %shift_left3A_57 = vector.broadcast %shift_left3A_56 : i32 to vector<256x128xi32>
    %shift_left3A_58 = arith.shli %slice3A_55, %shift_left3A_57 : vector<256x128xi32>
    %or3A_59 = arith.ori %slice3A_54, %shift_left3A_58 : vector<256x128xi32>
    %bitcast_convert_type3A_60 = tpu.bitcast %or3A_59 : vector<256x128xi32> -> vector<256x128xf32>
    %swap3A_61 = arith.constant 256 : index
    %swap3A_62 = arith.constant 0 : index
    %swap3A_63 = vector.load %arg3[%swap3A_61, %swap3A_62] : memref<1024x128xf32, #tpu.memory_space<vmem>>, vector<256x128xf32>
    tpu.vector_store %arg3[%swap3A_61, %swap3A_62], %bitcast_convert_type3A_60 {strides = array<i32>} : memref<1024x128xf32, #tpu.memory_space<vmem>>, vector<256x128xf32>,
    %get3A_64 = arith.constant 512 : index
    %get3A_65 = arith.constant 0 : index
    %get3A_66 = vector.load %arg2[%get3A_64, %get3A_65] : memref<1024x32xf32, #tpu.memory_space<vmem>>, vector<256x32xf32>
    %slice3A_67 = vector.extract_strided_slice %get3A_66 {offsets = [0, 0], sizes = [256, 16], strides = [1, 1]} : vector<256x32xf32> to vector<256x16xf32>
    %slice3A_68 = vector.extract_strided_slice %get3A_66 {offsets = [0, 16], sizes = [256, 16], strides = [1, 1]} : vector<256x32xf32> to vector<256x16xf32>
    %concatenate3A_69 = tpu.concatenate %slice3A_67, %slice3A_67, %slice3A_67, %slice3A_67, %slice3A_67, %slice3A_67, %slice3A_67, %slice3A_67, %slice3A_68, %slice3A_68, %slice3A_68, %slice3A_68, %slice3A_68, %slice3A_68, %slice3A_68, %slice3A_68 in 1 : vector<256x16xf32>, vector<256x16xf32>, vector<256x16xf32>, vector<256x16xf32>, vector<256x16xf32>, vector<256x16xf32>, vector<256x16xf32>, vector<256x16xf32>, vector<256x16xf32>, vector<256x16xf32>, vector<256x16xf32>, vector<256x16xf32>, vector<256x16xf32>, vector<256x16xf32>, vector<256x16xf32>, vector<256x16xf32> -> vector<256x256xf32>
    %mul3A_70 = arith.mulf %concatenate3A_69, %get3A_6 : vector<256x256xf32>
    %convert_element_type3A_71 = arith.truncf %mul3A_70 : vector<256x256xf32> to vector<256x256xbf16>
    %dot_general3A_72 = arith.constant dense<0.000000e+00> : vector<256x256xf32>
    %dot_general3A_73 = tpu.matmul %get3A_3, %convert_element_type3A_71, %dot_general3A_72 {dimension_numbers = #tpu.dot_dimension_numbers<[1], [0], [0], [1], [0, 0, 1, 1], [], []>, transpose_lhs_hint = false} : vector<256x256xbf16>, vector<256x256xbf16>, vector<256x256xf32> -> vector<256x256xf32>
    %bitcast_convert_type3A_74 = tpu.bitcast %dot_general3A_73 : vector<256x256xf32> -> vector<256x256xi32>
    %add3A_75 = arith.constant 32767 : i32
    %add3A_76 = vector.broadcast %add3A_75 : i32 to vector<256x256xi32>
    %add3A_77 = arith.addi %bitcast_convert_type3A_74, %add3A_76 : vector<256x256xi32>
    %shift_right_logical3A_78 = arith.constant 16 : i32
    %shift_right_logical3A_79 = vector.broadcast %shift_right_logical3A_78 : i32 to vector<256x256xi32>
    %shift_right_logical3A_80 = arith.shrui %bitcast_convert_type3A_74, %shift_right_logical3A_79 : vector<256x256xi32>
    %and3A_81 = arith.constant 1 : i32
    %and3A_82 = vector.broadcast %and3A_81 : i32 to vector<256x256xi32>
    %and3A_83 = arith.andi %shift_right_logical3A_80, %and3A_82 : vector<256x256xi32>
    %add3A_84 = arith.addi %add3A_77, %and3A_83 : vector<256x256xi32>
    %shift_right_logical3A_85 = arith.constant 16 : i32
    %shift_right_logical3A_86 = vector.broadcast %shift_right_logical3A_85 : i32 to vector<256x256xi32>
    %shift_right_logical3A_87 = arith.shrui %add3A_84, %shift_right_logical3A_86 : vector<256x256xi32>
    %slice3A_88 = vector.extract_strided_slice %shift_right_logical3A_87 {offsets = [0, 0], sizes = [256, 128], strides = [1, 1]} : vector<256x256xi32> to vector<256x128xi32>
    %slice3A_89 = vector.extract_strided_slice %shift_right_logical3A_87 {offsets = [0, 128], sizes = [256, 128], strides = [1, 1]} : vector<256x256xi32> to vector<256x128xi32>
    %shift_left3A_90 = arith.constant 16 : i32
    %shift_left3A_91 = vector.broadcast %shift_left3A_90 : i32 to vector<256x128xi32>
    %shift_left3A_92 = arith.shli %slice3A_89, %shift_left3A_91 : vector<256x128xi32>
    %or3A_93 = arith.ori %slice3A_88, %shift_left3A_92 : vector<256x128xi32>
    %bitcast_convert_type3A_94 = tpu.bitcast %or3A_93 : vector<256x128xi32> -> vector<256x128xf32>
    %swap3A_95 = arith.constant 512 : index
    %swap3A_96 = arith.constant 0 : index
    %swap3A_97 = vector.load %arg3[%swap3A_95, %swap3A_96] : memref<1024x128xf32, #tpu.memory_space<vmem>>, vector<256x128xf32>
    tpu.vector_store %arg3[%swap3A_95, %swap3A_96], %bitcast_convert_type3A_94 {strides = array<i32>} : memref<1024x128xf32, #tpu.memory_space<vmem>>, vector<256x128xf32>,
    %get3A_98 = arith.constant 768 : index
    %get3A_99 = arith.constant 0 : index
    %get3A_100 = vector.load %arg2[%get3A_98, %get3A_99] : memref<1024x32xf32, #tpu.memory_space<vmem>>, vector<256x32xf32>
    %slice3A_101 = vector.extract_strided_slice %get3A_100 {offsets = [0, 0], sizes = [256, 16], strides = [1, 1]} : vector<256x32xf32> to vector<256x16xf32>
    %slice3A_102 = vector.extract_strided_slice %get3A_100 {offsets = [0, 16], sizes = [256, 16], strides = [1, 1]} : vector<256x32xf32> to vector<256x16xf32>
    %concatenate3A_103 = tpu.concatenate %slice3A_101, %slice3A_101, %slice3A_101, %slice3A_101, %slice3A_101, %slice3A_101, %slice3A_101, %slice3A_101, %slice3A_102, %slice3A_102, %slice3A_102, %slice3A_102, %slice3A_102, %slice3A_102, %slice3A_102, %slice3A_102 in 1 : vector<256x16xf32>, vector<256x16xf32>, vector<256x16xf32>, vector<256x16xf32>, vector<256x16xf32>, vector<256x16xf32>, vector<256x16xf32>, vector<256x16xf32>, vector<256x16xf32>, vector<256x16xf32>, vector<256x16xf32>, vector<256x16xf32>, vector<256x16xf32>, vector<256x16xf32>, vector<256x16xf32>, vector<256x16xf32> -> vector<256x256xf32>
    %mul3A_104 = arith.mulf %concatenate3A_103, %get3A_6 : vector<256x256xf32>
    %convert_element_type3A_105 = arith.truncf %mul3A_104 : vector<256x256xf32> to vector<256x256xbf16>
    %dot_general3A_106 = arith.constant dense<0.000000e+00> : vector<256x256xf32>
    %dot_general3A_107 = tpu.matmul %get3A_3, %convert_element_type3A_105, %dot_general3A_106 {dimension_numbers = #tpu.dot_dimension_numbers<[1], [0], [0], [1], [0, 0, 1, 1], [], []>, transpose_lhs_hint = false} : vector<256x256xbf16>, vector<256x256xbf16>, vector<256x256xf32> -> vector<256x256xf32>
    %bitcast_convert_type3A_108 = tpu.bitcast %dot_general3A_107 : vector<256x256xf32> -> vector<256x256xi32>
    %add3A_109 = arith.constant 32767 : i32
    %add3A_110 = vector.broadcast %add3A_109 : i32 to vector<256x256xi32>
    %add3A_111 = arith.addi %bitcast_convert_type3A_108, %add3A_110 : vector<256x256xi32>
    %shift_right_logical3A_112 = arith.constant 16 : i32
    %shift_right_logical3A_113 = vector.broadcast %shift_right_logical3A_112 : i32 to vector<256x256xi32>
    %shift_right_logical3A_114 = arith.shrui %bitcast_convert_type3A_108, %shift_right_logical3A_113 : vector<256x256xi32>
    %and3A_115 = arith.constant 1 : i32
    %and3A_116 = vector.broadcast %and3A_115 : i32 to vector<256x256xi32>
    %and3A_117 = arith.andi %shift_right_logical3A_114, %and3A_116 : vector<256x256xi32>
    %add3A_118 = arith.addi %add3A_111, %and3A_117 : vector<256x256xi32>
    %shift_right_logical3A_119 = arith.constant 16 : i32
    %shift_right_logical3A_120 = vector.broadcast %shift_right_logical3A_119 : i32 to vector<256x256xi32>
    %shift_right_logical3A_121 = arith.shrui %add3A_118, %shift_right_logical3A_120 : vector<256x256xi32>
    %slice3A_122 = vector.extract_strided_slice %shift_right_logical3A_121 {offsets = [0, 0], sizes = [256, 128], strides = [1, 1]} : vector<256x256xi32> to vector<256x128xi32>
    %slice3A_123 = vector.extract_strided_slice %shift_right_logical3A_121 {offsets = [0, 128], sizes = [256, 128], strides = [1, 1]} : vector<256x256xi32> to vector<256x128xi32>
    %shift_left3A_124 = arith.constant 16 : i32
    %shift_left3A_125 = vector.broadcast %shift_left3A_124 : i32 to vector<256x128xi32>
    %shift_left3A_126 = arith.shli %slice3A_123, %shift_left3A_125 : vector<256x128xi32>
    %or3A_127 = arith.ori %slice3A_122, %shift_left3A_126 : vector<256x128xi32>
    %bitcast_convert_type3A_128 = tpu.bitcast %or3A_127 : vector<256x128xi32> -> vector<256x128xf32>
    %swap3A_129 = arith.constant 768 : index
    %swap3A_130 = arith.constant 0 : index
    %swap3A_131 = vector.load %arg3[%swap3A_129, %swap3A_130] : memref<1024x128xf32, #tpu.memory_space<vmem>>, vector<256x128xf32>
    tpu.vector_store %arg3[%swap3A_129, %swap3A_130], %bitcast_convert_type3A_128 {strides = array<i32>} : memref<1024x128xf32, #tpu.memory_space<vmem>>, vector<256x128xf32>,
    return
  }
  func.func @transform_0(%arg0: i32) -> (i32, i32) {
    %c0_i32 = arith.constant 0 : i32
    %c0_i32_0 = arith.constant 0 : i32
    %c0_i32_1 = arith.constant 0 : i32
    return %c0_i32, %c0_i32_0 : i32, i32
  }
  func.func @transform_1(%arg0: i32) -> (i32, i32) {
    %c0_i32 = arith.constant 0 : i32
    %c0_i32_0 = arith.constant 0 : i32
    return %arg0, %c0_i32 : i32, i32
  }
  func.func @transform_2(%arg0: i32) -> (i32, i32) {
    %c0_i32 = arith.constant 0 : i32
    %c0_i32_0 = arith.constant 0 : i32
    return %arg0, %c0_i32 : i32, i32
  }
}

</mosaic_0001>

<sc_bundles>
// kernel: kernel.4.cloned.1.call-start
scs
__scs_entry_jumppad:
0x0: {  	(pc) =	sbr.rel $0x88, $3  }
0x1: {  	(tag) =	ssettag $0x0;
	lr =	simm.s32 $0x1  }
0x2: {  	[smem:$0x3F9E] =	sst lr;
	_ =	strace $0xD0000000  }
0x3: {  	_ = 	snop  }
0x4: {  	_ = 	snop  }
0x5: {  	_ = 	snop  }
0x6: {  	_ = 	snop  }
0x7: {  	_ = 	snop  }
__scs_overlays_trampoline_lowered:
0x8: {  	[smem:$0x3FAD] =	sst s0  }
0x9: {  	[smem:$0x3FAE] =	sst s1  }
0xa: {  	[smem:$0x3FAF] =	sst s2  }
0xb: {  	[smem:$0x3FB0] =	sst s3  }
0xc: {  	[smem:$0x3FB1] =	sst s4  }
0xd: {  	[smem:$0x3FB2] =	sst s5  }
0xe: {  	[smem:$0x3FB3] =	sst s6  }
0xf: {  	[smem:$0x3FB4] =	sst s7  }
0x10: {  	[smem:$0x3FB5] =	sst s8  }
0x11: {  	[smem:$0x3FB6] =	sst s9;
	s0 =	simm.s32 @!p0 $0x0  }
0x12: {  	s1 =	sld [smem:$0x3F9C];
	s0 =	simm.s32 @p0 $0x1  }
0x13: {  	[smem:$0x3FB7] =	sst s0;
	s0 =	simm.s32 @!p1 $0x0  }
0x14: {  	s2 =	sld [smem:$0x3F9B];
	s0 =	simm.s32 @p1 $0x1  }
0x15: {  	[smem:$0x3FB8] =	sst s0;
	s0 =	simm.s32 @!p2 $0x0  }
0x16: {  	s3 =	sld [smem:$0x3FDB];
	s0 =	simm.s32 @p2 $0x1  }
0x17: {  	s4 =	simm.s32 $0x1BF5;
	[smem:$0x3FBA] =	sst s0  }
0x18: {  	s0 =	sld [smem:$0x3F9D];
	_ =	swait.ge [sflag:s4], $0x0  }
0x19: {  	s7 =	sld [smem:$0x3F9E]  }
0x1a: {  	s8 =	sadd.s32 $0xFFFFE003, lr  }
0x1b: {  	s9 =	sadd.s32 $0xFFFFFEF7, lr;
	s5 =	simm.s32 $0xFFFFFFFF;
	p2 =	slt.u32 s8, $0xFFFFF086  }
0x1c: {  	p1 =	slt.u32 s9, $0xF7A;
	s5 =	simm.s32 @!p2 $0x0  }
0x1d: {  	s5 =	simm.s32 @p1 $0x1;
	p0 =	seq.s32 s7, s2  }
0x1e: {  	s7 =	smul.u32 @!p0 $0xF7A, s2;
	p2 =	seq.s32 @!p0 s5, $0x0  }
0x1f: {  	s9 =	smul.u32 $0xF7A, s1;
	s8 =	simm.s32 @!p0 $0x1BF5;
	p2 =	por !p2, p0  }
0x20: {  	[sflag:s8] =	ssyncset.s32 @!p0 $0xFFFFF086;
	s6 =	sadd.s32 @!p0 s3, s7;
	s7 =	simm.s32 @!p0 $0x108  }
0x21: {  	s3 =	sadd.s32 s3, s9;
	s6 =	sadd.s32 @!p0 $0x88, s6;
	s7 =	simm.s32 @p2 $0x1082  }
0x22: {  	[simem:s7], [sflag:s8] =	dma.local @!p0 [hbm:s6], $0xF7A  }
0x23: {  	s9 =	sor.u32 $0xD0000000, s2;
	s6 =	simm.s32 $0x108;
	_ =	swait.ge @!p0 [sflag:s8], $0x0  }
0x24: {  	s3 =	sadd.s32 $0x88, s3;
	s6 =	simm.s32 @!p1 $0x1082;
	[sflag:s4] =	ssyncset.s32 $0xFFFFF086  }
0x25: {  	[simem:s6], [sflag:s4] =	dma.local [hbm:s3], $0xF7A  }
0x26: {  	[smem:$0x3F9E] =	sst s1;
	(tag) =	ssettag s2;
	_ =	strace s9  }
0x27: {  	s1 =	sld [smem:$0x3FAE]  }
0x28: {  	s2 =	sld [smem:$0x3FAF]  }
0x29: {  	s4 =	sld [smem:$0x3FB1]  }
0x2a: {  	p0 =	seq.s32 s5, $0x0;
	s5 =	sld [smem:$0x3FB2]  }
0x2b: {  	s6 =	sld [smem:$0x3FB3]  }
0x2c: {  	s7 =	sld [smem:$0x3FB4]  }
0x2d: {  	s3 =	simm.s32 $0x108;
	s8 =	sld [smem:$0x3FB5]  }
0x2e: {  	s3 =	simm.s32 @!p0 $0x1082;
	s9 =	sld [smem:$0x3FB6]  }
0x2f: {  	lr =	sadd.s32 s0, s3;
	s0 =	sld [smem:$0x3FAD]  }
0x30: {  	s3 =	sld [smem:$0x3FB0]  }
0x31: {  	[smem:$0x3FB9] =	sst s10  }
0x32: {  	s10 =	sld [smem:$0x3FB7];
	_ =	sdelay $0x3  }
0x33: {  	p0 =	seq.s32 s10, $0x1;
	s10 =	sld [smem:$0x3FB9];
	_ =	sdelay $0x3  }
0x34: {  	[smem:$0x3FB9] =	sst s10  }
0x35: {  	s10 =	sld [smem:$0x3FB8];
	_ =	sdelay $0x3  }
0x36: {  	p1 =	seq.s32 s10, $0x1;
	s10 =	sld [smem:$0x3FB9];
	_ =	sdelay $0x3  }
0x37: {  	[smem:$0x3FB9] =	sst s10  }
0x38: {  	s10 =	sld [smem:$0x3FBA]  }
0x39: {  	_ = 	snop;
	(pc) =	sbr.ind lr, $3  }
0x3a: {  	_ = 	snop  }
0x3b: {  	_ = 	snop  }
0x3c: {  	p2 =	seq.s32 s10, $0x1;
	s10 =	sld [smem:$0x3FB9]  }
0x3d: {  	_ =	shalt  }
0x3e: {  	_ =	shalt  }
0x3f: {  	_ =	shalt  }
0x40: {  	_ =	shalt  }
0x41: {  	_ =	shalt  }
0x42: {  	_ =	shalt  }
0x43: {  	_ =	shalt  }
0x44: {  	_ =	shalt  }
0x45: {  	_ =	shalt  }
0x46: {  	_ =	shalt  }
0x47: {  	_ =	shalt  }
0x48: {  	_ =	shalt  }
0x49: {  	_ =	shalt  }
0x4a: {  	_ =	shalt  }
0x4b: {  	_ =	shalt  }
0x4c: {  	_ =	shalt  }
0x4d: {  	_ =	shalt  }
0x4e: {  	_ =	shalt  }
0x4f: {  	_ =	shalt  }
0x50: {  	_ =	shalt  }
0x51: {  	_ =	shalt  }
0x52: {  	_ =	shalt  }
0x53: {  	_ =	shalt  }
0x54: {  	_ =	shalt  }
0x55: {  	_ =	shalt  }
0x56: {  	_ =	shalt  }
0x57: {  	_ =	shalt  }
0x58: {  	_ =	shalt  }
0x59: {  	_ =	shalt  }
0x5a: {  	_ =	shalt  }
0x5b: {  	_ =	shalt  }
0x5c: {  	_ =	shalt  }
0x5d: {  	_ =	shalt  }
0x5e: {  	_ =	shalt  }
0x5f: {  	_ =	shalt  }
0x60: {  	_ =	shalt  }
0x61: {  	_ =	shalt  }
0x62: {  	_ =	shalt  }
0x63: {  	_ =	shalt  }
0x64: {  	_ =	shalt  }
0x65: {  	_ =	shalt  }
0x66: {  	_ =	shalt  }
0x67: {  	_ =	shalt  }
0x68: {  	_ =	shalt  }
0x69: {  	_ =	shalt  }
0x6a: {  	_ =	shalt  }
0x6b: {  	_ =	shalt  }
0x6c: {  	_ =	shalt  }
0x6d: {  	_ =	shalt  }
0x6e: {  	_ =	shalt  }
0x6f: {  	_ =	shalt  }
0x70: {  	_ =	shalt  }
0x71: {  	_ =	shalt  }
0x72: {  	_ =	shalt  }
0x73: {  	_ =	shalt  }
0x74: {  	_ =	shalt  }
0x75: {  	_ =	shalt  }
0x76: {  	_ =	shalt  }
0x77: {  	_ =	shalt  }
0x78: {  	_ =	shalt  }
0x79: {  	_ =	shalt  }
0x7a: {  	_ =	shalt  }
0x7b: {  	_ =	shalt  }
0x7c: {  	_ =	shalt  }
0x7d: {  	_ =	shalt  }
0x7e: {  	_ =	shalt  }
0x7f: {  	_ =	shalt  }
0x80: {  	_ =	shalt  }
0x81: {  	_ =	shalt  }
0x82: {  	_ =	shalt  }
0x83: {  	_ =	shalt  }
0x84: {  	_ =	shalt  }
0x85: {  	_ =	shalt  }
0x86: {  	_ =	shalt  }
0x87: {  	_ =	shalt  }
.Lfunc_end0:
.L_simem_size_0:
called_computation_lowered:
.L_overlay_start_0:
0x88: {  	s2 =	sld [smem:$0x3FD9]  }
0x89: {  	s3 =	sld [smem:$0x3FFE];
	_ =	sdelay $0x1  }
0x8a: {  	s1 =	srdreg.scid  }
0x8b: {  	s0 =	sand.u32 $0x1, s1  }
0x8c: {  	s17 =	sshll.u32 s0, $0xA;
	s2 =	sadd.s32 s3, s2  }
0x8d: {  	s2 =	sadd.s32 s2, s17  }
0x8e: {  	[smem:$0x3FC5] =	sst s2  }
0x8f: {  	_ = 	snop  }
0x90: {  	s2 =	sld [smem:$0x3FD0];
	(tm) =	ssettm $0x1  }
0x91: {  	s18 =	sld [smem:$0x3FFB];
	_ =	sdelay $0x3  }
0x92: {  	_ =	strace s18  }
0x93: {  	s3 =	sld [smem:$0x3FFC];
	_ =	sdelay $0x3  }
0x94: {  	_ =	strace s3  }
0x95: {  	s3 =	sld [smem:$0x3FFD];
	_ =	sdelay $0x3  }
0x96: {  	_ =	strace s3  }
0x97: {  	_ =	strace $0x8FFFFFFF  }
0x98: {  	s19 =	sld [smem:$0x3FDB];
	_ =	sdelay $0x1  }
0x99: {  	s4 =	simm.s32 $_scs_section_size  }
0x9a: {  	s5 =	simm.s32 $_size__tile_overlayer_lowered;
	s6 =	simm.s32 $_tile_overlayer_lowered  }
0x9b: {  	s22 =	simm.s32 $0x1BFF;
	s21 =	sshll.u32 s6, $0x1;
	s3 =	sadd.s32 s4, s19  }
0x9c: {  	s7 =	simm.s32 $0x0;
	s20 =	sshll.u32 s5, $0x1;
	s5 =	sadd.s32 s21, s3  }
0x9d: {  	[timem:s7], [sflag:s22] =	dma.local [hbm:s5], s20  }
0x9e: {  	_ =	swait.ge [sflag:s22], s20  }
0x9f: {  	s4 =	ssub.s32 $0x0, s20;
	[sflag:s22] =	ssyncset.done $0x0  }
0xa0: {  	[sflag:s22] =	ssyncadd.s32 s4;
	_ =	sdelay $0x1  }
0xa1: {  	s23 =	simm.s32 $0x1B8B  }
0xa2: {  	_ =	swait.ge [sflag:s23], $0x1  }
0xa3: {  	[sflag:s23] =	ssyncset.done $0x0  }
0xa4: {  	s25 =	simm.s32 $0x1B8E;
	s24 =	sld [smem:$0x3FFE];
	[sflag:s23] =	ssyncadd.s32 $0xFFFFFFFF  }
0xa5: {  	s26 =	simm.s32 $execute0_lowered;
	[smem:$0x3FD2] =	sst s25  }
0xa6: {  	s5 =	sshll.u32 s26, $0x1;
	_ =	strace $0x80000046;
	[dreg:$0x1] =	wrdreg $0xFFFFFFFF  }
0xa7: {  	s28 =	simm.s32 $_size_execute0_lowered;
	s3 =	sadd.s32 s3, s5;
	[dreg:$0x0] =	wrdreg $0x0  }
0xa8: {  	s5 =	sshll.u32 s28, $0x1;
	[dreg:$0x2] =	wrdreg s3  }
0xa9: {  	[dreg:$0x3] =	wrdreg s5  }
0xaa: {  	[dreg:$0x4] =	wrdreg $0xC0  }
0xab: {  	_ =	task [dreg:s7], $0x5FFFF  }
0xac: {  	[dreg:$0x1] =	wrdreg $0xFFFFFFFF  }
0xad: {  	[dreg:$0x0] =	wrdreg $0x60  }
0xae: {  	[dreg:$0x2] =	wrdreg s24  }
0xaf: {  	[dreg:$0x3] =	wrdreg s2  }
0xb0: {  	[dreg:$0x4] =	wrdreg $0x9  }
0xb1: {  	_ =	task.clear_ibuf [dreg:s7], $0x5FFFF;
	_ =	strace $0x90000046  }
0xb2: {  	s29 =	simm.s32 $0x9;
	_ =	strace $0x80000048  }
0xb3: {  	_ =	swait.ge [sflag:s29], $0x1  }
0xb4: {  	[sflag:s29] =	ssyncadd.s32 $0xFFFFFFFF  }
0xb5: {  	_ =	strace $0x90000048  }
0xb6: {  	_ =	sfence  }
0xb7: {  	s30 =	sld [smem:$0x0];
	_ =	sdelay $0x2  }
0xb8: {  	s31 =	sshll.u32 s1, $0xD;
	s1 =	sshrl.u32 s1, $0x2  }
0xb9: {  	s3 =	sand.u32 $0x4000, s31;
	s1 =	sadd.s32 s1, s30  }
0xba: {  	s0 =	sor.u32 s3, s0;
	s1 =	sshll.u32 s1, $0x11  }
0xbb: {  	s0 =	sor.u32 s1, s0  }
0xbc: {  	s0 =	sadd.s32 $0x8F2B, s0  }
0xbd: {  	[sflag:s0] =	ssyncadd.remote.s32 $0x1  }
0xbe: {  	_ =	sfence.sel $0xFFFF  }
0xbf: {  	[dreg:$0x0] =	wrdreg $0xFFFFFFFF;
	(pc) =	sbr.abs _section_cstart, $3  }
0xc0: {  	[dreg:$0x1] =	wrdreg $0xFFFFFFFF  }
0xc1: {  	_ =	task.clear_ibuf [dreg:s7], $0x2FFFF;
	_ =	strace $0x9FFFFFFF  }
0xc2: {  	(tm) =	ssettm $0x7FFFFFFF  }
0xc3: {  	_ =	shalt  }
tec
execute0_lowered:
.L_overlay_start_1:
0x0: {  	(tag) =	ssettag $0x1  }
0x1: {  	v0 =	vimm.s32 $0x76543210;
	vm0 =	vcmask $0x1F00;
	vm6 =	vcmask $0x2320  }
0x2: {  	vm5 =	vcmask $0x2724;
	vm4 =	vcmask $0x2B28;
	vm3 =	vcmask $0x2F2C  }
0x3: {  	vm2 =	vcmask $0x3330;
	v1 =	vimm.s32 $0x1807;
	vm14 =	vcmask $0x300  }
0x4: {  	vm12 =	vcmask $0x704;
	vm1 =	vcmask $0x3B38;
	vm13 =	vcmask $0xB08  }
0x5: {  	vm11 =	vcmask $0xF0C;
	v2 =	vimm.s32 $0x2807;
	v3 =	vimm.s32 $0x3807  }
0x6: {  	vm7 =	vcmask $0x1310;
	vm8 =	vcmask $0x1714;
	vm9 =	vcmask $0x1B18  }
0x7: {  	vm10 =	vcmask $0x1F1C;
	v4 =	vimm.s32 $0x4807;
	v5 =	vimm.s32 $0x5807  }
0x8: {  	v6 =	vimm.s32 $0x6807;
	v7 =	vimm.s32 $0x7807;
	v8 =	vimm.s32 $0x8807  }
0x9: {  	v9 =	vimm.s32 $0x9807;
	v10 =	vimm.s32 $0xA807;
	v11 =	vimm.s32 $0xB807  }
0xa: {  	v12 =	vimm.s32 $0xC807;
	v13 =	vimm.s32 $0xD807;
	v14 =	vimm.s32 $0xE807  }
0xb: {  	v15 =	vimm.s32 $0xF807;
	v0 =	vunpack.c.l.s4.s8 v0;
	v1 =	vsel vm14, $0x1000, v1  }
0xc: {  	v2 =	vsel vm14, $0x2000, v2;
	v3 =	vsel vm14, $0x3000, v3;
	v4 =	vsel vm14, $0x4000, v4  }
0xd: {  	v5 =	vsel vm14, $0x5000, v5;
	v6 =	vsel vm14, $0x6000, v6;
	v7 =	vsel vm14, $0x7000, v7  }
0xe: {  	v8 =	vsel vm14, $0x8000, v8;
	v9 =	vsel vm14, $0x9000, v9;
	v10 =	vsel vm14, $0xA000, v10  }
0xf: {  	v11 =	vsel vm14, $0xB000, v11;
	v12 =	vsel vm14, $0xC000, v12;
	v13 =	vsel vm14, $0xD000, v13  }
0x10: {  	v14 =	vsel vm14, $0xE000, v14;
	v15 =	vsel vm14, $0xF000, v15;
	v1 =	vsel vm12, $0x1001, v1  }
0x11: {  	v2 =	vsel vm12, $0x2001, v2;
	v3 =	vsel vm12, $0x3001, v3;
	v4 =	vsel vm12, $0x4001, v4  }
0x12: {  	v5 =	vsel vm12, $0x5001, v5;
	v6 =	vsel vm12, $0x6001, v6;
	v7 =	vsel vm12, $0x7001, v7  }
0x13: {  	v8 =	vsel vm12, $0x8001, v8;
	v9 =	vsel vm12, $0x9001, v9;
	v10 =	vsel vm12, $0xA001, v10  }
0x14: {  	v11 =	vsel vm12, $0xB001, v11;
	v12 =	vsel vm12, $0xC001, v12;
	v13 =	vsel vm12, $0xD001, v13  }
0x15: {  	v14 =	vsel vm12, $0xE001, v14;
	v15 =	vsel vm12, $0xF001, v15;
	v0 =	vunpack.c.0.s8.s32 v0  }
0x16: {  	v1 =	vsel vm13, $0x1002, v1;
	v2 =	vsel vm13, $0x2002, v2;
	v3 =	vsel vm13, $0x3002, v3  }
0x17: {  	v4 =	vsel vm13, $0x4002, v4;
	v5 =	vsel vm13, $0x5002, v5;
	v6 =	vsel vm13, $0x6002, v6  }
0x18: {  	v7 =	vsel vm13, $0x7002, v7;
	v8 =	vsel vm13, $0x8002, v8;
	v9 =	vsel vm13, $0x9002, v9  }
0x19: {  	v10 =	vsel vm13, $0xA002, v10;
	v11 =	vsel vm13, $0xB002, v11;
	v12 =	vsel vm13, $0xC002, v12  }
0x1a: {  	v13 =	vsel vm13, $0xD002, v13;
	v14 =	vsel vm13, $0xE002, v14;
	v15 =	vsel vm13, $0xF002, v15  }
0x1b: {  	v1 =	vsel vm11, $0x1003, v1;
	v2 =	vsel vm11, $0x2003, v2;
	v3 =	vsel vm11, $0x3003, v3  }
0x1c: {  	v4 =	vsel vm11, $0x4003, v4;
	v5 =	vsel vm11, $0x5003, v5;
	v6 =	vsel vm11, $0x6003, v6  }
0x1d: {  	v7 =	vsel vm11, $0x7003, v7;
	v8 =	vsel vm11, $0x8003, v8;
	v9 =	vsel vm11, $0x9003, v9  }
0x1e: {  	v10 =	vsel vm11, $0xA003, v10;
	v11 =	vsel vm11, $0xB003, v11;
	v12 =	vsel vm11, $0xC003, v12  }
0x1f: {  	v13 =	vsel vm11, $0xD003, v13;
	v14 =	vsel vm11, $0xE003, v14;
	v15 =	vsel vm11, $0xF003, v15  }
0x20: {  	v0 =	vnsel vm0, $0x807, v0;
	vm0 =	vcmask $0x3734;
	v1 =	vsel vm7, $0x1004, v1  }
0x21: {  	v2 =	vsel vm7, $0x2004, v2;
	v3 =	vsel vm7, $0x3004, v3;
	v4 =	vsel vm7, $0x4004, v4  }
0x22: {  	v5 =	vsel vm7, $0x5004, v5;
	v6 =	vsel vm7, $0x6004, v6;
	v7 =	vsel vm7, $0x7004, v7  }
0x23: {  	v8 =	vsel vm7, $0x8004, v8;
	v9 =	vsel vm7, $0x9004, v9;
	v10 =	vsel vm7, $0xA004, v10  }
0x24: {  	v11 =	vsel vm7, $0xB004, v11;
	v12 =	vsel vm7, $0xC004, v12;
	v13 =	vsel vm7, $0xD004, v13  }
0x25: {  	v14 =	vsel vm7, $0xE004, v14;
	v15 =	vsel vm7, $0xF004, v15;
	v0 =	vsel vm6, $0x800, v0  }
0x26: {  	v1 =	vsel vm8, $0x1005, v1;
	v2 =	vsel vm8, $0x2005, v2;
	v3 =	vsel vm8, $0x3005, v3  }
0x27: {  	v4 =	vsel vm8, $0x4005, v4;
	v5 =	vsel vm8, $0x5005, v5;
	v6 =	vsel vm8, $0x6005, v6  }
0x28: {  	v7 =	vsel vm8, $0x7005, v7;
	v8 =	vsel vm8, $0x8005, v8;
	v9 =	vsel vm8, $0x9005, v9  }
0x29: {  	v10 =	vsel vm8, $0xA005, v10;
	v11 =	vsel vm8, $0xB005, v11;
	v12 =	vsel vm8, $0xC005, v12  }
0x2a: {  	v13 =	vsel vm8, $0xD005, v13;
	v14 =	vsel vm8, $0xE005, v14;
	v15 =	vsel vm8, $0xF005, v15  }
0x2b: {  	v0 =	vsel vm5, $0x801, v0;
	v1 =	vsel vm9, $0x1006, v1;
	v2 =	vsel vm9, $0x2006, v2  }
0x2c: {  	v3 =	vsel vm9, $0x3006, v3;
	v4 =	vsel vm9, $0x4006, v4;
	v5 =	vsel vm9, $0x5006, v5  }
0x2d: {  	v6 =	vsel vm9, $0x6006, v6;
	v7 =	vsel vm9, $0x7006, v7;
	v8 =	vsel vm9, $0x8006, v8  }
0x2e: {  	v9 =	vsel vm9, $0x9006, v9;
	v10 =	vsel vm9, $0xA006, v10;
	v11 =	vsel vm9, $0xB006, v11  }
0x2f: {  	v12 =	vsel vm9, $0xC006, v12;
	v13 =	vsel vm9, $0xD006, v13;
	v14 =	vsel vm9, $0xE006, v14  }
0x30: {  	v15 =	vsel vm9, $0xF006, v15;
	v0 =	vsel vm4, $0x802, v0;
	v1 =	vsel vm10, $0x1007, v1  }
0x31: {  	v2 =	vsel vm10, $0x2007, v2;
	v3 =	vsel vm10, $0x3007, v3;
	v4 =	vsel vm10, $0x4007, v4  }
0x32: {  	v5 =	vsel vm10, $0x5007, v5;
	v6 =	vsel vm10, $0x6007, v6;
	v7 =	vsel vm10, $0x7007, v7  }
0x33: {  	v8 =	vsel vm10, $0x8007, v8;
	v9 =	vsel vm10, $0x9007, v9;
	v10 =	vsel vm10, $0xA007, v10  }
0x34: {  	v11 =	vsel vm10, $0xB007, v11;
	v12 =	vsel vm10, $0xC007, v12;
	v13 =	vsel vm10, $0xD007, v13  }
0x35: {  	v14 =	vsel vm10, $0xE007, v14;
	v15 =	vsel vm10, $0xF007, v15;
	v0 =	vsel vm3, $0x803, v0  }
0x36: {  	v1 =	vsel vm6, $0x1800, v1;
	v2 =	vsel vm6, $0x2800, v2;
	v3 =	vsel vm6, $0x3800, v3  }
0x37: {  	v4 =	vsel vm6, $0x4800, v4;
	v5 =	vsel vm6, $0x5800, v5;
	v6 =	vsel vm6, $0x6800, v6  }
0x38: {  	v7 =	vsel vm6, $0x7800, v7;
	v8 =	vsel vm6, $0x8800, v8;
	v9 =	vsel vm6, $0x9800, v9  }
0x39: {  	v10 =	vsel vm6, $0xA800, v10;
	v11 =	vsel vm6, $0xB800, v11;
	v12 =	vsel vm6, $0xC800, v12  }
0x3a: {  	v13 =	vsel vm6, $0xD800, v13;
	v14 =	vsel vm6, $0xE800, v14;
	v15 =	vsel vm6, $0xF800, v15  }
0x3b: {  	v0 =	vsel vm2, $0x804, v0;
	v1 =	vsel vm5, $0x1801, v1;
	v2 =	vsel vm5, $0x2801, v2  }
0x3c: {  	v3 =	vsel vm5, $0x3801, v3;
	v4 =	vsel vm5, $0x4801, v4;
	v5 =	vsel vm5, $0x5801, v5  }
0x3d: {  	v6 =	vsel vm5, $0x6801, v6;
	v7 =	vsel vm5, $0x7801, v7;
	v8 =	vsel vm5, $0x8801, v8  }
0x3e: {  	v9 =	vsel vm5, $0x9801, v9;
	v10 =	vsel vm5, $0xA801, v10;
	v11 =	vsel vm5, $0xB801, v11  }
0x3f: {  	v12 =	vsel vm5, $0xC801, v12;
	v13 =	vsel vm5, $0xD801, v13;
	v14 =	vsel vm5, $0xE801, v14  }
0x40: {  	v15 =	vsel vm5, $0xF801, v15;
	v0 =	vsel vm0, $0x805, v0;
	v1 =	vsel vm4, $0x1802, v1  }
0x41: {  	v2 =	vsel vm4, $0x2802, v2;
	v3 =	vsel vm4, $0x3802, v3;
	v4 =	vsel vm4, $0x4802, v4  }
0x42: {  	v5 =	vsel vm4, $0x5802, v5;
	v6 =	vsel vm4, $0x6802, v6;
	v7 =	vsel vm4, $0x7802, v7  }
0x43: {  	v8 =	vsel vm4, $0x8802, v8;
	v9 =	vsel vm4, $0x9802, v9;
	v10 =	vsel vm4, $0xA802, v10  }
0x44: {  	v11 =	vsel vm4, $0xB802, v11;
	v12 =	vsel vm4, $0xC802, v12;
	v13 =	vsel vm4, $0xD802, v13  }
0x45: {  	v14 =	vsel vm4, $0xE802, v14;
	v15 =	vsel vm4, $0xF802, v15;
	v0 =	vsel vm1, $0x806, v0  }
0x46: {  	v1 =	vsel vm3, $0x1803, v1;
	v2 =	vsel vm3, $0x2803, v2;
	v3 =	vsel vm3, $0x3803, v3  }
0x47: {  	v4 =	vsel vm3, $0x4803, v4;
	v5 =	vsel vm3, $0x5803, v5;
	v6 =	vsel vm3, $0x6803, v6  }
0x48: {  	v7 =	vsel vm3, $0x7803, v7;
	v8 =	vsel vm3, $0x8803, v8;
	v9 =	vsel vm3, $0x9803, v9  }
0x49: {  	v10 =	vsel vm3, $0xA803, v10;
	v11 =	vsel vm3, $0xB803, v11;
	v12 =	vsel vm3, $0xC803, v12  }
0x4a: {  	v13 =	vsel vm3, $0xD803, v13;
	v14 =	vsel vm3, $0xE803, v14;
	v15 =	vsel vm3, $0xF803, v15  }
0x4b: {  	v1 =	vsel vm2, $0x1804, v1;
	v2 =	vsel vm2, $0x2804, v2;
	v3 =	vsel vm2, $0x3804, v3  }
0x4c: {  	v4 =	vsel vm2, $0x4804, v4;
	v5 =	vsel vm2, $0x5804, v5;
	v6 =	vsel vm2, $0x6804, v6  }
0x4d: {  	s0 =	rddreg [dreg:$0x0];
	s1 =	srdreg.scid;
	v7 =	vsel vm2, $0x7804, v7;
	v8 =	vsel vm2, $0x8804, v8;
	v9 =	vsel vm2, $0x9804, v9  }
0x4e: {  	s2 =	stileid.u32;
	s5 =	rddreg [dreg:$0x1];
	s8 =	simm.s32 $0x80;
	v10 =	vsel vm2, $0xA804, v10;
	v11 =	vsel vm2, $0xB804, v11;
	v12 =	vsel vm2, $0xC804, v12  }
0x4f: {  	s9 =	simm.s32 $0x680;
	s10 =	simm.s32 $0x13000;
	s11 =	simm.s32 $0x1;
	v13 =	vsel vm2, $0xD804, v13;
	v14 =	vsel vm2, $0xE804, v14;
	v15 =	vsel vm2, $0xF804, v15  }
0x50: {  	s12 =	simm.s32 $0x13800;
	s13 =	simm.s32 $0x14000;
	s14 =	simm.s32 $0x2;
	v1 =	vsel vm0, $0x1805, v1;
	v2 =	vsel vm0, $0x2805, v2;
	v3 =	vsel vm0, $0x3805, v3  }
0x51: {  	s15 =	simm.s32 $0x3;
	s16 =	simm.s32 $0x4;
	s17 =	simm.s32 $0x5;
	v4 =	vsel vm0, $0x4805, v4;
	v5 =	vsel vm0, $0x5805, v5;
	v6 =	vsel vm0, $0x6805, v6  }
0x52: {  	s18 =	simm.s32 $0x6;
	s1 =	sand.u32 $0x1, s1;
	s3 =	sshll.u32 s2, $0x1;
	v7 =	vsel vm0, $0x7805, v7;
	v8 =	vsel vm0, $0x8805, v8;
	v9 =	vsel vm0, $0x9805, v9  }
0x53: {  	s19 =	simm.s32 $0x7;
	s20 =	simm.s32 $0x8;
	s3 =	sor.u32 s1, s3;
	v10 =	vsel vm0, $0xA805, v10;
	v11 =	vsel vm0, $0xB805, v11;
	v12 =	vsel vm0, $0xC805, v12  }
0x54: {  	s21 =	simm.s32 $0x14800;
	s22 =	simm.s32 $0x0;
	s4 =	smul.u32 $0x1900, s3;
	v13 =	vsel vm0, $0xD805, v13;
	v14 =	vsel vm0, $0xE805, v14;
	v15 =	vsel vm0, $0xF805, v15  }
.Ltmp0:
0x55: {  	s2 =	simm.s32 $0x0;
	s1 =	ssub.s32 $0x2, s1;
	v1 =	vsel vm1, $0x1806, v1;
	v2 =	vsel vm1, $0x2806, v2;
	v3 =	vsel vm1, $0x3806, v3;
	(pc) =	sbr.rel .LBB2_1-.Ltmp0, $4  }
0x56: {  	[smem:$0x7FF] =	sst s2;
	s6 =	sshrl.u32 s1, $0x1;
	s7 =	smul.u32 $0x320, s3;
	v4 =	vsel vm1, $0x4806, v4;
	v5 =	vsel vm1, $0x5806, v5;
	v6 =	vsel vm1, $0x6806, v6  }
0x57: {  	_ =	strace $0x80000047;
	s3 =	sadd.s32 $0x32A00, s0;
	s31 =	ssub.s32 s1, s6;
	v7 =	vsel vm1, $0x7806, v7;
	v8 =	vsel vm1, $0x8806, v8;
	v9 =	vsel vm1, $0x9806, v9  }
0x58: {  	s4 =	sadd.s32 s4, s0;
	s5 =	sadd.s32 s5, s7;
	s6 =	smax.u32 s31, $0x1;
	v10 =	vsel vm1, $0xA806, v10;
	v11 =	vsel vm1, $0xB806, v11;
	v12 =	vsel vm1, $0xC806, v12  }
0x59: {  	s7 =	simm.s32 $0x9;
	s0 =	simm.s32 $0x12800;
	s4 =	sadd.s32 $0xA00, s4;
	v13 =	vsel vm1, $0xD806, v13;
	v14 =	vsel vm1, $0xE806, v14;
	v15 =	vsel vm1, $0xF806, v15  }
.LBB2_22:
0x5a: {  	s22 =	sadd.s32 $0x1, s22  }
0x5b: {  	p0 =	sne.s32 s22, s6  }
.Ltmp1:
0x5c: {  	_ = 	snop;
	(pc) =	sbr.rel @!p0 .LBB2_23-.Ltmp1, $4  }
0x5d: {  	[hbm4b:s5+s2] =	stream.linear.scatter [tilespmem:s21], [sflag:$0x9], $0x1900, $0x38;
	[tilespmem:$0x16100] =	vst v63  }
0x5e: {  	_ =	swait.ge [sflag:s7], $0x1900  }
0x5f: {  	[sflag:s7] =	ssyncset.done $0x0  }
0x60: {  	[sflag:s7] =	ssyncadd.s32 $0xFFFFE700  }
.LBB2_1:
0x61: {  	[tilespmem:s2], [sflag:$0x9] =	stream.linear.gather [hbm4b:s4+s2], $0xC800, $0x38;
	[tilespmem:$0x16100] =	vst v63  }
0x62: {  	_ =	swait.ge [sflag:s7], $0xC800  }
0x63: {  	[sflag:s7] =	ssyncset.done $0x0  }
0x64: {  	s23 =	simm.s32 $0x0;
	[sflag:s7] =	ssyncadd.s32 $0xFFFF3800  }
0x65: {  	v16 =	vld [tilespmem:s23+$0x0]  }
0x66: {  	v17 =	vld [tilespmem:s23+$0x10]  }
0x67: {  	v18 =	vld [tilespmem:s23+$0x20]  }
0x68: {  	v19 =	vld [tilespmem:s23+$0x30]  }
0x69: {  	v20 =	vld [tilespmem:s23+$0x40]  }
0x6a: {  	v21 =	vld [tilespmem:s23+$0x50];
	v16 =	vshll.u32 v16, $0x3  }
0x6b: {  	v22 =	vld [tilespmem:s23+$0x60];
	v17 =	vshll.u32 v17, $0x3;
	v16 =	vadd.s32 v0, v16  }
0x6c: {  	v23 =	vld [tilespmem:s23+$0x70];
	[tilespmem:s23+$0x0] =	vst v16;
	v16 =	vadd.s32 v1, v17;
	v17 =	vshll.u32 v18, $0x3  }
0x6d: {  	v24 =	vld [tilespmem:s23+$0x80];
	[tilespmem:s23+$0x10] =	vst v16;
	v16 =	vadd.s32 v2, v17;
	v17 =	vshll.u32 v19, $0x3  }
0x6e: {  	v25 =	vld [tilespmem:s23+$0x90];
	[tilespmem:s23+$0x20] =	vst v16;
	v16 =	vadd.s32 v3, v17;
	v17 =	vshll.u32 v20, $0x3  }
0x6f: {  	v18 =	vshll.u32 v21, $0x3;
	[tilespmem:s23+$0x30] =	vst v16;
	v16 =	vadd.s32 v4, v17;
	v17 =	vld [tilespmem:s23+$0xA0]  }
0x70: {  	v18 =	vadd.s32 v5, v18;
	v19 =	vshll.u32 v22, $0x3;
	[tilespmem:s23+$0x40] =	vst v16;
	v16 =	vld [tilespmem:s23+$0xB0]  }
0x71: {  	[tilespmem:s23+$0x50] =	vst v18;
	v19 =	vadd.s32 v6, v19;
	v18 =	vld [tilespmem:s23+$0xC0];
	v20 =	vshll.u32 v23, $0x3  }
0x72: {  	v21 =	vshll.u32 v24, $0x3;
	[tilespmem:s23+$0x60] =	vst v19;
	v20 =	vadd.s32 v7, v20;
	v19 =	vld [tilespmem:s23+$0xD0]  }
0x73: {  	s24 =	simm.s32 $0x400;
	v21 =	vadd.s32 v8, v21;
	v22 =	vshll.u32 v25, $0x3;
	[tilespmem:s23+$0x70] =	vst v20;
	v20 =	vld [tilespmem:s23+$0xE0]  }
.LBB2_2:
0x74: {  	s1 =	sshra.s32 s24, $0x2;
	p0 =	sne.s32 s24, $0x31C00;
	[tilespmem:s23+$0x80] =	vst v21;
	v21 =	vadd.s32 v9, v22;
	v17 =	vshll.u32 v17, $0x3;
	v22 =	vld [tilespmem:s23+$0xF0]  }
0x75: {  	v23 =	vld [tilespmem:s1+$0x0];
	[tilespmem:s23+$0x90] =	vst v21;
	v17 =	vadd.s32 v10, v17;
	v16 =	vshll.u32 v16, $0x3  }
0x76: {  	v21 =	vld [tilespmem:s1+$0x10];
	[tilespmem:s23+$0xA0] =	vst v17;
	v16 =	vadd.s32 v11, v16;
	v17 =	vshll.u32 v18, $0x3  }
0x77: {  	v18 =	vld [tilespmem:s1+$0x20];
	[tilespmem:s23+$0xB0] =	vst v16;
	v16 =	vadd.s32 v12, v17;
	v17 =	vshll.u32 v19, $0x3  }
0x78: {  	v19 =	vld [tilespmem:s1+$0x30];
	[tilespmem:s23+$0xC0] =	vst v16;
	v16 =	vadd.s32 v13, v17;
	v17 =	vshll.u32 v20, $0x3  }
0x79: {  	v20 =	vld [tilespmem:s1+$0x40];
	[tilespmem:s23+$0xD0] =	vst v16;
	v16 =	vadd.s32 v14, v17;
	v17 =	vshll.u32 v22, $0x3  }
0x7a: {  	v22 =	vshll.u32 v23, $0x3;
	v23 =	vld [tilespmem:s1+$0x50];
	[tilespmem:s23+$0xE0] =	vst v16;
	v16 =	vadd.s32 v15, v17  }
0x7b: {  	v17 =	vadd.s32 v0, v22;
	v21 =	vshll.u32 v21, $0x3;
	v22 =	vld [tilespmem:s1+$0x60];
	[tilespmem:s23+$0xF0] =	vst v16;
	s23 =	smov.u32 s1  }
0x7c: {  	[tilespmem:s23+$0x0] =	vst v17;
	v16 =	vadd.s32 v1, v21;
	v17 =	vshll.u32 v18, $0x3;
	v18 =	vld [tilespmem:s23+$0x70]  }
0x7d: {  	[tilespmem:s23+$0x10] =	vst v16;
	v16 =	vadd.s32 v2, v17;
	v17 =	vshll.u32 v19, $0x3;
	v19 =	vld [tilespmem:s23+$0x80]  }
0x7e: {  	[tilespmem:s23+$0x20] =	vst v16;
	v16 =	vadd.s32 v3, v17;
	v17 =	vshll.u32 v20, $0x3;
	v20 =	vld [tilespmem:s23+$0x90]  }
.Ltmp2:
0x7f: {  	[tilespmem:s23+$0x30] =	vst v16;
	v16 =	vadd.s32 v4, v17;
	v21 =	vshll.u32 v23, $0x3;
	v17 =	vld [tilespmem:s23+$0xA0];
	(pc) =	sbr.rel @p0 .LBB2_2-.Ltmp2, $4  }
0x80: {  	[tilespmem:s23+$0x40] =	vst v16;
	v21 =	vadd.s32 v5, v21;
	v22 =	vshll.u32 v22, $0x3;
	v16 =	vld [tilespmem:s23+$0xB0]  }
0x81: {  	[tilespmem:s23+$0x50] =	vst v21;
	v21 =	vadd.s32 v6, v22;
	v22 =	vshll.u32 v18, $0x3;
	v18 =	vld [tilespmem:s23+$0xC0]  }
0x82: {  	[tilespmem:s23+$0x60] =	vst v21;
	v21 =	vadd.s32 v7, v22;
	v22 =	vshll.u32 v19, $0x3;
	v19 =	vld [tilespmem:s23+$0xD0]  }
0x83: {  	s24 =	sadd.s32 $0x400, s24;
	[tilespmem:s23+$0x70] =	vst v21;
	v21 =	vadd.s32 v8, v22;
	v22 =	vshll.u32 v20, $0x3;
	v20 =	vld [tilespmem:s23+$0xE0]  }
0x84: {  	[tilespmem:s23+$0x80] =	vst v21;
	v62 =	vadd.s32 v9, v22;
	v17 =	vshll.u32 v17, $0x3;
	v63 =	vld [tilespmem:s23+$0xF0]  }
0x85: {  	[tilespmem:s23+$0x90] =	vst v62;
	v17 =	vadd.s32 v10, v17;
	v16 =	vshll.u32 v16, $0x3  }
0x86: {  	[tilespmem:s23+$0xA0] =	vst v17;
	v16 =	vadd.s32 v11, v16;
	v17 =	vshll.u32 v18, $0x3  }
0x87: {  	[tilespmem:s23+$0xB0] =	vst v16;
	v16 =	vadd.s32 v12, v17;
	v17 =	vshll.u32 v19, $0x3  }
0x88: {  	[tilespmem:s23+$0xC0] =	vst v16;
	v16 =	vadd.s32 v13, v17;
	v17 =	vshll.u32 v20, $0x3  }
0x89: {  	[tilespmem:s23+$0xD0] =	vst v16;
	v16 =	vadd.s32 v14, v17;
	v17 =	vshll.u32 v63, $0x3  }
0x8a: {  	[tilespmem:s23+$0xE0] =	vst v16;
	v16 =	vadd.s32 v15, v17  }
0x8b: {  	s1 =	simm.s32 $0xC800;
	[tilespmem:s23+$0xF0] =	vst v16;
	s23 =	simm.s32 $0x0  }
0x8c: {  	[tilespmem:s1], [sflag:$0x1] =	stream.indirect.gather [hbm4b:s3+s8], $0x10, s23, s8, $0xb8;
	[tilespmem:$0x16100] =	vst v63  }
0x8d: {  	s30 =	simm.s32 $0xD000  }
0x8e: {  	[tilespmem:s30], [sflag:$0x1] =	stream.indirect.gather [hbm4b:s3+s8], $0x10, s8, s8, $0xb8;
	[tilespmem:$0x16100] =	vst v63  }
0x8f: {  	s31 =	simm.s32 $0x100;
	s24 =	simm.s32 $0xD800  }
0x90: {  	[tilespmem:s24], [sflag:$0x2] =	stream.indirect.gather [hbm4b:s3+s8], $0x10, s31, s8, $0xb8;
	[tilespmem:$0x16100] =	vst v63  }
0x91: {  	s25 =	simm.s32 $0x180;
	s26 =	simm.s32 $0xE000  }
0x92: {  	[tilespmem:s26], [sflag:$0x2] =	stream.indirect.gather [hbm4b:s3+s8], $0x10, s25, s8, $0xb8;
	[tilespmem:$0x16100] =	vst v63  }
0x93: {  	s28 =	simm.s32 $0x200;
	s29 =	simm.s32 $0xE800  }
0x94: {  	[tilespmem:s29], [sflag:$0x3] =	stream.indirect.gather [hbm4b:s3+s8], $0x10, s28, s8, $0xb8;
	[tilespmem:$0x16100] =	vst v63  }
0x95: {  	s30 =	simm.s32 $0x280;
	s31 =	simm.s32 $0xF000  }
0x96: {  	[tilespmem:s31], [sflag:$0x3] =	stream.indirect.gather [hbm4b:s3+s8], $0x10, s30, s8, $0xb8;
	[tilespmem:$0x16100] =	vst v63  }
0x97: {  	s25 =	simm.s32 $0x300;
	s26 =	simm.s32 $0xF800  }
0x98: {  	[tilespmem:s26], [sflag:$0x4] =	stream.indirect.gather [hbm4b:s3+s8], $0x10, s25, s8, $0xb8;
	[tilespmem:$0x16100] =	vst v63  }
0x99: {  	s28 =	simm.s32 $0x380;
	s29 =	simm.s32 $0x10000  }
0x9a: {  	[tilespmem:s29], [sflag:$0x4] =	stream.indirect.gather [hbm4b:s3+s8], $0x10, s28, s8, $0xb8;
	[tilespmem:$0x16100] =	vst v63  }
0x9b: {  	s30 =	simm.s32 $0x400;
	s31 =	simm.s32 $0x10800  }
0x9c: {  	[tilespmem:s31], [sflag:$0x5] =	stream.indirect.gather [hbm4b:s3+s8], $0x10, s30, s8, $0xb8;
	[tilespmem:$0x16100] =	vst v63  }
0x9d: {  	s24 =	simm.s32 $0x480;
	s25 =	simm.s32 $0x11000  }
0x9e: {  	[tilespmem:s25], [sflag:$0x5] =	stream.indirect.gather [hbm4b:s3+s8], $0x10, s24, s8, $0xb8;
	[tilespmem:$0x16100] =	vst v63  }
0x9f: {  	s26 =	simm.s32 $0x500;
	s28 =	simm.s32 $0x11800  }
0xa0: {  	[tilespmem:s28], [sflag:$0x6] =	stream.indirect.gather [hbm4b:s3+s8], $0x10, s26, s8, $0xb8;
	[tilespmem:$0x16100] =	vst v63  }
0xa1: {  	s29 =	simm.s32 $0x580;
	s30 =	simm.s32 $0x12000  }
0xa2: {  	[tilespmem:s30], [sflag:$0x6] =	stream.indirect.gather [hbm4b:s3+s8], $0x10, s29, s8, $0xb8;
	[tilespmem:$0x16100] =	vst v63  }
0xa3: {  	s31 =	simm.s32 $0x600  }
0xa4: {  	[tilespmem:s0], [sflag:$0x7] =	stream.indirect.gather [hbm4b:s3+s8], $0x10, s31, s8, $0xb8;
	[tilespmem:$0x16100] =	vst v63  }
0xa5: {  	_ = 	snop  }
0xa6: {  	[tilespmem:s10], [sflag:$0x7] =	stream.indirect.gather [hbm4b:s3+s8], $0x10, s9, s8, $0xb8;
	[tilespmem:$0x16100] =	vst v63  }
.LBB2_4:
0xa7: {  	_ =	swait.ge [sflag:s11], $0x800  }
0xa8: {  	[sflag:s11] =	ssyncset.done $0x0  }
0xa9: {  	[sflag:s11] =	ssyncadd.s32 $0xFFFFF800  }
0xaa: {  	_ =	swait.ge [sflag:s11], $0x800  }
0xab: {  	[sflag:s11] =	ssyncset.done $0x0  }
0xac: {  	s1 =	simm.s32 $0x0;
	[sflag:s11] =	ssyncadd.s32 $0xFFFFF800  }
0xad: {  	v16 =	vld [tilespmem:s1+$0xC800]  }
0xae: {  	v17 =	vld [tilespmem:s1+$0xC810];
	_ =	sdelay $0x1  }
0xaf: {  	v18 =	vld [tilespmem:s1+$0xC820];
	_ =	sdelay $0x1  }
0xb0: {  	v19 =	vld [tilespmem:s1+$0xC830]  }
0xb1: {  	s24 =	simm.s32 $0x80;
	v20 =	vld [tilespmem:s1+$0xC840];
	v16 =	vadd.bf16 v17, v16  }
0xb2: {  	v21 =	vld [tilespmem:s24+$0xC800]  }
0xb3: {  	v22 =	vld [tilespmem:s24+$0xC810];
	v16 =	vadd.bf16 v18, v16  }
0xb4: {  	v17 =	vld [tilespmem:s1+$0xC850]  }
0xb5: {  	v24 =	vld [tilespmem:s24+$0xC820];
	v16 =	vadd.bf16 v19, v16  }
0xb6: {  	v23 =	vld [tilespmem:s1+$0xC860]  }
0xb7: {  	v18 =	vld [tilespmem:s1+$0xC870];
	v16 =	vadd.bf16 v20, v16  }
0xb8: {  	v25 =	vadd.bf16 v22, v21;
	v20 =	vld [tilespmem:s24+$0xC830]  }
0xb9: {  	s25 =	simm.s32 $0x100;
	v22 =	vld [tilespmem:s24+$0xC840];
	v17 =	vadd.bf16 v17, v16  }
0xba: {  	v21 =	vld [tilespmem:s25+$0xC800];
	v24 =	vadd.bf16 v24, v25  }
0xbb: {  	s26 =	simm.s32 $0x600;
	v19 =	vld [tilespmem:s24+$0xC850];
	v16 =	vimm.f32 $0.0e+00;
	v23 =	vadd.bf16 v23, v17;
	v17 =	vimm.f32 $0.0e+00  }
.LBB2_5:
0xbc: {  	p0 =	sne.s32 s26, $0x3E00;
	v25 =	vld [tilespmem:s25+$0xC810]  }
0xbd: {  	v20 =	vadd.bf16 v20, v24;
	v26 =	vld [tilespmem:s24+$0xC860];
	v23 =	vadd.bf16 v18, v23  }
0xbe: {  	v24 =	vld [tilespmem:s25+$0xC820]  }
.Ltmp3:
0xbf: {  	v22 =	vadd.bf16 v22, v20;
	v18 =	vld [tilespmem:s24+$0xC870];
	v27 =	vunpack.i.u.bf16.f32 v23;
	v23 =	vunpack.i.l.bf16.f32 v23;
	s24 =	smov.u32 s25;
	(pc) =	sbr.rel @p0 .LBB2_5-.Ltmp3, $4  }
0xc0: {  	v20 =	vld [tilespmem:s24+$0xC830];
	v16 =	vadd.f32 v23, v16;
	v17 =	vadd.f32 v27, v17  }
0xc1: {  	v23 =	vadd.bf16 v25, v21;
	v25 =	vadd.bf16 v19, v22;
	v19 =	vld [tilespmem:s24+$0xC850]  }
0xc2: {  	s25 =	sshra.s32 s26, $0x2;
	v22 =	vld [tilespmem:s24+$0xC840]  }
0xc3: {  	s26 =	sadd.s32 $0x200, s26;
	v21 =	vld [tilespmem:s25+$0xC800];
	v24 =	vadd.bf16 v24, v23;
	v23 =	vadd.bf16 v26, v25  }
0xc4: {  	v25 =	vld [tilespmem:s25+$0xC810];
	_ =	sdelay $0x1  }
0xc5: {  	v26 =	vld [tilespmem:s25+$0xC820];
	_ =	sdelay $0x1  }
0xc6: {  	v27 =	vld [tilespmem:s25+$0xC830]  }
0xc7: {  	v21 =	vadd.bf16 v25, v21  }
0xc8: {  	v25 =	vld [tilespmem:s25+$0xC840]  }
0xc9: {  	v20 =	vadd.bf16 v20, v24;
	v24 =	vld [tilespmem:s24+$0xC860];
	v21 =	vadd.bf16 v26, v21  }
0xca: {  	v26 =	vld [tilespmem:s25+$0xC850]  }
0xcb: {  	v20 =	vadd.bf16 v22, v20;
	v22 =	vld [tilespmem:s24+$0xC870];
	v21 =	vadd.bf16 v27, v21  }
0xcc: {  	v27 =	vld [tilespmem:s25+$0xC860]  }
0xcd: {  	v19 =	vadd.bf16 v19, v20;
	v20 =	vadd.bf16 v25, v21  }
0xce: {  	v18 =	vadd.bf16 v18, v23;
	v21 =	vld [tilespmem:s25+$0xC870];
	s25 =	sshll.u32 s23, $0x3  }
0xcf: {  	v19 =	vadd.bf16 v24, v19;
	s1 =	smulhi.u32 $0x51EB851F, s25;
	v20 =	vadd.bf16 v26, v20;
	_ =	sdelay $0x1  }
0xd0: {  	v23 =	vunpack.i.l.bf16.f32 v18;
	v19 =	vadd.bf16 v22, v19;
	s1 =	sshrl.u32 s1, $0x5;
	v20 =	vadd.bf16 v27, v20  }
0xd1: {  	v18 =	vunpack.i.u.bf16.f32 v18;
	v16 =	vadd.f32 v23, v16;
	s26 =	smul.u32 $0x7FFFF9C, s1  }
0xd2: {  	v17 =	vadd.f32 v18, v17;
	v18 =	vunpack.i.l.bf16.f32 v19;
	s1 =	smul.u32 $0x3200, s1;
	v20 =	vadd.bf16 v21, v20  }
0xd3: {  	v19 =	vunpack.i.u.bf16.f32 v19;
	v16 =	vadd.f32 v18, v16;
	s24 =	sadd.s32 s25, s26  }
0xd4: {  	v17 =	vadd.f32 v19, v17;
	s1 =	sshra.s32 s1, $0x2;
	s29 =	sshll.u32 s24, $0x7;
	v18 =	vunpack.i.l.bf16.f32 v20  }
0xd5: {  	s28 =	sadd.s32 $0x14800, s1;
	v19 =	vunpack.i.u.bf16.f32 v20;
	s24 =	sshra.s32 s29, $0x2;
	v16 =	vadd.f32 v18, v16  }
0xd6: {  	v17 =	vadd.f32 v19, v17;
	s1 =	sadd.s32 s24, s28;
	s24 =	sshllo.u32 s23, $0x3  }
0xd7: {  	s26 =	sshll.u32 s24, $0x8;
	[tilespmem:s1+$0x0] =	vst v16  }
0xd8: {  	[tilespmem:s1+$0x10] =	vst v17;
	s26 =	sand.u32 $0x3FFFFF00, s26  }
0xd9: {  	[tilespmem:s12], [sflag:$0x8] =	stream.indirect.gather [hbm4b:s3+s8], $0x10, s26, s8, $0xb8;
	[tilespmem:$0x16100] =	vst v63  }
0xda: {  	s1 =	sor.u32 $0x80, s26  }
0xdb: {  	[tilespmem:s13], [sflag:$0x8] =	stream.indirect.gather [hbm4b:s3+s8], $0x10, s1, s8, $0xb8;
	[tilespmem:$0x16100] =	vst v63  }
0xdc: {  	_ =	swait.ge [sflag:s14], $0x800  }
0xdd: {  	[sflag:s14] =	ssyncset.done $0x0  }
0xde: {  	[sflag:s14] =	ssyncadd.s32 $0xFFFFF800  }
0xdf: {  	_ =	swait.ge [sflag:s14], $0x800  }
0xe0: {  	[sflag:s14] =	ssyncset.done $0x0  }
0xe1: {  	s1 =	simm.s32 $0x0;
	[sflag:s14] =	ssyncadd.s32 $0xFFFFF800  }
0xe2: {  	v16 =	vld [tilespmem:s1+$0xD800]  }
0xe3: {  	v17 =	vld [tilespmem:s1+$0xD810];
	_ =	sdelay $0x1  }
0xe4: {  	v18 =	vld [tilespmem:s1+$0xD820];
	_ =	sdelay $0x1  }
0xe5: {  	v19 =	vld [tilespmem:s1+$0xD830]  }
0xe6: {  	s26 =	simm.s32 $0x80;
	v20 =	vld [tilespmem:s1+$0xD840];
	v16 =	vadd.bf16 v17, v16  }
0xe7: {  	v21 =	vld [tilespmem:s26+$0xD800]  }
0xe8: {  	v22 =	vld [tilespmem:s26+$0xD810];
	v16 =	vadd.bf16 v18, v16  }
0xe9: {  	v17 =	vld [tilespmem:s1+$0xD850]  }
0xea: {  	v24 =	vld [tilespmem:s26+$0xD820];
	v16 =	vadd.bf16 v19, v16  }
0xeb: {  	v23 =	vld [tilespmem:s1+$0xD860]  }
0xec: {  	v18 =	vld [tilespmem:s1+$0xD870];
	v16 =	vadd.bf16 v20, v16  }
0xed: {  	v25 =	vadd.bf16 v22, v21;
	v20 =	vld [tilespmem:s26+$0xD830]  }
0xee: {  	s30 =	simm.s32 $0x100;
	v22 =	vld [tilespmem:s26+$0xD840];
	v17 =	vadd.bf16 v17, v16  }
0xef: {  	v21 =	vld [tilespmem:s30+$0xD800];
	v24 =	vadd.bf16 v24, v25  }
0xf0: {  	s31 =	simm.s32 $0x600;
	v19 =	vld [tilespmem:s26+$0xD850];
	v16 =	vimm.f32 $0.0e+00;
	v23 =	vadd.bf16 v23, v17;
	v17 =	vimm.f32 $0.0e+00  }
.LBB2_7:
0xf1: {  	p0 =	sne.s32 s31, $0x3E00;
	v25 =	vld [tilespmem:s30+$0xD810]  }
0xf2: {  	v20 =	vadd.bf16 v20, v24;
	v26 =	vld [tilespmem:s26+$0xD860];
	v23 =	vadd.bf16 v18, v23  }
0xf3: {  	v24 =	vld [tilespmem:s30+$0xD820]  }
.Ltmp4:
0xf4: {  	v22 =	vadd.bf16 v22, v20;
	v18 =	vld [tilespmem:s26+$0xD870];
	v27 =	vunpack.i.u.bf16.f32 v23;
	v23 =	vunpack.i.l.bf16.f32 v23;
	s26 =	smov.u32 s30;
	(pc) =	sbr.rel @p0 .LBB2_7-.Ltmp4, $4  }
0xf5: {  	v20 =	vld [tilespmem:s26+$0xD830];
	v16 =	vadd.f32 v23, v16;
	v17 =	vadd.f32 v27, v17  }
0xf6: {  	v23 =	vadd.bf16 v25, v21;
	v25 =	vadd.bf16 v19, v22;
	v19 =	vld [tilespmem:s26+$0xD850]  }
0xf7: {  	s30 =	sshra.s32 s31, $0x2;
	v22 =	vld [tilespmem:s26+$0xD840]  }
0xf8: {  	s31 =	sadd.s32 $0x200, s31;
	v21 =	vld [tilespmem:s30+$0xD800];
	v24 =	vadd.bf16 v24, v23;
	v23 =	vadd.bf16 v26, v25  }
0xf9: {  	v25 =	vld [tilespmem:s30+$0xD810];
	_ =	sdelay $0x1  }
0xfa: {  	v26 =	vld [tilespmem:s30+$0xD820];
	_ =	sdelay $0x1  }
0xfb: {  	v27 =	vld [tilespmem:s30+$0xD830]  }
0xfc: {  	v21 =	vadd.bf16 v25, v21  }
0xfd: {  	v25 =	vld [tilespmem:s30+$0xD840]  }
0xfe: {  	v20 =	vadd.bf16 v20, v24;
	v24 =	vld [tilespmem:s26+$0xD860];
	v21 =	vadd.bf16 v26, v21  }
0xff: {  	v26 =	vld [tilespmem:s30+$0xD850]  }
0x100: {  	v20 =	vadd.bf16 v22, v20;
	v22 =	vld [tilespmem:s26+$0xD870];
	v21 =	vadd.bf16 v27, v21  }
0x101: {  	v27 =	vld [tilespmem:s30+$0xD860]  }
0x102: {  	v19 =	vadd.bf16 v19, v20;
	v20 =	vadd.bf16 v25, v21  }
0x103: {  	v18 =	vadd.bf16 v18, v23;
	v21 =	vld [tilespmem:s30+$0xD870]  }
0x104: {  	v19 =	vadd.bf16 v24, v19;
	v20 =	vadd.bf16 v26, v20;
	_ =	sdelay $0x1  }
0x105: {  	v23 =	vunpack.i.l.bf16.f32 v18;
	v19 =	vadd.bf16 v22, v19;
	v20 =	vadd.bf16 v27, v20  }
0x106: {  	v18 =	vunpack.i.u.bf16.f32 v18;
	v16 =	vadd.f32 v23, v16  }
0x107: {  	v17 =	vadd.f32 v18, v17;
	v18 =	vunpack.i.l.bf16.f32 v19;
	v20 =	vadd.bf16 v21, v20  }
0x108: {  	v19 =	vunpack.i.u.bf16.f32 v19;
	v16 =	vadd.f32 v18, v16  }
0x109: {  	s1 =	sadd.s32 $0x80, s29;
	v17 =	vadd.f32 v19, v17;
	v18 =	vunpack.i.l.bf16.f32 v20  }
0x10a: {  	p0 =	seq.s32 s23, $0x18;
	s1 =	sshra.s32 s1, $0x2;
	v19 =	vunpack.i.u.bf16.f32 v20;
	v16 =	vadd.f32 v18, v16  }
0x10b: {  	s1 =	sadd.s32 s1, s28;
	s26 =	sshll.u32 @!p0 s23, $0xB;
	v17 =	vadd.f32 v19, v17  }
0x10c: {  	s26 =	sand.u32 @!p0 $0x3FFFF800, s26;
	[tilespmem:s1+$0x0] =	vst v16  }
0x10d: {  	s31 =	simm.s32 @!p0 $0xC800;
	s30 =	simm.s32 @!p0 $0x80;
	[tilespmem:s1+$0x10] =	vst v17;
	s1 =	sadd.s32 @!p0 $0x800, s26  }
0x10e: {  	[tilespmem:s31], [sflag:$0x1] =	stream.indirect.gather @!p0 [hbm4b:s3+s30], $0x10, s1, s30, $0xb8;
	[tilespmem:$0x16100] =	vst v63  }
0x10f: {  	s1 =	sadd.s32 @!p0 $0x880, s26;
	s31 =	simm.s32 @!p0 $0xD000  }
0x110: {  	[tilespmem:s31], [sflag:$0x1] =	stream.indirect.gather @!p0 [hbm4b:s3+s30], $0x10, s1, s30, $0xb8;
	[tilespmem:$0x16100] =	vst v63  }
0x111: {  	_ =	swait.ge [sflag:s15], $0x800  }
0x112: {  	[sflag:s15] =	ssyncset.done $0x0  }
0x113: {  	[sflag:s15] =	ssyncadd.s32 $0xFFFFF800  }
0x114: {  	_ =	swait.ge [sflag:s15], $0x800  }
0x115: {  	[sflag:s15] =	ssyncset.done $0x0  }
0x116: {  	s1 =	simm.s32 $0x0;
	[sflag:s15] =	ssyncadd.s32 $0xFFFFF800  }
0x117: {  	v16 =	vld [tilespmem:s1+$0xE800]  }
0x118: {  	v17 =	vld [tilespmem:s1+$0xE810];
	_ =	sdelay $0x1  }
0x119: {  	v18 =	vld [tilespmem:s1+$0xE820];
	_ =	sdelay $0x1  }
0x11a: {  	v19 =	vld [tilespmem:s1+$0xE830]  }
0x11b: {  	s30 =	simm.s32 $0x80;
	v20 =	vld [tilespmem:s1+$0xE840];
	v16 =	vadd.bf16 v17, v16  }
0x11c: {  	v21 =	vld [tilespmem:s30+$0xE800]  }
0x11d: {  	v22 =	vld [tilespmem:s30+$0xE810];
	v16 =	vadd.bf16 v18, v16  }
0x11e: {  	v17 =	vld [tilespmem:s1+$0xE850]  }
0x11f: {  	v24 =	vld [tilespmem:s30+$0xE820];
	v16 =	vadd.bf16 v19, v16  }
0x120: {  	v23 =	vld [tilespmem:s1+$0xE860]  }
0x121: {  	v18 =	vld [tilespmem:s1+$0xE870];
	v16 =	vadd.bf16 v20, v16  }
0x122: {  	v25 =	vadd.bf16 v22, v21;
	v20 =	vld [tilespmem:s30+$0xE830]  }
0x123: {  	s31 =	simm.s32 $0x100;
	v22 =	vld [tilespmem:s30+$0xE840];
	v17 =	vadd.bf16 v17, v16  }
0x124: {  	v21 =	vld [tilespmem:s31+$0xE800];
	v24 =	vadd.bf16 v24, v25  }
0x125: {  	s1 =	simm.s32 $0x600;
	v19 =	vld [tilespmem:s30+$0xE850];
	v16 =	vimm.f32 $0.0e+00;
	v23 =	vadd.bf16 v23, v17;
	v17 =	vimm.f32 $0.0e+00  }
.LBB2_9:
0x126: {  	p1 =	sne.s32 s1, $0x3E00;
	v25 =	vld [tilespmem:s31+$0xE810]  }
0x127: {  	v20 =	vadd.bf16 v20, v24;
	v26 =	vld [tilespmem:s30+$0xE860];
	v23 =	vadd.bf16 v18, v23  }
0x128: {  	v24 =	vld [tilespmem:s31+$0xE820]  }
.Ltmp5:
0x129: {  	v22 =	vadd.bf16 v22, v20;
	v18 =	vld [tilespmem:s30+$0xE870];
	v27 =	vunpack.i.u.bf16.f32 v23;
	v23 =	vunpack.i.l.bf16.f32 v23;
	s30 =	smov.u32 s31;
	(pc) =	sbr.rel @p1 .LBB2_9-.Ltmp5, $4  }
0x12a: {  	v20 =	vld [tilespmem:s30+$0xE830];
	v16 =	vadd.f32 v23, v16;
	v17 =	vadd.f32 v27, v17  }
0x12b: {  	v23 =	vadd.bf16 v25, v21;
	v25 =	vadd.bf16 v19, v22;
	v19 =	vld [tilespmem:s30+$0xE850]  }
0x12c: {  	s31 =	sshra.s32 s1, $0x2;
	v22 =	vld [tilespmem:s30+$0xE840]  }
0x12d: {  	s1 =	sadd.s32 $0x200, s1;
	v21 =	vld [tilespmem:s31+$0xE800];
	v24 =	vadd.bf16 v24, v23;
	v23 =	vadd.bf16 v26, v25  }
0x12e: {  	v25 =	vld [tilespmem:s31+$0xE810];
	_ =	sdelay $0x1  }
0x12f: {  	v26 =	vld [tilespmem:s31+$0xE820];
	_ =	sdelay $0x1  }
0x130: {  	v27 =	vld [tilespmem:s31+$0xE830]  }
0x131: {  	v21 =	vadd.bf16 v25, v21  }
0x132: {  	v25 =	vld [tilespmem:s31+$0xE840]  }
0x133: {  	v20 =	vadd.bf16 v20, v24;
	v24 =	vld [tilespmem:s30+$0xE860];
	v21 =	vadd.bf16 v26, v21  }
0x134: {  	v26 =	vld [tilespmem:s31+$0xE850]  }
0x135: {  	v20 =	vadd.bf16 v22, v20;
	v22 =	vld [tilespmem:s30+$0xE870];
	v21 =	vadd.bf16 v27, v21  }
0x136: {  	v27 =	vld [tilespmem:s31+$0xE860]  }
0x137: {  	v19 =	vadd.bf16 v19, v20;
	v20 =	vadd.bf16 v25, v21  }
0x138: {  	v18 =	vadd.bf16 v18, v23;
	v21 =	vld [tilespmem:s31+$0xE870]  }
0x139: {  	v19 =	vadd.bf16 v24, v19;
	v20 =	vadd.bf16 v26, v20;
	_ =	sdelay $0x1  }
0x13a: {  	v23 =	vunpack.i.l.bf16.f32 v18;
	v19 =	vadd.bf16 v22, v19;
	v20 =	vadd.bf16 v27, v20  }
0x13b: {  	v18 =	vunpack.i.u.bf16.f32 v18;
	v16 =	vadd.f32 v23, v16  }
0x13c: {  	v17 =	vadd.f32 v18, v17;
	v18 =	vunpack.i.l.bf16.f32 v19;
	v20 =	vadd.bf16 v21, v20  }
0x13d: {  	v19 =	vunpack.i.u.bf16.f32 v19;
	v16 =	vadd.f32 v18, v16  }
0x13e: {  	s1 =	sadd.s32 $0x100, s29;
	v17 =	vadd.f32 v19, v17;
	v18 =	vunpack.i.l.bf16.f32 v20  }
0x13f: {  	s1 =	sshra.s32 s1, $0x2;
	v19 =	vunpack.i.u.bf16.f32 v20;
	v16 =	vadd.f32 v18, v16  }
0x140: {  	s1 =	sadd.s32 s1, s28;
	v17 =	vadd.f32 v19, v17  }
0x141: {  	[tilespmem:s1+$0x0] =	vst v16  }
0x142: {  	s30 =	simm.s32 @!p0 $0x80;
	s31 =	simm.s32 @!p0 $0xD800;
	[tilespmem:s1+$0x10] =	vst v17;
	s1 =	sadd.s32 @!p0 $0x900, s26  }
0x143: {  	[tilespmem:s31], [sflag:$0x2] =	stream.indirect.gather @!p0 [hbm4b:s3+s30], $0x10, s1, s30, $0xb8;
	[tilespmem:$0x16100] =	vst v63  }
0x144: {  	s1 =	sadd.s32 @!p0 $0x980, s26;
	s31 =	simm.s32 @!p0 $0xE000  }
0x145: {  	[tilespmem:s31], [sflag:$0x2] =	stream.indirect.gather @!p0 [hbm4b:s3+s30], $0x10, s1, s30, $0xb8;
	[tilespmem:$0x16100] =	vst v63  }
0x146: {  	_ =	swait.ge [sflag:s16], $0x800  }
0x147: {  	[sflag:s16] =	ssyncset.done $0x0  }
0x148: {  	[sflag:s16] =	ssyncadd.s32 $0xFFFFF800  }
0x149: {  	_ =	swait.ge [sflag:s16], $0x800  }
0x14a: {  	[sflag:s16] =	ssyncset.done $0x0  }
0x14b: {  	s1 =	simm.s32 $0x0;
	[sflag:s16] =	ssyncadd.s32 $0xFFFFF800  }
0x14c: {  	v16 =	vld [tilespmem:s1+$0xF800]  }
0x14d: {  	v17 =	vld [tilespmem:s1+$0xF810];
	_ =	sdelay $0x1  }
0x14e: {  	v18 =	vld [tilespmem:s1+$0xF820];
	_ =	sdelay $0x1  }
0x14f: {  	v19 =	vld [tilespmem:s1+$0xF830]  }
0x150: {  	s30 =	simm.s32 $0x80;
	v20 =	vld [tilespmem:s1+$0xF840];
	v16 =	vadd.bf16 v17, v16  }
0x151: {  	v21 =	vld [tilespmem:s30+$0xF800]  }
0x152: {  	v22 =	vld [tilespmem:s30+$0xF810];
	v16 =	vadd.bf16 v18, v16  }
0x153: {  	v17 =	vld [tilespmem:s1+$0xF850]  }
0x154: {  	v24 =	vld [tilespmem:s30+$0xF820];
	v16 =	vadd.bf16 v19, v16  }
0x155: {  	v23 =	vld [tilespmem:s1+$0xF860]  }
0x156: {  	v18 =	vld [tilespmem:s1+$0xF870];
	v16 =	vadd.bf16 v20, v16  }
0x157: {  	v25 =	vadd.bf16 v22, v21;
	v20 =	vld [tilespmem:s30+$0xF830]  }
0x158: {  	s31 =	simm.s32 $0x100;
	v22 =	vld [tilespmem:s30+$0xF840];
	v17 =	vadd.bf16 v17, v16  }
0x159: {  	v21 =	vld [tilespmem:s31+$0xF800];
	v24 =	vadd.bf16 v24, v25  }
0x15a: {  	s1 =	simm.s32 $0x600;
	v19 =	vld [tilespmem:s30+$0xF850];
	v16 =	vimm.f32 $0.0e+00;
	v23 =	vadd.bf16 v23, v17;
	v17 =	vimm.f32 $0.0e+00  }
.LBB2_11:
0x15b: {  	p1 =	sne.s32 s1, $0x3E00;
	v25 =	vld [tilespmem:s31+$0xF810]  }
0x15c: {  	v20 =	vadd.bf16 v20, v24;
	v26 =	vld [tilespmem:s30+$0xF860];
	v23 =	vadd.bf16 v18, v23  }
0x15d: {  	v24 =	vld [tilespmem:s31+$0xF820]  }
.Ltmp6:
0x15e: {  	v22 =	vadd.bf16 v22, v20;
	v18 =	vld [tilespmem:s30+$0xF870];
	v27 =	vunpack.i.u.bf16.f32 v23;
	v23 =	vunpack.i.l.bf16.f32 v23;
	s30 =	smov.u32 s31;
	(pc) =	sbr.rel @p1 .LBB2_11-.Ltmp6, $4  }
0x15f: {  	v20 =	vld [tilespmem:s30+$0xF830];
	v16 =	vadd.f32 v23, v16;
	v17 =	vadd.f32 v27, v17  }
0x160: {  	v23 =	vadd.bf16 v25, v21;
	v25 =	vadd.bf16 v19, v22;
	v19 =	vld [tilespmem:s30+$0xF850]  }
0x161: {  	s31 =	sshra.s32 s1, $0x2;
	v22 =	vld [tilespmem:s30+$0xF840]  }
0x162: {  	s1 =	sadd.s32 $0x200, s1;
	v21 =	vld [tilespmem:s31+$0xF800];
	v24 =	vadd.bf16 v24, v23;
	v23 =	vadd.bf16 v26, v25  }
0x163: {  	v25 =	vld [tilespmem:s31+$0xF810];
	_ =	sdelay $0x1  }
0x164: {  	v26 =	vld [tilespmem:s31+$0xF820];
	_ =	sdelay $0x1  }
0x165: {  	v27 =	vld [tilespmem:s31+$0xF830]  }
0x166: {  	v21 =	vadd.bf16 v25, v21  }
0x167: {  	v25 =	vld [tilespmem:s31+$0xF840]  }
0x168: {  	v20 =	vadd.bf16 v20, v24;
	v24 =	vld [tilespmem:s30+$0xF860];
	v21 =	vadd.bf16 v26, v21  }
0x169: {  	v26 =	vld [tilespmem:s31+$0xF850]  }
0x16a: {  	v20 =	vadd.bf16 v22, v20;
	v22 =	vld [tilespmem:s30+$0xF870];
	v21 =	vadd.bf16 v27, v21  }
0x16b: {  	v27 =	vld [tilespmem:s31+$0xF860]  }
0x16c: {  	v19 =	vadd.bf16 v19, v20;
	v20 =	vadd.bf16 v25, v21  }
0x16d: {  	v18 =	vadd.bf16 v18, v23;
	v21 =	vld [tilespmem:s31+$0xF870]  }
0x16e: {  	v19 =	vadd.bf16 v24, v19;
	v20 =	vadd.bf16 v26, v20;
	_ =	sdelay $0x1  }
0x16f: {  	v23 =	vunpack.i.l.bf16.f32 v18;
	v19 =	vadd.bf16 v22, v19;
	v20 =	vadd.bf16 v27, v20  }
0x170: {  	v18 =	vunpack.i.u.bf16.f32 v18;
	v16 =	vadd.f32 v23, v16  }
0x171: {  	v17 =	vadd.f32 v18, v17;
	v18 =	vunpack.i.l.bf16.f32 v19;
	v20 =	vadd.bf16 v21, v20  }
0x172: {  	v19 =	vunpack.i.u.bf16.f32 v19;
	v16 =	vadd.f32 v18, v16  }
0x173: {  	s1 =	sadd.s32 $0x180, s29;
	v17 =	vadd.f32 v19, v17;
	v18 =	vunpack.i.l.bf16.f32 v20  }
0x174: {  	s1 =	sshra.s32 s1, $0x2;
	v19 =	vunpack.i.u.bf16.f32 v20;
	v16 =	vadd.f32 v18, v16  }
0x175: {  	s1 =	sadd.s32 s1, s28;
	v17 =	vadd.f32 v19, v17  }
0x176: {  	[tilespmem:s1+$0x0] =	vst v16  }
0x177: {  	s29 =	simm.s32 @!p0 $0xE800;
	s28 =	simm.s32 @!p0 $0x80;
	[tilespmem:s1+$0x10] =	vst v17;
	s1 =	sadd.s32 @!p0 $0xA00, s26  }
0x178: {  	[tilespmem:s29], [sflag:$0x3] =	stream.indirect.gather @!p0 [hbm4b:s3+s28], $0x10, s1, s28, $0xb8;
	[tilespmem:$0x16100] =	vst v63  }
0x179: {  	s1 =	sadd.s32 @!p0 $0xA80, s26;
	s29 =	simm.s32 @!p0 $0xF000  }
0x17a: {  	[tilespmem:s29], [sflag:$0x3] =	stream.indirect.gather @!p0 [hbm4b:s3+s28], $0x10, s1, s28, $0xb8;
	[tilespmem:$0x16100] =	vst v63  }
0x17b: {  	_ =	swait.ge [sflag:s17], $0x800  }
0x17c: {  	[sflag:s17] =	ssyncset.done $0x0  }
0x17d: {  	[sflag:s17] =	ssyncadd.s32 $0xFFFFF800  }
0x17e: {  	_ =	swait.ge [sflag:s17], $0x800  }
0x17f: {  	[sflag:s17] =	ssyncset.done $0x0  }
0x180: {  	s31 =	simm.s32 $0x0;
	[sflag:s17] =	ssyncadd.s32 $0xFFFFF800  }
0x181: {  	v16 =	vld [tilespmem:s31+$0x10800]  }
0x182: {  	v17 =	vld [tilespmem:s31+$0x10810];
	_ =	sdelay $0x1  }
0x183: {  	v18 =	vld [tilespmem:s31+$0x10820];
	_ =	sdelay $0x1  }
0x184: {  	v19 =	vld [tilespmem:s31+$0x10830]  }
0x185: {  	s28 =	simm.s32 $0x80;
	v20 =	vld [tilespmem:s31+$0x10840];
	v16 =	vadd.bf16 v17, v16  }
0x186: {  	v21 =	vld [tilespmem:s28+$0x10800]  }
0x187: {  	v22 =	vld [tilespmem:s28+$0x10810];
	v16 =	vadd.bf16 v18, v16  }
0x188: {  	v17 =	vld [tilespmem:s31+$0x10850]  }
0x189: {  	v24 =	vld [tilespmem:s28+$0x10820];
	v16 =	vadd.bf16 v19, v16  }
0x18a: {  	v23 =	vld [tilespmem:s31+$0x10860]  }
0x18b: {  	v18 =	vld [tilespmem:s31+$0x10870];
	v16 =	vadd.bf16 v20, v16  }
0x18c: {  	v25 =	vadd.bf16 v22, v21;
	v20 =	vld [tilespmem:s28+$0x10830]  }
0x18d: {  	s29 =	simm.s32 $0x100;
	v22 =	vld [tilespmem:s28+$0x10840];
	v17 =	vadd.bf16 v17, v16  }
0x18e: {  	v21 =	vld [tilespmem:s29+$0x10800];
	v24 =	vadd.bf16 v24, v25  }
0x18f: {  	s1 =	simm.s32 $0x600;
	v19 =	vld [tilespmem:s28+$0x10850];
	v16 =	vimm.f32 $0.0e+00;
	v23 =	vadd.bf16 v23, v17;
	v17 =	vimm.f32 $0.0e+00  }
.LBB2_13:
0x190: {  	p1 =	sne.s32 s1, $0x3E00;
	v25 =	vld [tilespmem:s29+$0x10810]  }
0x191: {  	v20 =	vadd.bf16 v20, v24;
	v26 =	vld [tilespmem:s28+$0x10860];
	v23 =	vadd.bf16 v18, v23  }
0x192: {  	v24 =	vld [tilespmem:s29+$0x10820]  }
.Ltmp7:
0x193: {  	v22 =	vadd.bf16 v22, v20;
	v18 =	vld [tilespmem:s28+$0x10870];
	v27 =	vunpack.i.u.bf16.f32 v23;
	v23 =	vunpack.i.l.bf16.f32 v23;
	s28 =	smov.u32 s29;
	(pc) =	sbr.rel @p1 .LBB2_13-.Ltmp7, $4  }
0x194: {  	v20 =	vld [tilespmem:s28+$0x10830];
	v16 =	vadd.f32 v23, v16;
	v17 =	vadd.f32 v27, v17  }
0x195: {  	v23 =	vadd.bf16 v25, v21;
	v25 =	vadd.bf16 v19, v22;
	v19 =	vld [tilespmem:s28+$0x10850]  }
0x196: {  	s29 =	sshra.s32 s1, $0x2;
	v22 =	vld [tilespmem:s28+$0x10840]  }
0x197: {  	s1 =	sadd.s32 $0x200, s1;
	v21 =	vld [tilespmem:s29+$0x10800];
	v24 =	vadd.bf16 v24, v23;
	v23 =	vadd.bf16 v26, v25  }
0x198: {  	v25 =	vld [tilespmem:s29+$0x10810];
	_ =	sdelay $0x1  }
0x199: {  	v26 =	vld [tilespmem:s29+$0x10820];
	_ =	sdelay $0x1  }
0x19a: {  	v27 =	vld [tilespmem:s29+$0x10830]  }
0x19b: {  	v21 =	vadd.bf16 v25, v21  }
0x19c: {  	v25 =	vld [tilespmem:s29+$0x10840]  }
0x19d: {  	v20 =	vadd.bf16 v20, v24;
	v24 =	vld [tilespmem:s28+$0x10860];
	v21 =	vadd.bf16 v26, v21  }
0x19e: {  	v26 =	vld [tilespmem:s29+$0x10850]  }
0x19f: {  	v20 =	vadd.bf16 v22, v20;
	v22 =	vld [tilespmem:s28+$0x10870];
	v21 =	vadd.bf16 v27, v21  }
0x1a0: {  	v27 =	vld [tilespmem:s29+$0x10860]  }
0x1a1: {  	v19 =	vadd.bf16 v19, v20;
	v20 =	vadd.bf16 v25, v21  }
0x1a2: {  	s1 =	sor.u32 $0x4, s25;
	v18 =	vadd.bf16 v18, v23;
	v21 =	vld [tilespmem:s29+$0x10870]  }
0x1a3: {  	s28 =	smulhi.u32 $0x51EB851F, s1;
	v19 =	vadd.bf16 v24, v19;
	v20 =	vadd.bf16 v26, v20;
	_ =	sdelay $0x1  }
0x1a4: {  	v23 =	vunpack.i.l.bf16.f32 v18;
	s28 =	sshrl.u32 s28, $0x5;
	v19 =	vadd.bf16 v22, v19;
	v20 =	vadd.bf16 v27, v20  }
0x1a5: {  	v18 =	vunpack.i.u.bf16.f32 v18;
	v16 =	vadd.f32 v23, v16;
	s29 =	smul.u32 $0x1FFFF9C, s28  }
0x1a6: {  	v17 =	vadd.f32 v18, v17;
	v18 =	vunpack.i.l.bf16.f32 v19;
	v20 =	vadd.bf16 v21, v20  }
0x1a7: {  	v19 =	vunpack.i.u.bf16.f32 v19;
	s28 =	smul.u32 $0x3200, s28;
	v16 =	vadd.f32 v18, v16;
	s1 =	sadd.s32 s1, s29  }
0x1a8: {  	v17 =	vadd.f32 v19, v17;
	s1 =	sshll.u32 s1, $0x7;
	v18 =	vunpack.i.l.bf16.f32 v20  }
0x1a9: {  	s28 =	sshra.s32 s28, $0x2;
	s1 =	sshra.s32 s1, $0x2;
	v19 =	vunpack.i.u.bf16.f32 v20;
	v16 =	vadd.f32 v18, v16  }
0x1aa: {  	s1 =	sadd.s32 s1, s28;
	v17 =	vadd.f32 v19, v17  }
0x1ab: {  	s28 =	sadd.s32 $0x14800, s1;
	[tilespmem:s1+$0x14800] =	vst v16  }
0x1ac: {  	s29 =	simm.s32 @!p0 $0xF800;
	s1 =	sadd.s32 @!p0 $0xB00, s26;
	[tilespmem:s28+$0x10] =	vst v17;
	s28 =	simm.s32 @!p0 $0x80  }
0x1ad: {  	[tilespmem:s29], [sflag:$0x4] =	stream.indirect.gather @!p0 [hbm4b:s3+s28], $0x10, s1, s28, $0xb8;
	[tilespmem:$0x16100] =	vst v63  }
0x1ae: {  	s1 =	sadd.s32 @!p0 $0xB80, s26;
	s29 =	simm.s32 @!p0 $0x10000  }
0x1af: {  	[tilespmem:s29], [sflag:$0x4] =	stream.indirect.gather @!p0 [hbm4b:s3+s28], $0x10, s1, s28, $0xb8;
	[tilespmem:$0x16100] =	vst v63  }
0x1b0: {  	_ =	swait.ge [sflag:s18], $0x800  }
0x1b1: {  	[sflag:s18] =	ssyncset.done $0x0  }
0x1b2: {  	[sflag:s18] =	ssyncadd.s32 $0xFFFFF800  }
0x1b3: {  	_ =	swait.ge [sflag:s18], $0x800  }
0x1b4: {  	[sflag:s18] =	ssyncset.done $0x0  }
0x1b5: {  	s31 =	simm.s32 $0x0;
	[sflag:s18] =	ssyncadd.s32 $0xFFFFF800  }
0x1b6: {  	v16 =	vld [tilespmem:s31+$0x11800]  }
0x1b7: {  	v17 =	vld [tilespmem:s31+$0x11810];
	_ =	sdelay $0x1  }
0x1b8: {  	v18 =	vld [tilespmem:s31+$0x11820];
	_ =	sdelay $0x1  }
0x1b9: {  	v19 =	vld [tilespmem:s31+$0x11830]  }
0x1ba: {  	s28 =	simm.s32 $0x80;
	v20 =	vld [tilespmem:s31+$0x11840];
	v16 =	vadd.bf16 v17, v16  }
0x1bb: {  	v21 =	vld [tilespmem:s28+$0x11800]  }
0x1bc: {  	v22 =	vld [tilespmem:s28+$0x11810];
	v16 =	vadd.bf16 v18, v16  }
0x1bd: {  	v17 =	vld [tilespmem:s31+$0x11850]  }
0x1be: {  	v24 =	vld [tilespmem:s28+$0x11820];
	v16 =	vadd.bf16 v19, v16  }
0x1bf: {  	v23 =	vld [tilespmem:s31+$0x11860]  }
0x1c0: {  	v18 =	vld [tilespmem:s31+$0x11870];
	v16 =	vadd.bf16 v20, v16  }
0x1c1: {  	v25 =	vadd.bf16 v22, v21;
	v20 =	vld [tilespmem:s28+$0x11830]  }
0x1c2: {  	s29 =	simm.s32 $0x100;
	v22 =	vld [tilespmem:s28+$0x11840];
	v17 =	vadd.bf16 v17, v16  }
0x1c3: {  	v21 =	vld [tilespmem:s29+$0x11800];
	v24 =	vadd.bf16 v24, v25  }
0x1c4: {  	s1 =	simm.s32 $0x600;
	v19 =	vld [tilespmem:s28+$0x11850];
	v16 =	vimm.f32 $0.0e+00;
	v23 =	vadd.bf16 v23, v17;
	v17 =	vimm.f32 $0.0e+00  }
.LBB2_15:
0x1c5: {  	p1 =	sne.s32 s1, $0x3E00;
	v25 =	vld [tilespmem:s29+$0x11810]  }
0x1c6: {  	v20 =	vadd.bf16 v20, v24;
	v26 =	vld [tilespmem:s28+$0x11860];
	v23 =	vadd.bf16 v18, v23  }
0x1c7: {  	v24 =	vld [tilespmem:s29+$0x11820]  }
.Ltmp8:
0x1c8: {  	v22 =	vadd.bf16 v22, v20;
	v18 =	vld [tilespmem:s28+$0x11870];
	v27 =	vunpack.i.u.bf16.f32 v23;
	v23 =	vunpack.i.l.bf16.f32 v23;
	s28 =	smov.u32 s29;
	(pc) =	sbr.rel @p1 .LBB2_15-.Ltmp8, $4  }
0x1c9: {  	v20 =	vld [tilespmem:s28+$0x11830];
	v16 =	vadd.f32 v23, v16;
	v17 =	vadd.f32 v27, v17  }
0x1ca: {  	v23 =	vadd.bf16 v25, v21;
	v25 =	vadd.bf16 v19, v22;
	v19 =	vld [tilespmem:s28+$0x11850]  }
0x1cb: {  	s29 =	sshra.s32 s1, $0x2;
	v22 =	vld [tilespmem:s28+$0x11840]  }
0x1cc: {  	s1 =	sadd.s32 $0x200, s1;
	v21 =	vld [tilespmem:s29+$0x11800];
	v24 =	vadd.bf16 v24, v23;
	v23 =	vadd.bf16 v26, v25  }
0x1cd: {  	v25 =	vld [tilespmem:s29+$0x11810];
	_ =	sdelay $0x1  }
0x1ce: {  	v26 =	vld [tilespmem:s29+$0x11820];
	_ =	sdelay $0x1  }
0x1cf: {  	v27 =	vld [tilespmem:s29+$0x11830]  }
0x1d0: {  	v21 =	vadd.bf16 v25, v21  }
0x1d1: {  	v25 =	vld [tilespmem:s29+$0x11840]  }
0x1d2: {  	v20 =	vadd.bf16 v20, v24;
	v24 =	vld [tilespmem:s28+$0x11860];
	v21 =	vadd.bf16 v26, v21  }
0x1d3: {  	v26 =	vld [tilespmem:s29+$0x11850]  }
0x1d4: {  	v20 =	vadd.bf16 v22, v20;
	v22 =	vld [tilespmem:s28+$0x11870];
	v21 =	vadd.bf16 v27, v21  }
0x1d5: {  	v27 =	vld [tilespmem:s29+$0x11860]  }
0x1d6: {  	v19 =	vadd.bf16 v19, v20;
	v20 =	vadd.bf16 v25, v21  }
0x1d7: {  	s1 =	sor.u32 $0x5, s25;
	v18 =	vadd.bf16 v18, v23;
	v21 =	vld [tilespmem:s29+$0x11870]  }
0x1d8: {  	s28 =	smulhi.u32 $0x51EB851F, s1;
	v19 =	vadd.bf16 v24, v19;
	v20 =	vadd.bf16 v26, v20;
	_ =	sdelay $0x1  }
0x1d9: {  	v23 =	vunpack.i.l.bf16.f32 v18;
	s28 =	sshrl.u32 s28, $0x5;
	v19 =	vadd.bf16 v22, v19;
	v20 =	vadd.bf16 v27, v20  }
0x1da: {  	v18 =	vunpack.i.u.bf16.f32 v18;
	v16 =	vadd.f32 v23, v16;
	s29 =	smul.u32 $0x1FFFF9C, s28  }
0x1db: {  	v17 =	vadd.f32 v18, v17;
	v18 =	vunpack.i.l.bf16.f32 v19;
	v20 =	vadd.bf16 v21, v20  }
0x1dc: {  	v19 =	vunpack.i.u.bf16.f32 v19;
	s28 =	smul.u32 $0x3200, s28;
	v16 =	vadd.f32 v18, v16;
	s1 =	sadd.s32 s1, s29  }
0x1dd: {  	v17 =	vadd.f32 v19, v17;
	s1 =	sshll.u32 s1, $0x7;
	v18 =	vunpack.i.l.bf16.f32 v20  }
0x1de: {  	s28 =	sshra.s32 s28, $0x2;
	s1 =	sshra.s32 s1, $0x2;
	v19 =	vunpack.i.u.bf16.f32 v20;
	v16 =	vadd.f32 v18, v16  }
0x1df: {  	s1 =	sadd.s32 s1, s28;
	v17 =	vadd.f32 v19, v17  }
0x1e0: {  	s28 =	sadd.s32 $0x14800, s1;
	[tilespmem:s1+$0x14800] =	vst v16  }
0x1e1: {  	s29 =	simm.s32 @!p0 $0x10800;
	s1 =	sadd.s32 @!p0 $0xC00, s26;
	[tilespmem:s28+$0x10] =	vst v17;
	s28 =	simm.s32 @!p0 $0x80  }
0x1e2: {  	[tilespmem:s29], [sflag:$0x5] =	stream.indirect.gather @!p0 [hbm4b:s3+s28], $0x10, s1, s28, $0xb8;
	[tilespmem:$0x16100] =	vst v63  }
0x1e3: {  	s1 =	sadd.s32 @!p0 $0xC80, s26;
	s29 =	simm.s32 @!p0 $0x11000  }
0x1e4: {  	[tilespmem:s29], [sflag:$0x5] =	stream.indirect.gather @!p0 [hbm4b:s3+s28], $0x10, s1, s28, $0xb8;
	[tilespmem:$0x16100] =	vst v63  }
0x1e5: {  	_ =	swait.ge [sflag:s19], $0x800  }
0x1e6: {  	[sflag:s19] =	ssyncset.done $0x0  }
0x1e7: {  	[sflag:s19] =	ssyncadd.s32 $0xFFFFF800  }
0x1e8: {  	_ =	swait.ge [sflag:s19], $0x800  }
0x1e9: {  	[sflag:s19] =	ssyncset.done $0x0  }
0x1ea: {  	s31 =	simm.s32 $0x0;
	[sflag:s19] =	ssyncadd.s32 $0xFFFFF800  }
0x1eb: {  	v16 =	vld [tilespmem:s31+$0x12800]  }
0x1ec: {  	v17 =	vld [tilespmem:s31+$0x12810];
	_ =	sdelay $0x1  }
0x1ed: {  	v18 =	vld [tilespmem:s31+$0x12820];
	_ =	sdelay $0x1  }
0x1ee: {  	v19 =	vld [tilespmem:s31+$0x12830]  }
0x1ef: {  	s28 =	simm.s32 $0x80;
	v20 =	vld [tilespmem:s31+$0x12840];
	v16 =	vadd.bf16 v17, v16  }
0x1f0: {  	v21 =	vld [tilespmem:s28+$0x12800]  }
0x1f1: {  	v22 =	vld [tilespmem:s28+$0x12810];
	v16 =	vadd.bf16 v18, v16  }
0x1f2: {  	v17 =	vld [tilespmem:s31+$0x12850]  }
0x1f3: {  	v24 =	vld [tilespmem:s28+$0x12820];
	v16 =	vadd.bf16 v19, v16  }
0x1f4: {  	v23 =	vld [tilespmem:s31+$0x12860]  }
0x1f5: {  	v18 =	vld [tilespmem:s31+$0x12870];
	v16 =	vadd.bf16 v20, v16  }
0x1f6: {  	v25 =	vadd.bf16 v22, v21;
	v20 =	vld [tilespmem:s28+$0x12830]  }
0x1f7: {  	s29 =	simm.s32 $0x100;
	v22 =	vld [tilespmem:s28+$0x12840];
	v17 =	vadd.bf16 v17, v16  }
0x1f8: {  	v21 =	vld [tilespmem:s29+$0x12800];
	v24 =	vadd.bf16 v24, v25  }
0x1f9: {  	s1 =	simm.s32 $0x600;
	v19 =	vld [tilespmem:s28+$0x12850];
	v16 =	vimm.f32 $0.0e+00;
	v23 =	vadd.bf16 v23, v17;
	v17 =	vimm.f32 $0.0e+00  }
.LBB2_17:
0x1fa: {  	p1 =	sne.s32 s1, $0x3E00;
	v25 =	vld [tilespmem:s29+$0x12810]  }
0x1fb: {  	v20 =	vadd.bf16 v20, v24;
	v26 =	vld [tilespmem:s28+$0x12860];
	v23 =	vadd.bf16 v18, v23  }
0x1fc: {  	v24 =	vld [tilespmem:s29+$0x12820]  }
.Ltmp9:
0x1fd: {  	v22 =	vadd.bf16 v22, v20;
	v18 =	vld [tilespmem:s28+$0x12870];
	v27 =	vunpack.i.u.bf16.f32 v23;
	v23 =	vunpack.i.l.bf16.f32 v23;
	s28 =	smov.u32 s29;
	(pc) =	sbr.rel @p1 .LBB2_17-.Ltmp9, $4  }
0x1fe: {  	v20 =	vld [tilespmem:s28+$0x12830];
	v16 =	vadd.f32 v23, v16;
	v17 =	vadd.f32 v27, v17  }
0x1ff: {  	v23 =	vadd.bf16 v25, v21;
	v25 =	vadd.bf16 v19, v22;
	v19 =	vld [tilespmem:s28+$0x12850]  }
0x200: {  	s29 =	sshra.s32 s1, $0x2;
	v22 =	vld [tilespmem:s28+$0x12840]  }
0x201: {  	s1 =	sadd.s32 $0x200, s1;
	v21 =	vld [tilespmem:s29+$0x12800];
	v24 =	vadd.bf16 v24, v23;
	v23 =	vadd.bf16 v26, v25  }
0x202: {  	v25 =	vld [tilespmem:s29+$0x12810];
	_ =	sdelay $0x1  }
0x203: {  	v26 =	vld [tilespmem:s29+$0x12820];
	_ =	sdelay $0x1  }
0x204: {  	v27 =	vld [tilespmem:s29+$0x12830]  }
0x205: {  	v21 =	vadd.bf16 v25, v21  }
0x206: {  	v25 =	vld [tilespmem:s29+$0x12840]  }
0x207: {  	v20 =	vadd.bf16 v20, v24;
	v24 =	vld [tilespmem:s28+$0x12860];
	v21 =	vadd.bf16 v26, v21  }
0x208: {  	v26 =	vld [tilespmem:s29+$0x12850]  }
0x209: {  	v20 =	vadd.bf16 v22, v20;
	v22 =	vld [tilespmem:s28+$0x12870];
	v21 =	vadd.bf16 v27, v21  }
0x20a: {  	v27 =	vld [tilespmem:s29+$0x12860]  }
0x20b: {  	v19 =	vadd.bf16 v19, v20;
	v20 =	vadd.bf16 v25, v21  }
0x20c: {  	s1 =	sor.u32 $0x6, s25;
	v18 =	vadd.bf16 v18, v23;
	v21 =	vld [tilespmem:s29+$0x12870]  }
0x20d: {  	s25 =	smulhi.u32 $0x51EB851F, s1;
	v19 =	vadd.bf16 v24, v19;
	v20 =	vadd.bf16 v26, v20;
	_ =	sdelay $0x1  }
0x20e: {  	v23 =	vunpack.i.l.bf16.f32 v18;
	s25 =	sshrl.u32 s25, $0x5;
	v19 =	vadd.bf16 v22, v19;
	v20 =	vadd.bf16 v27, v20  }
0x20f: {  	v18 =	vunpack.i.u.bf16.f32 v18;
	v16 =	vadd.f32 v23, v16;
	s30 =	smul.u32 $0x1FFFF9C, s25  }
0x210: {  	v17 =	vadd.f32 v18, v17;
	v18 =	vunpack.i.l.bf16.f32 v19;
	v20 =	vadd.bf16 v21, v20  }
0x211: {  	s25 =	smul.u32 $0x3200, s25;
	s1 =	sadd.s32 s1, s30;
	v19 =	vunpack.i.u.bf16.f32 v19;
	v16 =	vadd.f32 v18, v16  }
0x212: {  	s1 =	sshll.u32 s1, $0x7;
	v17 =	vadd.f32 v19, v17;
	v18 =	vunpack.i.l.bf16.f32 v20  }
0x213: {  	s25 =	sshra.s32 s25, $0x2;
	s1 =	sshra.s32 s1, $0x2;
	v19 =	vunpack.i.u.bf16.f32 v20;
	v16 =	vadd.f32 v18, v16  }
0x214: {  	s1 =	sadd.s32 s1, s25;
	v17 =	vadd.f32 v19, v17  }
0x215: {  	s25 =	sadd.s32 $0x14800, s1;
	[tilespmem:s1+$0x14800] =	vst v16  }
0x216: {  	s28 =	simm.s32 @!p0 $0x11800;
	s1 =	sadd.s32 @!p0 $0xD00, s26;
	[tilespmem:s25+$0x10] =	vst v17;
	s25 =	simm.s32 @!p0 $0x80  }
0x217: {  	[tilespmem:s28], [sflag:$0x6] =	stream.indirect.gather @!p0 [hbm4b:s3+s25], $0x10, s1, s25, $0xb8;
	[tilespmem:$0x16100] =	vst v63  }
0x218: {  	s1 =	sadd.s32 @!p0 $0xD80, s26;
	s26 =	simm.s32 @!p0 $0x12000  }
0x219: {  	[tilespmem:s26], [sflag:$0x6] =	stream.indirect.gather @!p0 [hbm4b:s3+s25], $0x10, s1, s25, $0xb8;
	[tilespmem:$0x16100] =	vst v63  }
0x21a: {  	_ =	swait.ge [sflag:s20], $0x800  }
0x21b: {  	[sflag:s20] =	ssyncset.done $0x0  }
0x21c: {  	[sflag:s20] =	ssyncadd.s32 $0xFFFFF800  }
0x21d: {  	_ =	swait.ge [sflag:s20], $0x800  }
0x21e: {  	[sflag:s20] =	ssyncset.done $0x0  }
0x21f: {  	s31 =	simm.s32 $0x0;
	[sflag:s20] =	ssyncadd.s32 $0xFFFFF800  }
0x220: {  	v16 =	vld [tilespmem:s31+$0x13800]  }
0x221: {  	v17 =	vld [tilespmem:s31+$0x13810];
	_ =	sdelay $0x1  }
0x222: {  	v18 =	vld [tilespmem:s31+$0x13820];
	_ =	sdelay $0x1  }
0x223: {  	v19 =	vld [tilespmem:s31+$0x13830]  }
0x224: {  	s25 =	simm.s32 $0x80;
	v20 =	vld [tilespmem:s31+$0x13840];
	v16 =	vadd.bf16 v17, v16  }
0x225: {  	v21 =	vld [tilespmem:s25+$0x13800]  }
0x226: {  	v22 =	vld [tilespmem:s25+$0x13810];
	v16 =	vadd.bf16 v18, v16  }
0x227: {  	v17 =	vld [tilespmem:s31+$0x13850]  }
0x228: {  	v24 =	vld [tilespmem:s25+$0x13820];
	v16 =	vadd.bf16 v19, v16  }
0x229: {  	v23 =	vld [tilespmem:s31+$0x13860]  }
0x22a: {  	v18 =	vld [tilespmem:s31+$0x13870];
	v16 =	vadd.bf16 v20, v16  }
0x22b: {  	v25 =	vadd.bf16 v22, v21;
	v20 =	vld [tilespmem:s25+$0x13830]  }
0x22c: {  	s26 =	simm.s32 $0x100;
	v22 =	vld [tilespmem:s25+$0x13840];
	v17 =	vadd.bf16 v17, v16  }
0x22d: {  	v21 =	vld [tilespmem:s26+$0x13800];
	v24 =	vadd.bf16 v24, v25  }
0x22e: {  	s1 =	simm.s32 $0x600;
	v19 =	vld [tilespmem:s25+$0x13850];
	v16 =	vimm.f32 $0.0e+00;
	v23 =	vadd.bf16 v23, v17;
	v17 =	vimm.f32 $0.0e+00  }
.LBB2_19:
0x22f: {  	p1 =	sne.s32 s1, $0x3E00;
	v25 =	vld [tilespmem:s26+$0x13810]  }
0x230: {  	v20 =	vadd.bf16 v20, v24;
	v26 =	vld [tilespmem:s25+$0x13860];
	v23 =	vadd.bf16 v18, v23  }
0x231: {  	v24 =	vld [tilespmem:s26+$0x13820]  }
.Ltmp10:
0x232: {  	v22 =	vadd.bf16 v22, v20;
	v18 =	vld [tilespmem:s25+$0x13870];
	v27 =	vunpack.i.u.bf16.f32 v23;
	v23 =	vunpack.i.l.bf16.f32 v23;
	s25 =	smov.u32 s26;
	(pc) =	sbr.rel @p1 .LBB2_19-.Ltmp10, $4  }
0x233: {  	v20 =	vld [tilespmem:s25+$0x13830];
	v16 =	vadd.f32 v23, v16;
	v17 =	vadd.f32 v27, v17  }
0x234: {  	v23 =	vadd.bf16 v25, v21;
	v25 =	vadd.bf16 v19, v22;
	v19 =	vld [tilespmem:s25+$0x13850]  }
0x235: {  	s26 =	sshra.s32 s1, $0x2;
	v22 =	vld [tilespmem:s25+$0x13840]  }
0x236: {  	s1 =	sadd.s32 $0x200, s1;
	v21 =	vld [tilespmem:s26+$0x13800];
	v24 =	vadd.bf16 v24, v23;
	v23 =	vadd.bf16 v26, v25  }
0x237: {  	v25 =	vld [tilespmem:s26+$0x13810];
	_ =	sdelay $0x1  }
0x238: {  	v26 =	vld [tilespmem:s26+$0x13820];
	_ =	sdelay $0x1  }
0x239: {  	v27 =	vld [tilespmem:s26+$0x13830]  }
0x23a: {  	v21 =	vadd.bf16 v25, v21  }
0x23b: {  	v54 =	vld [tilespmem:s26+$0x13840]  }
0x23c: {  	v55 =	vld [tilespmem:s25+$0x13860];
	v20 =	vadd.bf16 v20, v24;
	v21 =	vadd.bf16 v26, v21  }
0x23d: {  	v56 =	vld [tilespmem:s26+$0x13850]  }
0x23e: {  	v57 =	vld [tilespmem:s25+$0x13870];
	v20 =	vadd.bf16 v22, v20;
	v21 =	vadd.bf16 v27, v21  }
0x23f: {  	v58 =	vld [tilespmem:s26+$0x13860]  }
0x240: {  	v19 =	vadd.bf16 v19, v20;
	v59 =	vadd.bf16 v54, v21  }
0x241: {  	v60 =	vld [tilespmem:s26+$0x13870];
	v18 =	vadd.bf16 v18, v23  }
0x242: {  	s1 =	smulhi.u32 $0x51EB851F, s24;
	v19 =	vadd.bf16 v55, v19;
	v20 =	vadd.bf16 v56, v59;
	_ =	sdelay $0x1  }
0x243: {  	s1 =	sshrl.u32 s1, $0x5;
	v23 =	vunpack.i.l.bf16.f32 v18;
	v19 =	vadd.bf16 v57, v19;
	v20 =	vadd.bf16 v58, v20  }
0x244: {  	v18 =	vunpack.i.u.bf16.f32 v18;
	s30 =	smul.u32 $0x1FFFF9C, s1;
	v16 =	vadd.f32 v23, v16  }
0x245: {  	v17 =	vadd.f32 v18, v17;
	v61 =	vunpack.i.l.bf16.f32 v19;
	v20 =	vadd.bf16 v60, v20  }
0x246: {  	s1 =	smul.u32 $0x3200, s1;
	s31 =	sadd.s32 s24, s30;
	v19 =	vunpack.i.u.bf16.f32 v19;
	v16 =	vadd.f32 v61, v16  }
.Ltmp11:
0x247: {  	s24 =	sshll.u32 s31, $0x7;
	v17 =	vadd.f32 v19, v17;
	v62 =	vunpack.i.l.bf16.f32 v20;
	(pc) =	sbr.rel @p0 .LBB2_22-.Ltmp11, $4  }
0x248: {  	s1 =	sshra.s32 s1, $0x2;
	s24 =	sshra.s32 s24, $0x2;
	v63 =	vunpack.i.u.bf16.f32 v20;
	v16 =	vadd.f32 v62, v16  }
0x249: {  	s1 =	sadd.s32 s24, s1;
	v17 =	vadd.f32 v63, v17  }
0x24a: {  	s24 =	sadd.s32 $0x14800, s1;
	[tilespmem:s1+$0x14800] =	vst v16  }
0x24b: {  	[tilespmem:s24+$0x10] =	vst v17  }
0x24c: {  	s1 =	sshll.u32 s23, $0xB  }
.Ltmp12:
0x24d: {  	s1 =	sand.u32 $0x3FFFF800, s1;
	(pc) =	sbr.rel .LBB2_4-.Ltmp12, $4  }
0x24e: {  	s24 =	sadd.s32 $0xE00, s1  }
0x24f: {  	[tilespmem:s0], [sflag:$0x7] =	stream.indirect.gather [hbm4b:s3+s8], $0x10, s24, s8, $0xb8;
	[tilespmem:$0x16100] =	vst v63  }
0x250: {  	s23 =	sadd.s32 $0x1, s23;
	s1 =	sadd.s32 $0xE80, s1  }
0x251: {  	[tilespmem:s10], [sflag:$0x7] =	stream.indirect.gather [hbm4b:s3+s8], $0x10, s1, s8, $0xb8;
	[tilespmem:$0x16100] =	vst v63  }
.LBB2_23:
0x252: {  	_ =	sfence.sel $0x180000  }
0x253: {  	[bflag:$0x0] =	sbarrier.arrive $0xFFFF  }
0x254: {  	_ =	strace $0x90000047  }
0x255: {  	s0 =	stileid.u32;
	[bflag:$0x2] =	sbarrier.arrive $0xFFFF  }
0x256: {  	p0 =	sne.s32 s0, $0x0;
	s0 =	rddreg [dreg:$0x2]  }
0x257: {  	s0 =	sadd.s32 @!p0 $0x100000, s0  }
0x258: {  	[sflag:s0] =	ssyncadd.tile.s32 @!p0 $0x1;
	_ =	shalt  }
.Lfunc_end2:
_tile_overlayer_lowered:
.L_overlay_start_2:
0x259: {  	(tag) =	ssettag $0x2  }
0x25a: {  	s0 =	rddreg [dreg:$0x0];
	s2 =	stileid.u32  }
0x25b: {  	s1 =	rddreg [dreg:$0x1];
	p0 =	sne.s32 s2, $0x0  }
0x25c: {  	s3 =	rddreg [dreg:$0x2];
	[bflag:$0x3] =	sbarrier.arrive $0xFFFF;
	s2 =	simm.s32 @!p0 $0x1C09  }
0x25d: {  	[timem:s3], [sflag:s2] =	dma.local @!p0 [hbm:s0], s1  }
0x25e: {  	s0 =	simm.s32 @!p0 $0x9  }
0x25f: {  	_ =	swait.ge @!p0 [sflag:s0], s1  }
0x260: {  	s1 =	ssub.s32 @!p0 $0x0, s1;
	[sflag:s0] =	ssyncset.done @!p0 $0x0  }
0x261: {  	[sflag:s0] =	ssyncadd.s32 @!p0 s1  }
0x262: {  	[bflag:$0x3] =	sbarrier.arrive $0xFFFF  }
0x263: {  	_ =	shalt  }

</sc_bundles>
